<compile_context>
chip_gen: v7x
topology: tpu7x:2x2x1
jax: 0.10.2.dev20260603
libtpu: 0.0.44.dev20260713+nightly
codegen_flags: <defaults>
</compile_context>

<pallas_src>
import functools

import jax
import jax.numpy as jnp
from jax import lax
from jax.experimental import pallas as pl
from jax.experimental.pallas import tpu as pltpu
from jax.experimental.pallas import tpu_sc as plsc

VOCAB = 100000
EMBED = 64
BATCH = 16384
CTX = 20

NUM_CORES = 2
NUM_SUBCORES = 16
NW = NUM_CORES * NUM_SUBCORES
PER_W = BATCH // NW
CH = 32
N_CHUNKS = PER_W // CH
LANES = 16
NV = EMBED // LANES


def _sc_pool(ids_flat, context_table):
  mesh = plsc.VectorSubcoreMesh(core_axis_name="c", subcore_axis_name="s")

  @functools.partial(
      pl.kernel,
      out_type=(jax.ShapeDtypeStruct((BATCH, EMBED), jnp.float32),
                jax.ShapeDtypeStruct((BATCH,), jnp.float32)),
      mesh=mesh,
      compiler_params=pltpu.CompilerParams(needs_layout_passes=False,
                                           use_tc_tiling_on_sc=False),
      scratch_types=[
          pltpu.VMEM((2, CH * CTX), jnp.int32),
          pltpu.VMEM((2, CH * CTX, EMBED), jnp.float32),
          pltpu.VMEM((EMBED,), jnp.float32),
          pltpu.VMEM((CH, EMBED), jnp.float32),
          pltpu.VMEM((PER_W,), jnp.float32),
          pltpu.SemaphoreType.DMA,
          pltpu.SemaphoreType.DMA,
      ],
  )
  def kern(ids_hbm, ctab_hbm, sums_hbm, cnt_hbm,
           idx_v, rows_v, row0_v, sum_v, cn_v, sem1a, sem1b):
    wid = lax.axis_index("s") * NUM_CORES + lax.axis_index("c")
    wbase = wid * PER_W
    lanes = lax.iota(jnp.int32, LANES)
    ones = jnp.ones((LANES,), jnp.int32)
    zeros = jnp.zeros((LANES,), jnp.int32)

    pltpu.sync_copy(ctab_hbm.at[0], row0_v)
    row0 = tuple(row0_v[pl.ds(v * LANES, LANES)] for v in range(NV))

    bufs = [(idx_v.at[0], rows_v.at[0], sem1a),
            (idx_v.at[1], rows_v.at[1], sem1b)]

    def issue(c, buf):
      idx, rows, s1 = buf
      ebase = wbase + c * CH
      pltpu.sync_copy(ids_hbm.at[pl.ds(ebase * CTX, CH * CTX)], idx)
      pltpu.async_copy(ctab_hbm.at[idx], rows, s1)

    def compute(c, buf):
      idx, rows, s1 = buf
      pltpu.make_async_copy(ctab_hbm.at[idx], rows, s1).wait()
      ebase = wbase + c * CH

      def g_body(g, carry):
        def e_body(k, cvec):
          e = g * LANES + k

          accs = [jnp.zeros((LANES,), jnp.float32) for _ in range(NV)]
          for j in range(CTX):
            r = e * CTX + j
            for v in range(NV):
              accs[v] = accs[v] + rows[r, pl.ds(v * LANES, LANES)]

          v1 = idx[pl.ds(e * CTX, LANES)]
          v2 = idx[pl.ds(e * CTX + 4, LANES)]
          nz = (jnp.where(v1 == 0, ones, zeros)
                + jnp.where((v2 == 0) & (lanes >= 12), ones, zeros))
          n0f = jnp.sum(nz).astype(jnp.float32)

          for v in range(NV):
            sum_v[e, pl.ds(v * LANES, LANES)] = accs[v] - n0f * row0[v]
          cnt = jnp.float32(CTX) - n0f
          return jnp.where(lanes == k, jnp.full((LANES,), cnt), cvec)

        cvec = lax.fori_loop(0, LANES, e_body,
                             jnp.zeros((LANES,), jnp.float32))
        cn_v[pl.ds(c * CH + g * LANES, LANES)] = cvec
        return carry

      lax.fori_loop(0, CH // LANES, g_body, 0)
      pltpu.sync_copy(sum_v, sums_hbm.at[pl.ds(ebase, CH), :])

    issue(0, bufs[0])

    def pair_body(i, carry):
      c0 = 2 * i
      issue(c0 + 1, bufs[1])
      compute(c0, bufs[0])

      @pl.when(i < N_CHUNKS // 2 - 1)
      def _():
        issue(c0 + 2, bufs[0])

      compute(c0 + 1, bufs[1])
      return carry

    lax.fori_loop(0, N_CHUNKS // 2, pair_body, 0)
    pltpu.sync_copy(cn_v, cnt_hbm.at[pl.ds(wbase, PER_W)])

  return kern(ids_flat, context_table)


def _sc_dot(sums, cnt, center_ids, center_table):
  mesh = plsc.VectorSubcoreMesh(core_axis_name="c", subcore_axis_name="s")

  @functools.partial(
      pl.kernel,
      out_type=jax.ShapeDtypeStruct((BATCH,), jnp.float32),
      mesh=mesh,
      compiler_params=pltpu.CompilerParams(needs_layout_passes=False,
                                           use_tc_tiling_on_sc=False),
      scratch_types=[
          pltpu.VMEM((2, CH), jnp.int32),
          pltpu.VMEM((2, CH, EMBED), jnp.float32),
          pltpu.VMEM((2, CH, EMBED), jnp.float32),
          pltpu.VMEM((2, CH), jnp.float32),
          pltpu.VMEM((PER_W,), jnp.float32),
          pltpu.SemaphoreType.DMA,
          pltpu.SemaphoreType.DMA,
          pltpu.SemaphoreType.DMA,
          pltpu.SemaphoreType.DMA,
      ],
  )
  def kern(sums_hbm, cnt_hbm, cids_hbm, gtab_hbm, out_hbm,
           cidx_v, crows_v, sums_v, cn_v, sc_v, sa, sb, ta, tb):
    wid = lax.axis_index("s") * NUM_CORES + lax.axis_index("c")
    wbase = wid * PER_W
    lanes = lax.iota(jnp.int32, LANES)

    bufs = [(cidx_v.at[0], crows_v.at[0], sums_v.at[0], cn_v.at[0], sa, ta),
            (cidx_v.at[1], crows_v.at[1], sums_v.at[1], cn_v.at[1], sb, tb)]

    def issue(c, buf):
      cidx, crows, sm, cn, s1, s2 = buf
      ebase = wbase + c * CH
      pltpu.sync_copy(cids_hbm.at[pl.ds(ebase, CH)], cidx)
      pltpu.sync_copy(cnt_hbm.at[pl.ds(ebase, CH)], cn)
      pltpu.async_copy(gtab_hbm.at[cidx], crows, s1)
      pltpu.async_copy(sums_hbm.at[pl.ds(ebase, CH), :], sm, s2)

    def compute(c, buf):
      cidx, crows, sm, cn, s1, s2 = buf
      pltpu.make_async_copy(gtab_hbm.at[cidx], crows, s1).wait()
      ebase = wbase + c * CH
      pltpu.make_async_copy(sums_hbm.at[pl.ds(ebase, CH), :], sm, s2).wait()

      def g_body(g, carry):
        def e_body(k, dvec):
          e = g * LANES + k
          t = jnp.zeros((LANES,), jnp.float32)
          for v in range(NV):
            t = t + (sm[e, pl.ds(v * LANES, LANES)]
                     * crows[e, pl.ds(v * LANES, LANES)])
          d = jnp.sum(t)
          return jnp.where(lanes == k, jnp.full((LANES,), d), dvec)

        dvec = lax.fori_loop(0, LANES, e_body,
                             jnp.zeros((LANES,), jnp.float32))
        cvec = cn[pl.ds(g * LANES, LANES)]
        sc_v[pl.ds(c * CH + g * LANES, LANES)] = dvec / cvec
        return carry

      lax.fori_loop(0, CH // LANES, g_body, 0)

    issue(0, bufs[0])

    def pair_body(i, carry):
      c0 = 2 * i
      issue(c0 + 1, bufs[1])
      compute(c0, bufs[0])

      @pl.when(i < N_CHUNKS // 2 - 1)
      def _():
        issue(c0 + 2, bufs[0])

      compute(c0 + 1, bufs[1])
      return carry

    lax.fori_loop(0, N_CHUNKS // 2, pair_body, 0)
    pltpu.sync_copy(sc_v, out_hbm.at[pl.ds(wbase, PER_W)])

  return kern(sums, cnt, center_ids, center_table)


def _tc_loss(scores, labels):
  s2 = scores.reshape(128, 128)
  y2 = labels.reshape(128, 128)

  def body(s_ref, y_ref, o_ref):
    s = s_ref[...]
    y = y_ref[...]
    p = jax.nn.sigmoid(s)
    loss = -(y * jnp.log(p + 1e-08) + (1.0 - y) * jnp.log(1.0 - p + 1e-08))
    o_ref[0, 0] = jnp.sum(loss) / jnp.float32(BATCH)

  out = pl.pallas_call(
      body,
      out_shape=jax.ShapeDtypeStruct((1, 1), jnp.float32),
      out_specs=pl.BlockSpec(memory_space=pltpu.SMEM),
  )(s2, y2)
  return out[0, 0]


@jax.jit
def kernel(context_ids, center_ids, labels, context_table, center_table):
  ids = context_ids.astype(jnp.int32).reshape(BATCH * CTX)
  cids = center_ids.astype(jnp.int32)
  sums, cnt = _sc_pool(ids, context_table.astype(jnp.float32))
  scores = _sc_dot(sums, cnt, cids, center_table.astype(jnp.float32))
  return _tc_loss(scores, labels.astype(jnp.float32))

# --- scband reference (transcript-rebuilt; emitter-appended) ---
"""Pipeline reference for scband-cbowmodel-16673063043149 (READ-ONLY COPY).

The authoritative reference and input builder live on the scoring server;
editing this copy changes nothing except your own understanding.
"""

import jax, jax.numpy as jnp
import numpy as np

VOCAB = 100000
EMBED = 64
B = 16384
L = 20

def setup_inputs(seed: int = 0) -> dict:
    key = jax.random.key(seed)
    k1, k2, k3, k4, k5 = jax.random.split(key, 5)
    context_ids = jax.random.randint(k1, (B, L), 0, VOCAB, dtype=jnp.int64) if jax.config.jax_enable_x64 else jax.random.randint(k1, (B, L), 0, VOCAB).astype(jnp.int32)
    center_ids = jax.random.randint(k2, (B,), 0, VOCAB).astype(jnp.int32)
    labels = jax.random.uniform(k3, (B,), dtype=jnp.float32)
    context_table = jax.random.normal(k4, (VOCAB, EMBED), dtype=jnp.float32) * 0.02
    center_table = jax.random.normal(k5, (VOCAB, EMBED), dtype=jnp.float32) * 0.02
    return {
        "context_ids": context_ids,
        "center_ids": center_ids,
        "labels": labels,
        "context_table": context_table,
        "center_table": center_table,
    }

def reference(context_ids, center_ids, labels, context_table, center_table):
    # context embedding lookup: [B, L, D]
    context_embeds = jnp.take(context_table, context_ids, axis=0)
    # mask out padding id 0
    mask = (context_ids != 0).astype(jnp.float32)[..., None]  # [B, L, 1]
    masked_embeds = context_embeds * mask
    context_mean = jnp.sum(masked_embeds, axis=1) / jnp.sum(mask, axis=1)  # [B, D]
    # center embedding lookup: [B, D]
    center_embeds = jnp.take(center_table, center_ids, axis=0)
    scores = jnp.sum(context_mean * center_embeds, axis=1)  # [B]
    probs = jax.nn.sigmoid(scores)
    loss = -(labels * jnp.log(probs + 1e-08) + (1.0 - labels) * jnp.log(1.0 - probs + 1e-08))
    return loss.mean()

if __name__ == "__main__":
    import jax
    _d = setup_inputs()
    print(jax.jit(kernel)(*tuple(_d.values())))

</pallas_src>

<mosaic_0001>
#map = affine_map<(d0, d1) -> (0)>
#map1 = affine_map<(d0, d1) -> (0, 0)>
module attributes {stable_mosaic.version = 14 : i64} {
  func.func @kern(%arg0: i32, %arg1: i32, %arg2: memref<327680xi32, #tpu.memory_space<hbm>>, %arg3: memref<100000x64xf32, #tpu.memory_space<hbm>>, %arg4: memref<16384x64xf32, #tpu.memory_space<hbm>>, %arg5: memref<16384xf32, #tpu.memory_space<hbm>>, %arg6: memref<2x640xi32, #tpu.memory_space<vmem>>, %arg7: memref<2x640x64xf32, #tpu.memory_space<vmem>>, %arg8: memref<64xf32, #tpu.memory_space<vmem>>, %arg9: memref<32x64xf32, #tpu.memory_space<vmem>>, %arg10: memref<512xf32, #tpu.memory_space<vmem>>, %arg11: memref<!tpu.dma_semaphore, #tpu.memory_space<semaphore_mem>>, %arg12: memref<!tpu.dma_semaphore, #tpu.memory_space<semaphore_mem>>) attributes {dimension_semantics = [#tpu.dimension_semantics<core_parallel>, #tpu.dimension_semantics<subcore_parallel>], iteration_bounds = array<i64: 2, 16>, scalar_prefetch = 0 : i64, scratch_operands = 7 : i64, tpu.core_type = #tpu.core_type<sc_vector_subcore>, window_params = [{transform_indices = #map}, {transform_indices = #map1}, {transform_indices = #map1}, {transform_indices = #map}]} {
    %mul3A = arith.constant 2 : i32
    %mul3A_0 = arith.muli %arg1, %mul3A : i32
    %add3A = arith.addi %mul3A_0, %arg0 : i32
    %mul3A_1 = arith.constant 512 : i32
    %mul3A_2 = arith.muli %add3A, %mul3A_1 : i32
    %iota3A = tpu.iota {dimensions = array<i32: 0>} : vector<16xi32>
    %broadcast_in_dim3A = arith.constant 1 : i32
    %broadcast_in_dim3A_3 = vector.broadcast %broadcast_in_dim3A : i32 to vector<16xi32>
    %broadcast_in_dim3A_4 = arith.constant 0 : i32
    %broadcast_in_dim3A_5 = vector.broadcast %broadcast_in_dim3A_4 : i32 to vector<16xi32>
    %run_scoped3A = arith.constant 0 : i32
    "tpu.region"() ({
      %run_scoped3A_38 = tpu.sem_alloc : memref<!tpu.dma_semaphore, #tpu.memory_space<semaphore_mem>>
      %dma_start3A_39 = arith.constant 0 : i32
      %dma_start3A_40 = tpu.memref_slice %arg3[%run_scoped3A, %dma_start3A_39] : memref<100000x64xf32, #tpu.memory_space<hbm>> -> memref<1x64xf32, #tpu.memory_space<hbm>>
      %dma_start3A_41 = tpu.memref_squeeze %dma_start3A_40 : memref<1x64xf32, #tpu.memory_space<hbm>> -> memref<64xf32, #tpu.memory_space<hbm>>
      %dma_start3A_42 = arith.constant 0 : i32
      %dma_start3A_43 = tpu.memref_slice %arg3[%run_scoped3A, %dma_start3A_42] : memref<100000x64xf32, #tpu.memory_space<hbm>> -> memref<1x64xf32, #tpu.memory_space<hbm>>
      %dma_start3A_44 = tpu.memref_squeeze %dma_start3A_43 : memref<1x64xf32, #tpu.memory_space<hbm>> -> memref<64xf32, #tpu.memory_space<hbm>>
      tpu.enqueue_dma source(%dma_start3A_44 : memref<64xf32, #tpu.memory_space<hbm>>) target(%arg8 : memref<64xf32, #tpu.memory_space<vmem>>) target_semaphore(%run_scoped3A_38 : memref<!tpu.dma_semaphore, #tpu.memory_space<semaphore_mem>>)
      %dma_wait3A = arith.constant 0 : i32
      %dma_wait3A_45 = tpu.memref_slice %arg3[%run_scoped3A, %dma_wait3A] : memref<100000x64xf32, #tpu.memory_space<hbm>> -> memref<1x64xf32, #tpu.memory_space<hbm>>
      %dma_wait3A_46 = tpu.memref_squeeze %dma_wait3A_45 : memref<1x64xf32, #tpu.memory_space<hbm>> -> memref<64xf32, #tpu.memory_space<hbm>>
      %dma_wait3A_47 = arith.constant 0 : i32
      %dma_wait3A_48 = tpu.memref_slice %arg3[%run_scoped3A, %dma_wait3A_47] : memref<100000x64xf32, #tpu.memory_space<hbm>> -> memref<1x64xf32, #tpu.memory_space<hbm>>
      %dma_wait3A_49 = tpu.memref_squeeze %dma_wait3A_48 : memref<1x64xf32, #tpu.memory_space<hbm>> -> memref<64xf32, #tpu.memory_space<hbm>>
      tpu.wait_dma2 semaphore(%run_scoped3A_38 : memref<!tpu.dma_semaphore, #tpu.memory_space<semaphore_mem>>) src(%dma_wait3A_49 : memref<64xf32, #tpu.memory_space<hbm>>) dst(%arg8 : memref<64xf32, #tpu.memory_space<vmem>>)
      tpu.yield
    }) : () -> ()
    %get3A = arith.constant 0 : index
    %get3A_6 = tpu.vector_load %arg8[%get3A] {strides = array<i32>} : memref<64xf32, #tpu.memory_space<vmem>>, vector<16xf32>,
    %get3A_7 = arith.constant 16 : index
    %get3A_8 = tpu.vector_load %arg8[%get3A_7] {strides = array<i32>} : memref<64xf32, #tpu.memory_space<vmem>>, vector<16xf32>,
    %get3A_9 = arith.constant 32 : index
    %get3A_10 = tpu.vector_load %arg8[%get3A_9] {strides = array<i32>} : memref<64xf32, #tpu.memory_space<vmem>>, vector<16xf32>,
    %get3A_11 = arith.constant 48 : index
    %get3A_12 = tpu.vector_load %arg8[%get3A_11] {strides = array<i32>} : memref<64xf32, #tpu.memory_space<vmem>>, vector<16xf32>,
    %add3A_13 = arith.constant 0 : i32
    %add3A_14 = arith.addi %mul3A_2, %add3A_13 : i32
    %mul3A_15 = arith.constant 20 : i32
    %mul3A_16 = arith.muli %add3A_14, %mul3A_15 : i32
    %run_scoped3A_17 = arith.constant 0 : i32
    "tpu.region"() ({
      %run_scoped3A_38 = tpu.sem_alloc : memref<!tpu.dma_semaphore, #tpu.memory_space<semaphore_mem>>
      %dma_start3A_39 = arith.constant 0 : i32
      %dma_start3A_40 = tpu.memref_slice %arg6[%run_scoped3A_17, %dma_start3A_39] : memref<2x640xi32, #tpu.memory_space<vmem>> -> memref<1x640xi32, #tpu.memory_space<vmem>>
      %dma_start3A_41 = tpu.memref_squeeze %dma_start3A_40 : memref<1x640xi32, #tpu.memory_space<vmem>> -> memref<640xi32, #tpu.memory_space<vmem>>
      %dma_start3A_42 = tpu.memref_slice %arg2[%mul3A_16] : memref<327680xi32, #tpu.memory_space<hbm>> -> memref<640xi32, #tpu.memory_space<hbm>>
      %dma_start3A_43 = arith.constant 0 : i32
      %dma_start3A_44 = tpu.memref_slice %arg6[%run_scoped3A_17, %dma_start3A_43] : memref<2x640xi32, #tpu.memory_space<vmem>> -> memref<1x640xi32, #tpu.memory_space<vmem>>
      %dma_start3A_45 = tpu.memref_squeeze %dma_start3A_44 : memref<1x640xi32, #tpu.memory_space<vmem>> -> memref<640xi32, #tpu.memory_space<vmem>>
      %dma_start3A_46 = tpu.memref_slice %arg2[%mul3A_16] : memref<327680xi32, #tpu.memory_space<hbm>> -> memref<640xi32, #tpu.memory_space<hbm>>
      tpu.enqueue_dma source(%dma_start3A_46 : memref<640xi32, #tpu.memory_space<hbm>>) target(%dma_start3A_45 : memref<640xi32, #tpu.memory_space<vmem>>) target_semaphore(%run_scoped3A_38 : memref<!tpu.dma_semaphore, #tpu.memory_space<semaphore_mem>>)
      %dma_wait3A = arith.constant 0 : i32
      %dma_wait3A_47 = tpu.memref_slice %arg6[%run_scoped3A_17, %dma_wait3A] : memref<2x640xi32, #tpu.memory_space<vmem>> -> memref<1x640xi32, #tpu.memory_space<vmem>>
      %dma_wait3A_48 = tpu.memref_squeeze %dma_wait3A_47 : memref<1x640xi32, #tpu.memory_space<vmem>> -> memref<640xi32, #tpu.memory_space<vmem>>
      %dma_wait3A_49 = tpu.memref_slice %arg2[%mul3A_16] : memref<327680xi32, #tpu.memory_space<hbm>> -> memref<640xi32, #tpu.memory_space<hbm>>
      %dma_wait3A_50 = arith.constant 0 : i32
      %dma_wait3A_51 = tpu.memref_slice %arg6[%run_scoped3A_17, %dma_wait3A_50] : memref<2x640xi32, #tpu.memory_space<vmem>> -> memref<1x640xi32, #tpu.memory_space<vmem>>
      %dma_wait3A_52 = tpu.memref_squeeze %dma_wait3A_51 : memref<1x640xi32, #tpu.memory_space<vmem>> -> memref<640xi32, #tpu.memory_space<vmem>>
      %dma_wait3A_53 = tpu.memref_slice %arg2[%mul3A_16] : memref<327680xi32, #tpu.memory_space<hbm>> -> memref<640xi32, #tpu.memory_space<hbm>>
      tpu.wait_dma2 semaphore(%run_scoped3A_38 : memref<!tpu.dma_semaphore, #tpu.memory_space<semaphore_mem>>) src(%dma_wait3A_53 : memref<640xi32, #tpu.memory_space<hbm>>) dst(%dma_wait3A_52 : memref<640xi32, #tpu.memory_space<vmem>>)
      tpu.yield
    }) : () -> ()
    %dma_start3A = arith.constant 0 : i32
    %dma_start3A_18 = arith.constant 0 : i32
    %dma_start3A_19 = arith.constant 0 : i32
    %dma_start3A_20 = arith.constant 0 : i32
    %dma_start3A_21 = tpu.memref_slice %arg7[%dma_start3A_18, %dma_start3A_19, %dma_start3A_20] : memref<2x640x64xf32, #tpu.memory_space<vmem>> -> memref<1x640x64xf32, #tpu.memory_space<vmem>>
    %dma_start3A_22 = tpu.memref_squeeze %dma_start3A_21 : memref<1x640x64xf32, #tpu.memory_space<vmem>> -> memref<640x64xf32, #tpu.memory_space<vmem>>
    %dma_start3A_23 = arith.constant 0 : i32
    %dma_start3A_24 = tpu.memref_slice %arg6[%dma_start3A, %dma_start3A_23] : memref<2x640xi32, #tpu.memory_space<vmem>> -> memref<1x640xi32, #tpu.memory_space<vmem>>
    %dma_start3A_25 = tpu.memref_squeeze %dma_start3A_24 : memref<1x640xi32, #tpu.memory_space<vmem>> -> memref<640xi32, #tpu.memory_space<vmem>>
    %dma_start3A_26 = arith.constant 0 : i32
    %dma_start3A_27 = arith.constant 0 : i32
    %dma_start3A_28 = tpu.memref_slice %arg3[%dma_start3A_26, %dma_start3A_27] : memref<100000x64xf32, #tpu.memory_space<hbm>> -> memref<100000x64xf32, #tpu.memory_space<hbm>>
    tpu.enqueue_indirect_dma source(%dma_start3A_28 : memref<100000x64xf32, #tpu.memory_space<hbm>>) target(%dma_start3A_22 : memref<640x64xf32, #tpu.memory_space<vmem>>) offsets(%dma_start3A_25 : memref<640xi32, #tpu.memory_space<vmem>>) semaphore(%arg11 : memref<!tpu.dma_semaphore, #tpu.memory_space<semaphore_mem>>)
    %scan3A = arith.constant 0 : i32
    %scan3A_29 = arith.constant 1 : i32
    %scan3A_30 = arith.constant 1 : i32
    %scan3A_31 = arith.constant 0 : i32
    %scan3A_32 = arith.constant 0 : i32
    %scan3A_33 = arith.constant 0 : i32
    %scan3A_34 = arith.constant 8 : i32
    %scan3A_35 = arith.addi %scan3A_33, %scan3A_34 : i32
    %scan3A_36 = arith.constant 1 : i32
    scf.for %scan3A_38 = %scan3A_33 to %scan3A_35 step %scan3A_36  : i32 {
      %mul3A_39 = arith.constant 2 : i32
      %mul3A_40 = arith.muli %mul3A_39, %scan3A_38 : i32
      %add3A_41 = arith.constant 1 : i32
      %add3A_42 = arith.addi %mul3A_40, %add3A_41 : i32
      %mul3A_43 = arith.constant 32 : i32
      %mul3A_44 = arith.muli %add3A_42, %mul3A_43 : i32
      %add3A_45 = arith.addi %mul3A_2, %mul3A_44 : i32
      %mul3A_46 = arith.constant 20 : i32
      %mul3A_47 = arith.muli %add3A_45, %mul3A_46 : i32
      "tpu.region"() ({
        %run_scoped3A_99 = tpu.sem_alloc : memref<!tpu.dma_semaphore, #tpu.memory_space<semaphore_mem>>
        %dma_start3A_100 = arith.constant 0 : i32
        %dma_start3A_101 = tpu.memref_slice %arg6[%scan3A_29, %dma_start3A_100] : memref<2x640xi32, #tpu.memory_space<vmem>> -> memref<1x640xi32, #tpu.memory_space<vmem>>
        %dma_start3A_102 = tpu.memref_squeeze %dma_start3A_101 : memref<1x640xi32, #tpu.memory_space<vmem>> -> memref<640xi32, #tpu.memory_space<vmem>>
        %dma_start3A_103 = tpu.memref_slice %arg2[%mul3A_47] : memref<327680xi32, #tpu.memory_space<hbm>> -> memref<640xi32, #tpu.memory_space<hbm>>
        %dma_start3A_104 = arith.constant 0 : i32
        %dma_start3A_105 = tpu.memref_slice %arg6[%scan3A_29, %dma_start3A_104] : memref<2x640xi32, #tpu.memory_space<vmem>> -> memref<1x640xi32, #tpu.memory_space<vmem>>
        %dma_start3A_106 = tpu.memref_squeeze %dma_start3A_105 : memref<1x640xi32, #tpu.memory_space<vmem>> -> memref<640xi32, #tpu.memory_space<vmem>>
        %dma_start3A_107 = tpu.memref_slice %arg2[%mul3A_47] : memref<327680xi32, #tpu.memory_space<hbm>> -> memref<640xi32, #tpu.memory_space<hbm>>
        tpu.enqueue_dma source(%dma_start3A_107 : memref<640xi32, #tpu.memory_space<hbm>>) target(%dma_start3A_106 : memref<640xi32, #tpu.memory_space<vmem>>) target_semaphore(%run_scoped3A_99 : memref<!tpu.dma_semaphore, #tpu.memory_space<semaphore_mem>>)
        %dma_wait3A_108 = arith.constant 0 : i32
        %dma_wait3A_109 = tpu.memref_slice %arg6[%scan3A_29, %dma_wait3A_108] : memref<2x640xi32, #tpu.memory_space<vmem>> -> memref<1x640xi32, #tpu.memory_space<vmem>>
        %dma_wait3A_110 = tpu.memref_squeeze %dma_wait3A_109 : memref<1x640xi32, #tpu.memory_space<vmem>> -> memref<640xi32, #tpu.memory_space<vmem>>
        %dma_wait3A_111 = tpu.memref_slice %arg2[%mul3A_47] : memref<327680xi32, #tpu.memory_space<hbm>> -> memref<640xi32, #tpu.memory_space<hbm>>
        %dma_wait3A_112 = arith.constant 0 : i32
        %dma_wait3A_113 = tpu.memref_slice %arg6[%scan3A_29, %dma_wait3A_112] : memref<2x640xi32, #tpu.memory_space<vmem>> -> memref<1x640xi32, #tpu.memory_space<vmem>>
        %dma_wait3A_114 = tpu.memref_squeeze %dma_wait3A_113 : memref<1x640xi32, #tpu.memory_space<vmem>> -> memref<640xi32, #tpu.memory_space<vmem>>
        %dma_wait3A_115 = tpu.memref_slice %arg2[%mul3A_47] : memref<327680xi32, #tpu.memory_space<hbm>> -> memref<640xi32, #tpu.memory_space<hbm>>
        tpu.wait_dma2 semaphore(%run_scoped3A_99 : memref<!tpu.dma_semaphore, #tpu.memory_space<semaphore_mem>>) src(%dma_wait3A_115 : memref<640xi32, #tpu.memory_space<hbm>>) dst(%dma_wait3A_114 : memref<640xi32, #tpu.memory_space<vmem>>)
        tpu.yield
      }) : () -> ()
      %dma_start3A_48 = arith.constant 0 : i32
      %dma_start3A_49 = arith.constant 0 : i32
      %dma_start3A_50 = tpu.memref_slice %arg7[%scan3A_30, %dma_start3A_48, %dma_start3A_49] : memref<2x640x64xf32, #tpu.memory_space<vmem>> -> memref<1x640x64xf32, #tpu.memory_space<vmem>>
      %dma_start3A_51 = tpu.memref_squeeze %dma_start3A_50 : memref<1x640x64xf32, #tpu.memory_space<vmem>> -> memref<640x64xf32, #tpu.memory_space<vmem>>
      %dma_start3A_52 = arith.constant 0 : i32
      %dma_start3A_53 = tpu.memref_slice %arg6[%scan3A_29, %dma_start3A_52] : memref<2x640xi32, #tpu.memory_space<vmem>> -> memref<1x640xi32, #tpu.memory_space<vmem>>
      %dma_start3A_54 = tpu.memref_squeeze %dma_start3A_53 : memref<1x640xi32, #tpu.memory_space<vmem>> -> memref<640xi32, #tpu.memory_space<vmem>>
      %dma_start3A_55 = arith.constant 0 : i32
      %dma_start3A_56 = arith.constant 0 : i32
      %dma_start3A_57 = tpu.memref_slice %arg3[%dma_start3A_55, %dma_start3A_56] : memref<100000x64xf32, #tpu.memory_space<hbm>> -> memref<100000x64xf32, #tpu.memory_space<hbm>>
      tpu.enqueue_indirect_dma source(%dma_start3A_57 : memref<100000x64xf32, #tpu.memory_space<hbm>>) target(%dma_start3A_51 : memref<640x64xf32, #tpu.memory_space<vmem>>) offsets(%dma_start3A_54 : memref<640xi32, #tpu.memory_space<vmem>>) semaphore(%arg12 : memref<!tpu.dma_semaphore, #tpu.memory_space<semaphore_mem>>)
      %dma_wait3A = arith.constant 0 : i32
      %dma_wait3A_58 = arith.constant 0 : i32
      %dma_wait3A_59 = tpu.memref_slice %arg7[%scan3A_32, %dma_wait3A, %dma_wait3A_58] : memref<2x640x64xf32, #tpu.memory_space<vmem>> -> memref<1x640x64xf32, #tpu.memory_space<vmem>>
      %dma_wait3A_60 = tpu.memref_squeeze %dma_wait3A_59 : memref<1x640x64xf32, #tpu.memory_space<vmem>> -> memref<640x64xf32, #tpu.memory_space<vmem>>
      %dma_wait3A_61 = arith.constant 0 : i32
      %dma_wait3A_62 = tpu.memref_slice %arg6[%scan3A_31, %dma_wait3A_61] : memref<2x640xi32, #tpu.memory_space<vmem>> -> memref<1x640xi32, #tpu.memory_space<vmem>>
      %dma_wait3A_63 = tpu.memref_squeeze %dma_wait3A_62 : memref<1x640xi32, #tpu.memory_space<vmem>> -> memref<640xi32, #tpu.memory_space<vmem>>
      %dma_wait3A_64 = arith.constant 0 : i32
      %dma_wait3A_65 = arith.constant 0 : i32
      %dma_wait3A_66 = tpu.memref_slice %arg3[%dma_wait3A_64, %dma_wait3A_65] : memref<100000x64xf32, #tpu.memory_space<hbm>> -> memref<100000x64xf32, #tpu.memory_space<hbm>>
      tpu.wait_indirect_dma semaphore(%arg11 : memref<!tpu.dma_semaphore, #tpu.memory_space<semaphore_mem>>) src(%dma_wait3A_66 : memref<100000x64xf32, #tpu.memory_space<hbm>>) dst(%dma_wait3A_60 : memref<640x64xf32, #tpu.memory_space<vmem>>)
      %mul3A_67 = arith.constant 32 : i32
      %mul3A_68 = arith.muli %mul3A_40, %mul3A_67 : i32
      %add3A_69 = arith.addi %mul3A_2, %mul3A_68 : i32
      %scan3A_70 = arith.constant 0 : i32
      %scan3A_71 = arith.constant 0 : i32
      %scan3A_72 = arith.constant 2 : i32
      %scan3A_73 = arith.addi %scan3A_71, %scan3A_72 : i32
      %scan3A_74 = arith.constant 1 : i32
      scf.for %scan3A_99 = %scan3A_71 to %scan3A_73 step %scan3A_74  : i32 {
        %broadcast_in_dim3A_100 = arith.constant 0.000000e+00 : f32
        %broadcast_in_dim3A_101 = vector.broadcast %broadcast_in_dim3A_100 : f32 to vector<16xf32>
        %scan3A_102 = arith.constant 0 : i32
        %scan3A_103 = arith.constant 16 : i32
        %scan3A_104 = arith.addi %scan3A_102, %scan3A_103 : i32
        %scan3A_105 = arith.constant 1 : i32
        %scan3A_106 = scf.for %scan3A_114 = %scan3A_102 to %scan3A_104 step %scan3A_105 iter_args(%scan3A_115 = %broadcast_in_dim3A_101) -> (vector<16xf32>)  : i32 {
          %mul3A_116 = arith.constant 16 : i32
          %mul3A_117 = arith.muli %scan3A_99, %mul3A_116 : i32
          %add3A_118 = arith.addi %mul3A_117, %scan3A_114 : i32
          %broadcast_in_dim3A_119 = arith.constant 0.000000e+00 : f32
          %broadcast_in_dim3A_120 = vector.broadcast %broadcast_in_dim3A_119 : f32 to vector<16xf32>
          %broadcast_in_dim3A_121 = arith.constant 0.000000e+00 : f32
          %broadcast_in_dim3A_122 = vector.broadcast %broadcast_in_dim3A_121 : f32 to vector<16xf32>
          %broadcast_in_dim3A_123 = arith.constant 0.000000e+00 : f32
          %broadcast_in_dim3A_124 = vector.broadcast %broadcast_in_dim3A_123 : f32 to vector<16xf32>
          %broadcast_in_dim3A_125 = arith.constant 0.000000e+00 : f32
          %broadcast_in_dim3A_126 = vector.broadcast %broadcast_in_dim3A_125 : f32 to vector<16xf32>
          %mul3A_127 = arith.constant 20 : i32
          %mul3A_128 = arith.muli %add3A_118, %mul3A_127 : i32
          %add3A_129 = arith.constant 0 : i32
          %add3A_130 = arith.addi %mul3A_128, %add3A_129 : i32
          %get3A_131 = arith.constant 0 : i32
          %get3A_132 = arith.constant 0 : i32
          %get3A_133 = tpu.memref_slice %arg7[%scan3A_32, %get3A_131, %get3A_132] : memref<2x640x64xf32, #tpu.memory_space<vmem>> -> memref<1x640x64xf32, #tpu.memory_space<vmem>>
          %get3A_134 = tpu.memref_squeeze %get3A_133 : memref<1x640x64xf32, #tpu.memory_space<vmem>> -> memref<640x64xf32, #tpu.memory_space<vmem>>
          %get3A_135 = arith.index_cast %add3A_130 : i32 to index
          %get3A_136 = arith.constant 0 : index
          %get3A_137 = tpu.vector_load %get3A_134[%get3A_135, %get3A_136] {strides = array<i32>} : memref<640x64xf32, #tpu.memory_space<vmem>>, vector<16xf32>,
          %add3A_138 = arith.addf %broadcast_in_dim3A_120, %get3A_137 : vector<16xf32>
          %get3A_139 = arith.constant 0 : i32
          %get3A_140 = arith.constant 0 : i32
          %get3A_141 = tpu.memref_slice %arg7[%scan3A_32, %get3A_139, %get3A_140] : memref<2x640x64xf32, #tpu.memory_space<vmem>> -> memref<1x640x64xf32, #tpu.memory_space<vmem>>
          %get3A_142 = tpu.memref_squeeze %get3A_141 : memref<1x640x64xf32, #tpu.memory_space<vmem>> -> memref<640x64xf32, #tpu.memory_space<vmem>>
          %get3A_143 = arith.index_cast %add3A_130 : i32 to index
          %get3A_144 = arith.constant 16 : index
          %get3A_145 = tpu.vector_load %get3A_142[%get3A_143, %get3A_144] {strides = array<i32>} : memref<640x64xf32, #tpu.memory_space<vmem>>, vector<16xf32>,
          %add3A_146 = arith.addf %broadcast_in_dim3A_122, %get3A_145 : vector<16xf32>
          %get3A_147 = arith.constant 0 : i32
          %get3A_148 = arith.constant 0 : i32
          %get3A_149 = tpu.memref_slice %arg7[%scan3A_32, %get3A_147, %get3A_148] : memref<2x640x64xf32, #tpu.memory_space<vmem>> -> memref<1x640x64xf32, #tpu.memory_space<vmem>>
          %get3A_150 = tpu.memref_squeeze %get3A_149 : memref<1x640x64xf32, #tpu.memory_space<vmem>> -> memref<640x64xf32, #tpu.memory_space<vmem>>
          %get3A_151 = arith.index_cast %add3A_130 : i32 to index
          %get3A_152 = arith.constant 32 : index
          %get3A_153 = tpu.vector_load %get3A_150[%get3A_151, %get3A_152] {strides = array<i32>} : memref<640x64xf32, #tpu.memory_space<vmem>>, vector<16xf32>,
          %add3A_154 = arith.addf %broadcast_in_dim3A_124, %get3A_153 : vector<16xf32>
          %get3A_155 = arith.constant 0 : i32
          %get3A_156 = arith.constant 0 : i32
          %get3A_157 = tpu.memref_slice %arg7[%scan3A_32, %get3A_155, %get3A_156] : memref<2x640x64xf32, #tpu.memory_space<vmem>> -> memref<1x640x64xf32, #tpu.memory_space<vmem>>
          %get3A_158 = tpu.memref_squeeze %get3A_157 : memref<1x640x64xf32, #tpu.memory_space<vmem>> -> memref<640x64xf32, #tpu.memory_space<vmem>>
          %get3A_159 = arith.index_cast %add3A_130 : i32 to index
          %get3A_160 = arith.constant 48 : index
          %get3A_161 = tpu.vector_load %get3A_158[%get3A_159, %get3A_160] {strides = array<i32>} : memref<640x64xf32, #tpu.memory_space<vmem>>, vector<16xf32>,
          %add3A_162 = arith.addf %broadcast_in_dim3A_126, %get3A_161 : vector<16xf32>
          %mul3A_163 = arith.constant 20 : i32
          %mul3A_164 = arith.muli %add3A_118, %mul3A_163 : i32
          %add3A_165 = arith.constant 1 : i32
          %add3A_166 = arith.addi %mul3A_164, %add3A_165 : i32
          %get3A_167 = arith.constant 0 : i32
          %get3A_168 = arith.constant 0 : i32
          %get3A_169 = tpu.memref_slice %arg7[%scan3A_32, %get3A_167, %get3A_168] : memref<2x640x64xf32, #tpu.memory_space<vmem>> -> memref<1x640x64xf32, #tpu.memory_space<vmem>>
          %get3A_170 = tpu.memref_squeeze %get3A_169 : memref<1x640x64xf32, #tpu.memory_space<vmem>> -> memref<640x64xf32, #tpu.memory_space<vmem>>
          %get3A_171 = arith.index_cast %add3A_166 : i32 to index
          %get3A_172 = arith.constant 0 : index
          %get3A_173 = tpu.vector_load %get3A_170[%get3A_171, %get3A_172] {strides = array<i32>} : memref<640x64xf32, #tpu.memory_space<vmem>>, vector<16xf32>,
          %add3A_174 = arith.addf %add3A_138, %get3A_173 : vector<16xf32>
          %get3A_175 = arith.constant 0 : i32
          %get3A_176 = arith.constant 0 : i32
          %get3A_177 = tpu.memref_slice %arg7[%scan3A_32, %get3A_175, %get3A_176] : memref<2x640x64xf32, #tpu.memory_space<vmem>> -> memref<1x640x64xf32, #tpu.memory_space<vmem>>
          %get3A_178 = tpu.memref_squeeze %get3A_177 : memref<1x640x64xf32, #tpu.memory_space<vmem>> -> memref<640x64xf32, #tpu.memory_space<vmem>>
          %get3A_179 = arith.index_cast %add3A_166 : i32 to index
          %get3A_180 = arith.constant 16 : index
          %get3A_181 = tpu.vector_load %get3A_178[%get3A_179, %get3A_180] {strides = array<i32>} : memref<640x64xf32, #tpu.memory_space<vmem>>, vector<16xf32>,
          %add3A_182 = arith.addf %add3A_146, %get3A_181 : vector<16xf32>
          %get3A_183 = arith.constant 0 : i32
          %get3A_184 = arith.constant 0 : i32
          %get3A_185 = tpu.memref_slice %arg7[%scan3A_32, %get3A_183, %get3A_184] : memref<2x640x64xf32, #tpu.memory_space<vmem>> -> memref<1x640x64xf32, #tpu.memory_space<vmem>>
          %get3A_186 = tpu.memref_squeeze %get3A_185 : memref<1x640x64xf32, #tpu.memory_space<vmem>> -> memref<640x64xf32, #tpu.memory_space<vmem>>
          %get3A_187 = arith.index_cast %add3A_166 : i32 to index
          %get3A_188 = arith.constant 32 : index
          %get3A_189 = tpu.vector_load %get3A_186[%get3A_187, %get3A_188] {strides = array<i32>} : memref<640x64xf32, #tpu.memory_space<vmem>>, vector<16xf32>,
          %add3A_190 = arith.addf %add3A_154, %get3A_189 : vector<16xf32>
          %get3A_191 = arith.constant 0 : i32
          %get3A_192 = arith.constant 0 : i32
          %get3A_193 = tpu.memref_slice %arg7[%scan3A_32, %get3A_191, %get3A_192] : memref<2x640x64xf32, #tpu.memory_space<vmem>> -> memref<1x640x64xf32, #tpu.memory_space<vmem>>
          %get3A_194 = tpu.memref_squeeze %get3A_193 : memref<1x640x64xf32, #tpu.memory_space<vmem>> -> memref<640x64xf32, #tpu.memory_space<vmem>>
          %get3A_195 = arith.index_cast %add3A_166 : i32 to index
          %get3A_196 = arith.constant 48 : index
          %get3A_197 = tpu.vector_load %get3A_194[%get3A_195, %get3A_196] {strides = array<i32>} : memref<640x64xf32, #tpu.memory_space<vmem>>, vector<16xf32>,
          %add3A_198 = arith.addf %add3A_162, %get3A_197 : vector<16xf32>
          %mul3A_199 = arith.constant 20 : i32
          %mul3A_200 = arith.muli %add3A_118, %mul3A_199 : i32
          %add3A_201 = arith.constant 2 : i32
          %add3A_202 = arith.addi %mul3A_200, %add3A_201 : i32
          %get3A_203 = arith.constant 0 : i32
          %get3A_204 = arith.constant 0 : i32
          %get3A_205 = tpu.memref_slice %arg7[%scan3A_32, %get3A_203, %get3A_204] : memref<2x640x64xf32, #tpu.memory_space<vmem>> -> memref<1x640x64xf32, #tpu.memory_space<vmem>>
          %get3A_206 = tpu.memref_squeeze %get3A_205 : memref<1x640x64xf32, #tpu.memory_space<vmem>> -> memref<640x64xf32, #tpu.memory_space<vmem>>
          %get3A_207 = arith.index_cast %add3A_202 : i32 to index
          %get3A_208 = arith.constant 0 : index
          %get3A_209 = tpu.vector_load %get3A_206[%get3A_207, %get3A_208] {strides = array<i32>} : memref<640x64xf32, #tpu.memory_space<vmem>>, vector<16xf32>,
          %add3A_210 = arith.addf %add3A_174, %get3A_209 : vector<16xf32>
          %get3A_211 = arith.constant 0 : i32
          %get3A_212 = arith.constant 0 : i32
          %get3A_213 = tpu.memref_slice %arg7[%scan3A_32, %get3A_211, %get3A_212] : memref<2x640x64xf32, #tpu.memory_space<vmem>> -> memref<1x640x64xf32, #tpu.memory_space<vmem>>
          %get3A_214 = tpu.memref_squeeze %get3A_213 : memref<1x640x64xf32, #tpu.memory_space<vmem>> -> memref<640x64xf32, #tpu.memory_space<vmem>>
          %get3A_215 = arith.index_cast %add3A_202 : i32 to index
          %get3A_216 = arith.constant 16 : index
          %get3A_217 = tpu.vector_load %get3A_214[%get3A_215, %get3A_216] {strides = array<i32>} : memref<640x64xf32, #tpu.memory_space<vmem>>, vector<16xf32>,
          %add3A_218 = arith.addf %add3A_182, %get3A_217 : vector<16xf32>
          %get3A_219 = arith.constant 0 : i32
          %get3A_220 = arith.constant 0 : i32
          %get3A_221 = tpu.memref_slice %arg7[%scan3A_32, %get3A_219, %get3A_220] : memref<2x640x64xf32, #tpu.memory_space<vmem>> -> memref<1x640x64xf32, #tpu.memory_space<vmem>>
          %get3A_222 = tpu.memref_squeeze %get3A_221 : memref<1x640x64xf32, #tpu.memory_space<vmem>> -> memref<640x64xf32, #tpu.memory_space<vmem>>
          %get3A_223 = arith.index_cast %add3A_202 : i32 to index
          %get3A_224 = arith.constant 32 : index
          %get3A_225 = tpu.vector_load %get3A_222[%get3A_223, %get3A_224] {strides = array<i32>} : memref<640x64xf32, #tpu.memory_space<vmem>>, vector<16xf32>,
          %add3A_226 = arith.addf %add3A_190, %get3A_225 : vector<16xf32>
          %get3A_227 = arith.constant 0 : i32
          %get3A_228 = arith.constant 0 : i32
          %get3A_229 = tpu.memref_slice %arg7[%scan3A_32, %get3A_227, %get3A_228] : memref<2x640x64xf32, #tpu.memory_space<vmem>> -> memref<1x640x64xf32, #tpu.memory_space<vmem>>
          %get3A_230 = tpu.memref_squeeze %get3A_229 : memref<1x640x64xf32, #tpu.memory_space<vmem>> -> memref<640x64xf32, #tpu.memory_space<vmem>>
          %get3A_231 = arith.index_cast %add3A_202 : i32 to index
          %get3A_232 = arith.constant 48 : index
          %get3A_233 = tpu.vector_load %get3A_230[%get3A_231, %get3A_232] {strides = array<i32>} : memref<640x64xf32, #tpu.memory_space<vmem>>, vector<16xf32>,
          %add3A_234 = arith.addf %add3A_198, %get3A_233 : vector<16xf32>
          %mul3A_235 = arith.constant 20 : i32
          %mul3A_236 = arith.muli %add3A_118, %mul3A_235 : i32
          %add3A_237 = arith.constant 3 : i32
          %add3A_238 = arith.addi %mul3A_236, %add3A_237 : i32
          %get3A_239 = arith.constant 0 : i32
          %get3A_240 = arith.constant 0 : i32
          %get3A_241 = tpu.memref_slice %arg7[%scan3A_32, %get3A_239, %get3A_240] : memref<2x640x64xf32, #tpu.memory_space<vmem>> -> memref<1x640x64xf32, #tpu.memory_space<vmem>>
          %get3A_242 = tpu.memref_squeeze %get3A_241 : memref<1x640x64xf32, #tpu.memory_space<vmem>> -> memref<640x64xf32, #tpu.memory_space<vmem>>
          %get3A_243 = arith.index_cast %add3A_238 : i32 to index
          %get3A_244 = arith.constant 0 : index
          %get3A_245 = tpu.vector_load %get3A_242[%get3A_243, %get3A_244] {strides = array<i32>} : memref<640x64xf32, #tpu.memory_space<vmem>>, vector<16xf32>,
          %add3A_246 = arith.addf %add3A_210, %get3A_245 : vector<16xf32>
          %get3A_247 = arith.constant 0 : i32
          %get3A_248 = arith.constant 0 : i32
          %get3A_249 = tpu.memref_slice %arg7[%scan3A_32, %get3A_247, %get3A_248] : memref<2x640x64xf32, #tpu.memory_space<vmem>> -> memref<1x640x64xf32, #tpu.memory_space<vmem>>
          %get3A_250 = tpu.memref_squeeze %get3A_249 : memref<1x640x64xf32, #tpu.memory_space<vmem>> -> memref<640x64xf32, #tpu.memory_space<vmem>>
          %get3A_251 = arith.index_cast %add3A_238 : i32 to index
          %get3A_252 = arith.constant 16 : index
          %get3A_253 = tpu.vector_load %get3A_250[%get3A_251, %get3A_252] {strides = array<i32>} : memref<640x64xf32, #tpu.memory_space<vmem>>, vector<16xf32>,
          %add3A_254 = arith.addf %add3A_218, %get3A_253 : vector<16xf32>
          %get3A_255 = arith.constant 0 : i32
          %get3A_256 = arith.constant 0 : i32
          %get3A_257 = tpu.memref_slice %arg7[%scan3A_32, %get3A_255, %get3A_256] : memref<2x640x64xf32, #tpu.memory_space<vmem>> -> memref<1x640x64xf32, #tpu.memory_space<vmem>>
          %get3A_258 = tpu.memref_squeeze %get3A_257 : memref<1x640x64xf32, #tpu.memory_space<vmem>> -> memref<640x64xf32, #tpu.memory_space<vmem>>
          %get3A_259 = arith.index_cast %add3A_238 : i32 to index
          %get3A_260 = arith.constant 32 : index
          %get3A_261 = tpu.vector_load %get3A_258[%get3A_259, %get3A_260] {strides = array<i32>} : memref<640x64xf32, #tpu.memory_space<vmem>>, vector<16xf32>,
          %add3A_262 = arith.addf %add3A_226, %get3A_261 : vector<16xf32>
          %get3A_263 = arith.constant 0 : i32
          %get3A_264 = arith.constant 0 : i32
          %get3A_265 = tpu.memref_slice %arg7[%scan3A_32, %get3A_263, %get3A_264] : memref<2x640x64xf32, #tpu.memory_space<vmem>> -> memref<1x640x64xf32, #tpu.memory_space<vmem>>
          %get3A_266 = tpu.memref_squeeze %get3A_265 : memref<1x640x64xf32, #tpu.memory_space<vmem>> -> memref<640x64xf32, #tpu.memory_space<vmem>>
          %get3A_267 = arith.index_cast %add3A_238 : i32 to index
          %get3A_268 = arith.constant 48 : index
          %get3A_269 = tpu.vector_load %get3A_266[%get3A_267, %get3A_268] {strides = array<i32>} : memref<640x64xf32, #tpu.memory_space<vmem>>, vector<16xf32>,
          %add3A_270 = arith.addf %add3A_234, %get3A_269 : vector<16xf32>
          %mul3A_271 = arith.constant 20 : i32
          %mul3A_272 = arith.muli %add3A_118, %mul3A_271 : i32
          %add3A_273 = arith.constant 4 : i32
          %add3A_274 = arith.addi %mul3A_272, %add3A_273 : i32
          %get3A_275 = arith.constant 0 : i32
          %get3A_276 = arith.constant 0 : i32
          %get3A_277 = tpu.memref_slice %arg7[%scan3A_32, %get3A_275, %get3A_276] : memref<2x640x64xf32, #tpu.memory_space<vmem>> -> memref<1x640x64xf32, #tpu.memory_space<vmem>>
          %get3A_278 = tpu.memref_squeeze %get3A_277 : memref<1x640x64xf32, #tpu.memory_space<vmem>> -> memref<640x64xf32, #tpu.memory_space<vmem>>
          %get3A_279 = arith.index_cast %add3A_274 : i32 to index
          %get3A_280 = arith.constant 0 : index
          %get3A_281 = tpu.vector_load %get3A_278[%get3A_279, %get3A_280] {strides = array<i32>} : memref<640x64xf32, #tpu.memory_space<vmem>>, vector<16xf32>,
          %add3A_282 = arith.addf %add3A_246, %get3A_281 : vector<16xf32>
          %get3A_283 = arith.constant 0 : i32
          %get3A_284 = arith.constant 0 : i32
          %get3A_285 = tpu.memref_slice %arg7[%scan3A_32, %get3A_283, %get3A_284] : memref<2x640x64xf32, #tpu.memory_space<vmem>> -> memref<1x640x64xf32, #tpu.memory_space<vmem>>
          %get3A_286 = tpu.memref_squeeze %get3A_285 : memref<1x640x64xf32, #tpu.memory_space<vmem>> -> memref<640x64xf32, #tpu.memory_space<vmem>>
          %get3A_287 = arith.index_cast %add3A_274 : i32 to index
          %get3A_288 = arith.constant 16 : index
          %get3A_289 = tpu.vector_load %get3A_286[%get3A_287, %get3A_288] {strides = array<i32>} : memref<640x64xf32, #tpu.memory_space<vmem>>, vector<16xf32>,
          %add3A_290 = arith.addf %add3A_254, %get3A_289 : vector<16xf32>
          %get3A_291 = arith.constant 0 : i32
          %get3A_292 = arith.constant 0 : i32
          %get3A_293 = tpu.memref_slice %arg7[%scan3A_32, %get3A_291, %get3A_292] : memref<2x640x64xf32, #tpu.memory_space<vmem>> -> memref<1x640x64xf32, #tpu.memory_space<vmem>>
          %get3A_294 = tpu.memref_squeeze %get3A_293 : memref<1x640x64xf32, #tpu.memory_space<vmem>> -> memref<640x64xf32, #tpu.memory_space<vmem>>
          %get3A_295 = arith.index_cast %add3A_274 : i32 to index
          %get3A_296 = arith.constant 32 : index
          %get3A_297 = tpu.vector_load %get3A_294[%get3A_295, %get3A_296] {strides = array<i32>} : memref<640x64xf32, #tpu.memory_space<vmem>>, vector<16xf32>,
          %add3A_298 = arith.addf %add3A_262, %get3A_297 : vector<16xf32>
          %get3A_299 = arith.constant 0 : i32
          %get3A_300 = arith.constant 0 : i32
          %get3A_301 = tpu.memref_slice %arg7[%scan3A_32, %get3A_299, %get3A_300] : memref<2x640x64xf32, #tpu.memory_space<vmem>> -> memref<1x640x64xf32, #tpu.memory_space<vmem>>
          %get3A_302 = tpu.memref_squeeze %get3A_301 : memref<1x640x64xf32, #tpu.memory_space<vmem>> -> memref<640x64xf32, #tpu.memory_space<vmem>>
          %get3A_303 = arith.index_cast %add3A_274 : i32 to index
          %get3A_304 = arith.constant 48 : index
          %get3A_305 = tpu.vector_load %get3A_302[%get3A_303, %get3A_304] {strides = array<i32>} : memref<640x64xf32, #tpu.memory_space<vmem>>, vector<16xf32>,
          %add3A_306 = arith.addf %add3A_270, %get3A_305 : vector<16xf32>
          %mul3A_307 = arith.constant 20 : i32
          %mul3A_308 = arith.muli %add3A_118, %mul3A_307 : i32
          %add3A_309 = arith.constant 5 : i32
          %add3A_310 = arith.addi %mul3A_308, %add3A_309 : i32
          %get3A_311 = arith.constant 0 : i32
          %get3A_312 = arith.constant 0 : i32
          %get3A_313 = tpu.memref_slice %arg7[%scan3A_32, %get3A_311, %get3A_312] : memref<2x640x64xf32, #tpu.memory_space<vmem>> -> memref<1x640x64xf32, #tpu.memory_space<vmem>>
          %get3A_314 = tpu.memref_squeeze %get3A_313 : memref<1x640x64xf32, #tpu.memory_space<vmem>> -> memref<640x64xf32, #tpu.memory_space<vmem>>
          %get3A_315 = arith.index_cast %add3A_310 : i32 to index
          %get3A_316 = arith.constant 0 : index
          %get3A_317 = tpu.vector_load %get3A_314[%get3A_315, %get3A_316] {strides = array<i32>} : memref<640x64xf32, #tpu.memory_space<vmem>>, vector<16xf32>,
          %add3A_318 = arith.addf %add3A_282, %get3A_317 : vector<16xf32>
          %get3A_319 = arith.constant 0 : i32
          %get3A_320 = arith.constant 0 : i32
          %get3A_321 = tpu.memref_slice %arg7[%scan3A_32, %get3A_319, %get3A_320] : memref<2x640x64xf32, #tpu.memory_space<vmem>> -> memref<1x640x64xf32, #tpu.memory_space<vmem>>
          %get3A_322 = tpu.memref_squeeze %get3A_321 : memref<1x640x64xf32, #tpu.memory_space<vmem>> -> memref<640x64xf32, #tpu.memory_space<vmem>>
          %get3A_323 = arith.index_cast %add3A_310 : i32 to index
          %get3A_324 = arith.constant 16 : index
          %get3A_325 = tpu.vector_load %get3A_322[%get3A_323, %get3A_324] {strides = array<i32>} : memref<640x64xf32, #tpu.memory_space<vmem>>, vector<16xf32>,
          %add3A_326 = arith.addf %add3A_290, %get3A_325 : vector<16xf32>
          %get3A_327 = arith.constant 0 : i32
          %get3A_328 = arith.constant 0 : i32
          %get3A_329 = tpu.memref_slice %arg7[%scan3A_32, %get3A_327, %get3A_328] : memref<2x640x64xf32, #tpu.memory_space<vmem>> -> memref<1x640x64xf32, #tpu.memory_space<vmem>>
          %get3A_330 = tpu.memref_squeeze %get3A_329 : memref<1x640x64xf32, #tpu.memory_space<vmem>> -> memref<640x64xf32, #tpu.memory_space<vmem>>
          %get3A_331 = arith.index_cast %add3A_310 : i32 to index
          %get3A_332 = arith.constant 32 : index
          %get3A_333 = tpu.vector_load %get3A_330[%get3A_331, %get3A_332] {strides = array<i32>} : memref<640x64xf32, #tpu.memory_space<vmem>>, vector<16xf32>,
          %add3A_334 = arith.addf %add3A_298, %get3A_333 : vector<16xf32>
          %get3A_335 = arith.constant 0 : i32
          %get3A_336 = arith.constant 0 : i32
          %get3A_337 = tpu.memref_slice %arg7[%scan3A_32, %get3A_335, %get3A_336] : memref<2x640x64xf32, #tpu.memory_space<vmem>> -> memref<1x640x64xf32, #tpu.memory_space<vmem>>
          %get3A_338 = tpu.memref_squeeze %get3A_337 : memref<1x640x64xf32, #tpu.memory_space<vmem>> -> memref<640x64xf32, #tpu.memory_space<vmem>>
          %get3A_339 = arith.index_cast %add3A_310 : i32 to index
          %get3A_340 = arith.constant 48 : index
          %get3A_341 = tpu.vector_load %get3A_338[%get3A_339, %get3A_340] {strides = array<i32>} : memref<640x64xf32, #tpu.memory_space<vmem>>, vector<16xf32>,
          %add3A_342 = arith.addf %add3A_306, %get3A_341 : vector<16xf32>
          %mul3A_343 = arith.constant 20 : i32
          %mul3A_344 = arith.muli %add3A_118, %mul3A_343 : i32
          %add3A_345 = arith.constant 6 : i32
          %add3A_346 = arith.addi %mul3A_344, %add3A_345 : i32
          %get3A_347 = arith.constant 0 : i32
          %get3A_348 = arith.constant 0 : i32
          %get3A_349 = tpu.memref_slice %arg7[%scan3A_32, %get3A_347, %get3A_348] : memref<2x640x64xf32, #tpu.memory_space<vmem>> -> memref<1x640x64xf32, #tpu.memory_space<vmem>>
          %get3A_350 = tpu.memref_squeeze %get3A_349 : memref<1x640x64xf32, #tpu.memory_space<vmem>> -> memref<640x64xf32, #tpu.memory_space<vmem>>
          %get3A_351 = arith.index_cast %add3A_346 : i32 to index
          %get3A_352 = arith.constant 0 : index
          %get3A_353 = tpu.vector_load %get3A_350[%get3A_351, %get3A_352] {strides = array<i32>} : memref<640x64xf32, #tpu.memory_space<vmem>>, vector<16xf32>,
          %add3A_354 = arith.addf %add3A_318, %get3A_353 : vector<16xf32>
          %get3A_355 = arith.constant 0 : i32
          %get3A_356 = arith.constant 0 : i32
          %get3A_357 = tpu.memref_slice %arg7[%scan3A_32, %get3A_355, %get3A_356] : memref<2x640x64xf32, #tpu.memory_space<vmem>> -> memref<1x640x64xf32, #tpu.memory_space<vmem>>
          %get3A_358 = tpu.memref_squeeze %get3A_357 : memref<1x640x64xf32, #tpu.memory_space<vmem>> -> memref<640x64xf32, #tpu.memory_space<vmem>>
          %get3A_359 = arith.index_cast %add3A_346 : i32 to index
          %get3A_360 = arith.constant 16 : index
          %get3A_361 = tpu.vector_load %get3A_358[%get3A_359, %get3A_360] {strides = array<i32>} : memref<640x64xf32, #tpu.memory_space<vmem>>, vector<16xf32>,
          %add3A_362 = arith.addf %add3A_326, %get3A_361 : vector<16xf32>
          %get3A_363 = arith.constant 0 : i32
          %get3A_364 = arith.constant 0 : i32
          %get3A_365 = tpu.memref_slice %arg7[%scan3A_32, %get3A_363, %get3A_364] : memref<2x640x64xf32, #tpu.memory_space<vmem>> -> memref<1x640x64xf32, #tpu.memory_space<vmem>>
          %get3A_366 = tpu.memref_squeeze %get3A_365 : memref<1x640x64xf32, #tpu.memory_space<vmem>> -> memref<640x64xf32, #tpu.memory_space<vmem>>
          %get3A_367 = arith.index_cast %add3A_346 : i32 to index
          %get3A_368 = arith.constant 32 : index
          %get3A_369 = tpu.vector_load %get3A_366[%get3A_367, %get3A_368] {strides = array<i32>} : memref<640x64xf32, #tpu.memory_space<vmem>>, vector<16xf32>,
          %add3A_370 = arith.addf %add3A_334, %get3A_369 : vector<16xf32>
          %get3A_371 = arith.constant 0 : i32
          %get3A_372 = arith.constant 0 : i32
          %get3A_373 = tpu.memref_slice %arg7[%scan3A_32, %get3A_371, %get3A_372] : memref<2x640x64xf32, #tpu.memory_space<vmem>> -> memref<1x640x64xf32, #tpu.memory_space<vmem>>
          %get3A_374 = tpu.memref_squeeze %get3A_373 : memref<1x640x64xf32, #tpu.memory_space<vmem>> -> memref<640x64xf32, #tpu.memory_space<vmem>>
          %get3A_375 = arith.index_cast %add3A_346 : i32 to index
          %get3A_376 = arith.constant 48 : index
          %get3A_377 = tpu.vector_load %get3A_374[%get3A_375, %get3A_376] {strides = array<i32>} : memref<640x64xf32, #tpu.memory_space<vmem>>, vector<16xf32>,
          %add3A_378 = arith.addf %add3A_342, %get3A_377 : vector<16xf32>
          %mul3A_379 = arith.constant 20 : i32
          %mul3A_380 = arith.muli %add3A_118, %mul3A_379 : i32
          %add3A_381 = arith.constant 7 : i32
          %add3A_382 = arith.addi %mul3A_380, %add3A_381 : i32
          %get3A_383 = arith.constant 0 : i32
          %get3A_384 = arith.constant 0 : i32
          %get3A_385 = tpu.memref_slice %arg7[%scan3A_32, %get3A_383, %get3A_384] : memref<2x640x64xf32, #tpu.memory_space<vmem>> -> memref<1x640x64xf32, #tpu.memory_space<vmem>>
          %get3A_386 = tpu.memref_squeeze %get3A_385 : memref<1x640x64xf32, #tpu.memory_space<vmem>> -> memref<640x64xf32, #tpu.memory_space<vmem>>
          %get3A_387 = arith.index_cast %add3A_382 : i32 to index
          %get3A_388 = arith.constant 0 : index
          %get3A_389 = tpu.vector_load %get3A_386[%get3A_387, %get3A_388] {strides = array<i32>} : memref<640x64xf32, #tpu.memory_space<vmem>>, vector<16xf32>,
          %add3A_390 = arith.addf %add3A_354, %get3A_389 : vector<16xf32>
          %get3A_391 = arith.constant 0 : i32
          %get3A_392 = arith.constant 0 : i32
          %get3A_393 = tpu.memref_slice %arg7[%scan3A_32, %get3A_391, %get3A_392] : memref<2x640x64xf32, #tpu.memory_space<vmem>> -> memref<1x640x64xf32, #tpu.memory_space<vmem>>
          %get3A_394 = tpu.memref_squeeze %get3A_393 : memref<1x640x64xf32, #tpu.memory_space<vmem>> -> memref<640x64xf32, #tpu.memory_space<vmem>>
          %get3A_395 = arith.index_cast %add3A_382 : i32 to index
          %get3A_396 = arith.constant 16 : index
          %get3A_397 = tpu.vector_load %get3A_394[%get3A_395, %get3A_396] {strides = array<i32>} : memref<640x64xf32, #tpu.memory_space<vmem>>, vector<16xf32>,
          %add3A_398 = arith.addf %add3A_362, %get3A_397 : vector<16xf32>
          %get3A_399 = arith.constant 0 : i32
          %get3A_400 = arith.constant 0 : i32
          %get3A_401 = tpu.memref_slice %arg7[%scan3A_32, %get3A_399, %get3A_400] : memref<2x640x64xf32, #tpu.memory_space<vmem>> -> memref<1x640x64xf32, #tpu.memory_space<vmem>>
          %get3A_402 = tpu.memref_squeeze %get3A_401 : memref<1x640x64xf32, #tpu.memory_space<vmem>> -> memref<640x64xf32, #tpu.memory_space<vmem>>
          %get3A_403 = arith.index_cast %add3A_382 : i32 to index
          %get3A_404 = arith.constant 32 : index
          %get3A_405 = tpu.vector_load %get3A_402[%get3A_403, %get3A_404] {strides = array<i32>} : memref<640x64xf32, #tpu.memory_space<vmem>>, vector<16xf32>,
          %add3A_406 = arith.addf %add3A_370, %get3A_405 : vector<16xf32>
          %get3A_407 = arith.constant 0 : i32
          %get3A_408 = arith.constant 0 : i32
          %get3A_409 = tpu.memref_slice %arg7[%scan3A_32, %get3A_407, %get3A_408] : memref<2x640x64xf32, #tpu.memory_space<vmem>> -> memref<1x640x64xf32, #tpu.memory_space<vmem>>
          %get3A_410 = tpu.memref_squeeze %get3A_409 : memref<1x640x64xf32, #tpu.memory_space<vmem>> -> memref<640x64xf32, #tpu.memory_space<vmem>>
          %get3A_411 = arith.index_cast %add3A_382 : i32 to index
          %get3A_412 = arith.constant 48 : index
          %get3A_413 = tpu.vector_load %get3A_410[%get3A_411, %get3A_412] {strides = array<i32>} : memref<640x64xf32, #tpu.memory_space<vmem>>, vector<16xf32>,
          %add3A_414 = arith.addf %add3A_378, %get3A_413 : vector<16xf32>
          %mul3A_415 = arith.constant 20 : i32
          %mul3A_416 = arith.muli %add3A_118, %mul3A_415 : i32
          %add3A_417 = arith.constant 8 : i32
          %add3A_418 = arith.addi %mul3A_416, %add3A_417 : i32
          %get3A_419 = arith.constant 0 : i32
          %get3A_420 = arith.constant 0 : i32
          %get3A_421 = tpu.memref_slice %arg7[%scan3A_32, %get3A_419, %get3A_420] : memref<2x640x64xf32, #tpu.memory_space<vmem>> -> memref<1x640x64xf32, #tpu.memory_space<vmem>>
          %get3A_422 = tpu.memref_squeeze %get3A_421 : memref<1x640x64xf32, #tpu.memory_space<vmem>> -> memref<640x64xf32, #tpu.memory_space<vmem>>
          %get3A_423 = arith.index_cast %add3A_418 : i32 to index
          %get3A_424 = arith.constant 0 : index
          %get3A_425 = tpu.vector_load %get3A_422[%get3A_423, %get3A_424] {strides = array<i32>} : memref<640x64xf32, #tpu.memory_space<vmem>>, vector<16xf32>,
          %add3A_426 = arith.addf %add3A_390, %get3A_425 : vector<16xf32>
          %get3A_427 = arith.constant 0 : i32
          %get3A_428 = arith.constant 0 : i32
          %get3A_429 = tpu.memref_slice %arg7[%scan3A_32, %get3A_427, %get3A_428] : memref<2x640x64xf32, #tpu.memory_space<vmem>> -> memref<1x640x64xf32, #tpu.memory_space<vmem>>
          %get3A_430 = tpu.memref_squeeze %get3A_429 : memref<1x640x64xf32, #tpu.memory_space<vmem>> -> memref<640x64xf32, #tpu.memory_space<vmem>>
          %get3A_431 = arith.index_cast %add3A_418 : i32 to index
          %get3A_432 = arith.constant 16 : index
          %get3A_433 = tpu.vector_load %get3A_430[%get3A_431, %get3A_432] {strides = array<i32>} : memref<640x64xf32, #tpu.memory_space<vmem>>, vector<16xf32>,
          %add3A_434 = arith.addf %add3A_398, %get3A_433 : vector<16xf32>
          %get3A_435 = arith.constant 0 : i32
          %get3A_436 = arith.constant 0 : i32
          %get3A_437 = tpu.memref_slice %arg7[%scan3A_32, %get3A_435, %get3A_436] : memref<2x640x64xf32, #tpu.memory_space<vmem>> -> memref<1x640x64xf32, #tpu.memory_space<vmem>>
          %get3A_438 = tpu.memref_squeeze %get3A_437 : memref<1x640x64xf32, #tpu.memory_space<vmem>> -> memref<640x64xf32, #tpu.memory_space<vmem>>
          %get3A_439 = arith.index_cast %add3A_418 : i32 to index
          %get3A_440 = arith.constant 32 : index
          %get3A_441 = tpu.vector_load %get3A_438[%get3A_439, %get3A_440] {strides = array<i32>} : memref<640x64xf32, #tpu.memory_space<vmem>>, vector<16xf32>,
          %add3A_442 = arith.addf %add3A_406, %get3A_441 : vector<16xf32>
          %get3A_443 = arith.constant 0 : i32
          %get3A_444 = arith.constant 0 : i32
          %get3A_445 = tpu.memref_slice %arg7[%scan3A_32, %get3A_443, %get3A_444] : memref<2x640x64xf32, #tpu.memory_space<vmem>> -> memref<1x640x64xf32, #tpu.memory_space<vmem>>
          %get3A_446 = tpu.memref_squeeze %get3A_445 : memref<1x640x64xf32, #tpu.memory_space<vmem>> -> memref<640x64xf32, #tpu.memory_space<vmem>>
          %get3A_447 = arith.index_cast %add3A_418 : i32 to index
          %get3A_448 = arith.constant 48 : index
          %get3A_449 = tpu.vector_load %get3A_446[%get3A_447, %get3A_448] {strides = array<i32>} : memref<640x64xf32, #tpu.memory_space<vmem>>, vector<16xf32>,
          %add3A_450 = arith.addf %add3A_414, %get3A_449 : vector<16xf32>
          %mul3A_451 = arith.constant 20 : i32
          %mul3A_452 = arith.muli %add3A_118, %mul3A_451 : i32
          %add3A_453 = arith.constant 9 : i32
          %add3A_454 = arith.addi %mul3A_452, %add3A_453 : i32
          %get3A_455 = arith.constant 0 : i32
          %get3A_456 = arith.constant 0 : i32
          %get3A_457 = tpu.memref_slice %arg7[%scan3A_32, %get3A_455, %get3A_456] : memref<2x640x64xf32, #tpu.memory_space<vmem>> -> memref<1x640x64xf32, #tpu.memory_space<vmem>>
          %get3A_458 = tpu.memref_squeeze %get3A_457 : memref<1x640x64xf32, #tpu.memory_space<vmem>> -> memref<640x64xf32, #tpu.memory_space<vmem>>
          %get3A_459 = arith.index_cast %add3A_454 : i32 to index
          %get3A_460 = arith.constant 0 : index
          %get3A_461 = tpu.vector_load %get3A_458[%get3A_459, %get3A_460] {strides = array<i32>} : memref<640x64xf32, #tpu.memory_space<vmem>>, vector<16xf32>,
          %add3A_462 = arith.addf %add3A_426, %get3A_461 : vector<16xf32>
          %get3A_463 = arith.constant 0 : i32
          %get3A_464 = arith.constant 0 : i32
          %get3A_465 = tpu.memref_slice %arg7[%scan3A_32, %get3A_463, %get3A_464] : memref<2x640x64xf32, #tpu.memory_space<vmem>> -> memref<1x640x64xf32, #tpu.memory_space<vmem>>
          %get3A_466 = tpu.memref_squeeze %get3A_465 : memref<1x640x64xf32, #tpu.memory_space<vmem>> -> memref<640x64xf32, #tpu.memory_space<vmem>>
          %get3A_467 = arith.index_cast %add3A_454 : i32 to index
          %get3A_468 = arith.constant 16 : index
          %get3A_469 = tpu.vector_load %get3A_466[%get3A_467, %get3A_468] {strides = array<i32>} : memref<640x64xf32, #tpu.memory_space<vmem>>, vector<16xf32>,
          %add3A_470 = arith.addf %add3A_434, %get3A_469 : vector<16xf32>
          %get3A_471 = arith.constant 0 : i32
          %get3A_472 = arith.constant 0 : i32
          %get3A_473 = tpu.memref_slice %arg7[%scan3A_32, %get3A_471, %get3A_472] : memref<2x640x64xf32, #tpu.memory_space<vmem>> -> memref<1x640x64xf32, #tpu.memory_space<vmem>>
          %get3A_474 = tpu.memref_squeeze %get3A_473 : memref<1x640x64xf32, #tpu.memory_space<vmem>> -> memref<640x64xf32, #tpu.memory_space<vmem>>
          %get3A_475 = arith.index_cast %add3A_454 : i32 to index
          %get3A_476 = arith.constant 32 : index
          %get3A_477 = tpu.vector_load %get3A_474[%get3A_475, %get3A_476] {strides = array<i32>} : memref<640x64xf32, #tpu.memory_space<vmem>>, vector<16xf32>,
          %add3A_478 = arith.addf %add3A_442, %get3A_477 : vector<16xf32>
          %get3A_479 = arith.constant 0 : i32
          %get3A_480 = arith.constant 0 : i32
          %get3A_481 = tpu.memref_slice %arg7[%scan3A_32, %get3A_479, %get3A_480] : memref<2x640x64xf32, #tpu.memory_space<vmem>> -> memref<1x640x64xf32, #tpu.memory_space<vmem>>
          %get3A_482 = tpu.memref_squeeze %get3A_481 : memref<1x640x64xf32, #tpu.memory_space<vmem>> -> memref<640x64xf32, #tpu.memory_space<vmem>>
          %get3A_483 = arith.index_cast %add3A_454 : i32 to index
          %get3A_484 = arith.constant 48 : index
          %get3A_485 = tpu.vector_load %get3A_482[%get3A_483, %get3A_484] {strides = array<i32>} : memref<640x64xf32, #tpu.memory_space<vmem>>, vector<16xf32>,
          %add3A_486 = arith.addf %add3A_450, %get3A_485 : vector<16xf32>
          %mul3A_487 = arith.constant 20 : i32
          %mul3A_488 = arith.muli %add3A_118, %mul3A_487 : i32
          %add3A_489 = arith.constant 10 : i32
          %add3A_490 = arith.addi %mul3A_488, %add3A_489 : i32
          %get3A_491 = arith.constant 0 : i32
          %get3A_492 = arith.constant 0 : i32
          %get3A_493 = tpu.memref_slice %arg7[%scan3A_32, %get3A_491, %get3A_492] : memref<2x640x64xf32, #tpu.memory_space<vmem>> -> memref<1x640x64xf32, #tpu.memory_space<vmem>>
          %get3A_494 = tpu.memref_squeeze %get3A_493 : memref<1x640x64xf32, #tpu.memory_space<vmem>> -> memref<640x64xf32, #tpu.memory_space<vmem>>
          %get3A_495 = arith.index_cast %add3A_490 : i32 to index
          %get3A_496 = arith.constant 0 : index
          %get3A_497 = tpu.vector_load %get3A_494[%get3A_495, %get3A_496] {strides = array<i32>} : memref<640x64xf32, #tpu.memory_space<vmem>>, vector<16xf32>,
          %add3A_498 = arith.addf %add3A_462, %get3A_497 : vector<16xf32>
          %get3A_499 = arith.constant 0 : i32
          %get3A_500 = arith.constant 0 : i32
          %get3A_501 = tpu.memref_slice %arg7[%scan3A_32, %get3A_499, %get3A_500] : memref<2x640x64xf32, #tpu.memory_space<vmem>> -> memref<1x640x64xf32, #tpu.memory_space<vmem>>
          %get3A_502 = tpu.memref_squeeze %get3A_501 : memref<1x640x64xf32, #tpu.memory_space<vmem>> -> memref<640x64xf32, #tpu.memory_space<vmem>>
          %get3A_503 = arith.index_cast %add3A_490 : i32 to index
          %get3A_504 = arith.constant 16 : index
          %get3A_505 = tpu.vector_load %get3A_502[%get3A_503, %get3A_504] {strides = array<i32>} : memref<640x64xf32, #tpu.memory_space<vmem>>, vector<16xf32>,
          %add3A_506 = arith.addf %add3A_470, %get3A_505 : vector<16xf32>
          %get3A_507 = arith.constant 0 : i32
          %get3A_508 = arith.constant 0 : i32
          %get3A_509 = tpu.memref_slice %arg7[%scan3A_32, %get3A_507, %get3A_508] : memref<2x640x64xf32, #tpu.memory_space<vmem>> -> memref<1x640x64xf32, #tpu.memory_space<vmem>>
          %get3A_510 = tpu.memref_squeeze %get3A_509 : memref<1x640x64xf32, #tpu.memory_space<vmem>> -> memref<640x64xf32, #tpu.memory_space<vmem>>
          %get3A_511 = arith.index_cast %add3A_490 : i32 to index
          %get3A_512 = arith.constant 32 : index
          %get3A_513 = tpu.vector_load %get3A_510[%get3A_511, %get3A_512] {strides = array<i32>} : memref<640x64xf32, #tpu.memory_space<vmem>>, vector<16xf32>,
          %add3A_514 = arith.addf %add3A_478, %get3A_513 : vector<16xf32>
          %get3A_515 = arith.constant 0 : i32
          %get3A_516 = arith.constant 0 : i32
          %get3A_517 = tpu.memref_slice %arg7[%scan3A_32, %get3A_515, %get3A_516] : memref<2x640x64xf32, #tpu.memory_space<vmem>> -> memref<1x640x64xf32, #tpu.memory_space<vmem>>
          %get3A_518 = tpu.memref_squeeze %get3A_517 : memref<1x640x64xf32, #tpu.memory_space<vmem>> -> memref<640x64xf32, #tpu.memory_space<vmem>>
          %get3A_519 = arith.index_cast %add3A_490 : i32 to index
          %get3A_520 = arith.constant 48 : index
          %get3A_521 = tpu.vector_load %get3A_518[%get3A_519, %get3A_520] {strides = array<i32>} : memref<640x64xf32, #tpu.memory_space<vmem>>, vector<16xf32>,
          %add3A_522 = arith.addf %add3A_486, %get3A_521 : vector<16xf32>
          %mul3A_523 = arith.constant 20 : i32
          %mul3A_524 = arith.muli %add3A_118, %mul3A_523 : i32
          %add3A_525 = arith.constant 11 : i32
          %add3A_526 = arith.addi %mul3A_524, %add3A_525 : i32
          %get3A_527 = arith.constant 0 : i32
          %get3A_528 = arith.constant 0 : i32
          %get3A_529 = tpu.memref_slice %arg7[%scan3A_32, %get3A_527, %get3A_528] : memref<2x640x64xf32, #tpu.memory_space<vmem>> -> memref<1x640x64xf32, #tpu.memory_space<vmem>>
          %get3A_530 = tpu.memref_squeeze %get3A_529 : memref<1x640x64xf32, #tpu.memory_space<vmem>> -> memref<640x64xf32, #tpu.memory_space<vmem>>
          %get3A_531 = arith.index_cast %add3A_526 : i32 to index
          %get3A_532 = arith.constant 0 : index
          %get3A_533 = tpu.vector_load %get3A_530[%get3A_531, %get3A_532] {strides = array<i32>} : memref<640x64xf32, #tpu.memory_space<vmem>>, vector<16xf32>,
          %add3A_534 = arith.addf %add3A_498, %get3A_533 : vector<16xf32>
          %get3A_535 = arith.constant 0 : i32
          %get3A_536 = arith.constant 0 : i32
          %get3A_537 = tpu.memref_slice %arg7[%scan3A_32, %get3A_535, %get3A_536] : memref<2x640x64xf32, #tpu.memory_space<vmem>> -> memref<1x640x64xf32, #tpu.memory_space<vmem>>
          %get3A_538 = tpu.memref_squeeze %get3A_537 : memref<1x640x64xf32, #tpu.memory_space<vmem>> -> memref<640x64xf32, #tpu.memory_space<vmem>>
          %get3A_539 = arith.index_cast %add3A_526 : i32 to index
          %get3A_540 = arith.constant 16 : index
          %get3A_541 = tpu.vector_load %get3A_538[%get3A_539, %get3A_540] {strides = array<i32>} : memref<640x64xf32, #tpu.memory_space<vmem>>, vector<16xf32>,
          %add3A_542 = arith.addf %add3A_506, %get3A_541 : vector<16xf32>
          %get3A_543 = arith.constant 0 : i32
          %get3A_544 = arith.constant 0 : i32
          %get3A_545 = tpu.memref_slice %arg7[%scan3A_32, %get3A_543, %get3A_544] : memref<2x640x64xf32, #tpu.memory_space<vmem>> -> memref<1x640x64xf32, #tpu.memory_space<vmem>>
          %get3A_546 = tpu.memref_squeeze %get3A_545 : memref<1x640x64xf32, #tpu.memory_space<vmem>> -> memref<640x64xf32, #tpu.memory_space<vmem>>
          %get3A_547 = arith.index_cast %add3A_526 : i32 to index
          %get3A_548 = arith.constant 32 : index
          %get3A_549 = tpu.vector_load %get3A_546[%get3A_547, %get3A_548] {strides = array<i32>} : memref<640x64xf32, #tpu.memory_space<vmem>>, vector<16xf32>,
          %add3A_550 = arith.addf %add3A_514, %get3A_549 : vector<16xf32>
          %get3A_551 = arith.constant 0 : i32
          %get3A_552 = arith.constant 0 : i32
          %get3A_553 = tpu.memref_slice %arg7[%scan3A_32, %get3A_551, %get3A_552] : memref<2x640x64xf32, #tpu.memory_space<vmem>> -> memref<1x640x64xf32, #tpu.memory_space<vmem>>
          %get3A_554 = tpu.memref_squeeze %get3A_553 : memref<1x640x64xf32, #tpu.memory_space<vmem>> -> memref<640x64xf32, #tpu.memory_space<vmem>>
          %get3A_555 = arith.index_cast %add3A_526 : i32 to index
          %get3A_556 = arith.constant 48 : index
          %get3A_557 = tpu.vector_load %get3A_554[%get3A_555, %get3A_556] {strides = array<i32>} : memref<640x64xf32, #tpu.memory_space<vmem>>, vector<16xf32>,
          %add3A_558 = arith.addf %add3A_522, %get3A_557 : vector<16xf32>
          %mul3A_559 = arith.constant 20 : i32
          %mul3A_560 = arith.muli %add3A_118, %mul3A_559 : i32
          %add3A_561 = arith.constant 12 : i32
          %add3A_562 = arith.addi %mul3A_560, %add3A_561 : i32
          %get3A_563 = arith.constant 0 : i32
          %get3A_564 = arith.constant 0 : i32
          %get3A_565 = tpu.memref_slice %arg7[%scan3A_32, %get3A_563, %get3A_564] : memref<2x640x64xf32, #tpu.memory_space<vmem>> -> memref<1x640x64xf32, #tpu.memory_space<vmem>>
          %get3A_566 = tpu.memref_squeeze %get3A_565 : memref<1x640x64xf32, #tpu.memory_space<vmem>> -> memref<640x64xf32, #tpu.memory_space<vmem>>
          %get3A_567 = arith.index_cast %add3A_562 : i32 to index
          %get3A_568 = arith.constant 0 : index
          %get3A_569 = tpu.vector_load %get3A_566[%get3A_567, %get3A_568] {strides = array<i32>} : memref<640x64xf32, #tpu.memory_space<vmem>>, vector<16xf32>,
          %add3A_570 = arith.addf %add3A_534, %get3A_569 : vector<16xf32>
          %get3A_571 = arith.constant 0 : i32
          %get3A_572 = arith.constant 0 : i32
          %get3A_573 = tpu.memref_slice %arg7[%scan3A_32, %get3A_571, %get3A_572] : memref<2x640x64xf32, #tpu.memory_space<vmem>> -> memref<1x640x64xf32, #tpu.memory_space<vmem>>
          %get3A_574 = tpu.memref_squeeze %get3A_573 : memref<1x640x64xf32, #tpu.memory_space<vmem>> -> memref<640x64xf32, #tpu.memory_space<vmem>>
          %get3A_575 = arith.index_cast %add3A_562 : i32 to index
          %get3A_576 = arith.constant 16 : index
          %get3A_577 = tpu.vector_load %get3A_574[%get3A_575, %get3A_576] {strides = array<i32>} : memref<640x64xf32, #tpu.memory_space<vmem>>, vector<16xf32>,
          %add3A_578 = arith.addf %add3A_542, %get3A_577 : vector<16xf32>
          %get3A_579 = arith.constant 0 : i32
          %get3A_580 = arith.constant 0 : i32
          %get3A_581 = tpu.memref_slice %arg7[%scan3A_32, %get3A_579, %get3A_580] : memref<2x640x64xf32, #tpu.memory_space<vmem>> -> memref<1x640x64xf32, #tpu.memory_space<vmem>>
          %get3A_582 = tpu.memref_squeeze %get3A_581 : memref<1x640x64xf32, #tpu.memory_space<vmem>> -> memref<640x64xf32, #tpu.memory_space<vmem>>
          %get3A_583 = arith.index_cast %add3A_562 : i32 to index
          %get3A_584 = arith.constant 32 : index
          %get3A_585 = tpu.vector_load %get3A_582[%get3A_583, %get3A_584] {strides = array<i32>} : memref<640x64xf32, #tpu.memory_space<vmem>>, vector<16xf32>,
          %add3A_586 = arith.addf %add3A_550, %get3A_585 : vector<16xf32>
          %get3A_587 = arith.constant 0 : i32
          %get3A_588 = arith.constant 0 : i32
          %get3A_589 = tpu.memref_slice %arg7[%scan3A_32, %get3A_587, %get3A_588] : memref<2x640x64xf32, #tpu.memory_space<vmem>> -> memref<1x640x64xf32, #tpu.memory_space<vmem>>
          %get3A_590 = tpu.memref_squeeze %get3A_589 : memref<1x640x64xf32, #tpu.memory_space<vmem>> -> memref<640x64xf32, #tpu.memory_space<vmem>>
          %get3A_591 = arith.index_cast %add3A_562 : i32 to index
          %get3A_592 = arith.constant 48 : index
          %get3A_593 = tpu.vector_load %get3A_590[%get3A_591, %get3A_592] {strides = array<i32>} : memref<640x64xf32, #tpu.memory_space<vmem>>, vector<16xf32>,
          %add3A_594 = arith.addf %add3A_558, %get3A_593 : vector<16xf32>
          %mul3A_595 = arith.constant 20 : i32
          %mul3A_596 = arith.muli %add3A_118, %mul3A_595 : i32
          %add3A_597 = arith.constant 13 : i32
          %add3A_598 = arith.addi %mul3A_596, %add3A_597 : i32
          %get3A_599 = arith.constant 0 : i32
          %get3A_600 = arith.constant 0 : i32
          %get3A_601 = tpu.memref_slice %arg7[%scan3A_32, %get3A_599, %get3A_600] : memref<2x640x64xf32, #tpu.memory_space<vmem>> -> memref<1x640x64xf32, #tpu.memory_space<vmem>>
          %get3A_602 = tpu.memref_squeeze %get3A_601 : memref<1x640x64xf32, #tpu.memory_space<vmem>> -> memref<640x64xf32, #tpu.memory_space<vmem>>
          %get3A_603 = arith.index_cast %add3A_598 : i32 to index
          %get3A_604 = arith.constant 0 : index
          %get3A_605 = tpu.vector_load %get3A_602[%get3A_603, %get3A_604] {strides = array<i32>} : memref<640x64xf32, #tpu.memory_space<vmem>>, vector<16xf32>,
          %add3A_606 = arith.addf %add3A_570, %get3A_605 : vector<16xf32>
          %get3A_607 = arith.constant 0 : i32
          %get3A_608 = arith.constant 0 : i32
          %get3A_609 = tpu.memref_slice %arg7[%scan3A_32, %get3A_607, %get3A_608] : memref<2x640x64xf32, #tpu.memory_space<vmem>> -> memref<1x640x64xf32, #tpu.memory_space<vmem>>
          %get3A_610 = tpu.memref_squeeze %get3A_609 : memref<1x640x64xf32, #tpu.memory_space<vmem>> -> memref<640x64xf32, #tpu.memory_space<vmem>>
          %get3A_611 = arith.index_cast %add3A_598 : i32 to index
          %get3A_612 = arith.constant 16 : index
          %get3A_613 = tpu.vector_load %get3A_610[%get3A_611, %get3A_612] {strides = array<i32>} : memref<640x64xf32, #tpu.memory_space<vmem>>, vector<16xf32>,
          %add3A_614 = arith.addf %add3A_578, %get3A_613 : vector<16xf32>
          %get3A_615 = arith.constant 0 : i32
          %get3A_616 = arith.constant 0 : i32
          %get3A_617 = tpu.memref_slice %arg7[%scan3A_32, %get3A_615, %get3A_616] : memref<2x640x64xf32, #tpu.memory_space<vmem>> -> memref<1x640x64xf32, #tpu.memory_space<vmem>>
          %get3A_618 = tpu.memref_squeeze %get3A_617 : memref<1x640x64xf32, #tpu.memory_space<vmem>> -> memref<640x64xf32, #tpu.memory_space<vmem>>
          %get3A_619 = arith.index_cast %add3A_598 : i32 to index
          %get3A_620 = arith.constant 32 : index
          %get3A_621 = tpu.vector_load %get3A_618[%get3A_619, %get3A_620] {strides = array<i32>} : memref<640x64xf32, #tpu.memory_space<vmem>>, vector<16xf32>,
          %add3A_622 = arith.addf %add3A_586, %get3A_621 : vector<16xf32>
          %get3A_623 = arith.constant 0 : i32
          %get3A_624 = arith.constant 0 : i32
          %get3A_625 = tpu.memref_slice %arg7[%scan3A_32, %get3A_623, %get3A_624] : memref<2x640x64xf32, #tpu.memory_space<vmem>> -> memref<1x640x64xf32, #tpu.memory_space<vmem>>
          %get3A_626 = tpu.memref_squeeze %get3A_625 : memref<1x640x64xf32, #tpu.memory_space<vmem>> -> memref<640x64xf32, #tpu.memory_space<vmem>>
          %get3A_627 = arith.index_cast %add3A_598 : i32 to index
          %get3A_628 = arith.constant 48 : index
          %get3A_629 = tpu.vector_load %get3A_626[%get3A_627, %get3A_628] {strides = array<i32>} : memref<640x64xf32, #tpu.memory_space<vmem>>, vector<16xf32>,
          %add3A_630 = arith.addf %add3A_594, %get3A_629 : vector<16xf32>
          %mul3A_631 = arith.constant 20 : i32
          %mul3A_632 = arith.muli %add3A_118, %mul3A_631 : i32
          %add3A_633 = arith.constant 14 : i32
          %add3A_634 = arith.addi %mul3A_632, %add3A_633 : i32
          %get3A_635 = arith.constant 0 : i32
          %get3A_636 = arith.constant 0 : i32
          %get3A_637 = tpu.memref_slice %arg7[%scan3A_32, %get3A_635, %get3A_636] : memref<2x640x64xf32, #tpu.memory_space<vmem>> -> memref<1x640x64xf32, #tpu.memory_space<vmem>>
          %get3A_638 = tpu.memref_squeeze %get3A_637 : memref<1x640x64xf32, #tpu.memory_space<vmem>> -> memref<640x64xf32, #tpu.memory_space<vmem>>
          %get3A_639 = arith.index_cast %add3A_634 : i32 to index
          %get3A_640 = arith.constant 0 : index
          %get3A_641 = tpu.vector_load %get3A_638[%get3A_639, %get3A_640] {strides = array<i32>} : memref<640x64xf32, #tpu.memory_space<vmem>>, vector<16xf32>,
          %add3A_642 = arith.addf %add3A_606, %get3A_641 : vector<16xf32>
          %get3A_643 = arith.constant 0 : i32
          %get3A_644 = arith.constant 0 : i32
          %get3A_645 = tpu.memref_slice %arg7[%scan3A_32, %get3A_643, %get3A_644] : memref<2x640x64xf32, #tpu.memory_space<vmem>> -> memref<1x640x64xf32, #tpu.memory_space<vmem>>
          %get3A_646 = tpu.memref_squeeze %get3A_645 : memref<1x640x64xf32, #tpu.memory_space<vmem>> -> memref<640x64xf32, #tpu.memory_space<vmem>>
          %get3A_647 = arith.index_cast %add3A_634 : i32 to index
          %get3A_648 = arith.constant 16 : index
          %get3A_649 = tpu.vector_load %get3A_646[%get3A_647, %get3A_648] {strides = array<i32>} : memref<640x64xf32, #tpu.memory_space<vmem>>, vector<16xf32>,
          %add3A_650 = arith.addf %add3A_614, %get3A_649 : vector<16xf32>
          %get3A_651 = arith.constant 0 : i32
          %get3A_652 = arith.constant 0 : i32
          %get3A_653 = tpu.memref_slice %arg7[%scan3A_32, %get3A_651, %get3A_652] : memref<2x640x64xf32, #tpu.memory_space<vmem>> -> memref<1x640x64xf32, #tpu.memory_space<vmem>>
          %get3A_654 = tpu.memref_squeeze %get3A_653 : memref<1x640x64xf32, #tpu.memory_space<vmem>> -> memref<640x64xf32, #tpu.memory_space<vmem>>
          %get3A_655 = arith.index_cast %add3A_634 : i32 to index
          %get3A_656 = arith.constant 32 : index
          %get3A_657 = tpu.vector_load %get3A_654[%get3A_655, %get3A_656] {strides = array<i32>} : memref<640x64xf32, #tpu.memory_space<vmem>>, vector<16xf32>,
          %add3A_658 = arith.addf %add3A_622, %get3A_657 : vector<16xf32>
          %get3A_659 = arith.constant 0 : i32
          %get3A_660 = arith.constant 0 : i32
          %get3A_661 = tpu.memref_slice %arg7[%scan3A_32, %get3A_659, %get3A_660] : memref<2x640x64xf32, #tpu.memory_space<vmem>> -> memref<1x640x64xf32, #tpu.memory_space<vmem>>
          %get3A_662 = tpu.memref_squeeze %get3A_661 : memref<1x640x64xf32, #tpu.memory_space<vmem>> -> memref<640x64xf32, #tpu.memory_space<vmem>>
          %get3A_663 = arith.index_cast %add3A_634 : i32 to index
          %get3A_664 = arith.constant 48 : index
          %get3A_665 = tpu.vector_load %get3A_662[%get3A_663, %get3A_664] {strides = array<i32>} : memref<640x64xf32, #tpu.memory_space<vmem>>, vector<16xf32>,
          %add3A_666 = arith.addf %add3A_630, %get3A_665 : vector<16xf32>
          %mul3A_667 = arith.constant 20 : i32
          %mul3A_668 = arith.muli %add3A_118, %mul3A_667 : i32
          %add3A_669 = arith.constant 15 : i32
          %add3A_670 = arith.addi %mul3A_668, %add3A_669 : i32
          %get3A_671 = arith.constant 0 : i32
          %get3A_672 = arith.constant 0 : i32
          %get3A_673 = tpu.memref_slice %arg7[%scan3A_32, %get3A_671, %get3A_672] : memref<2x640x64xf32, #tpu.memory_space<vmem>> -> memref<1x640x64xf32, #tpu.memory_space<vmem>>
          %get3A_674 = tpu.memref_squeeze %get3A_673 : memref<1x640x64xf32, #tpu.memory_space<vmem>> -> memref<640x64xf32, #tpu.memory_space<vmem>>
          %get3A_675 = arith.index_cast %add3A_670 : i32 to index
          %get3A_676 = arith.constant 0 : index
          %get3A_677 = tpu.vector_load %get3A_674[%get3A_675, %get3A_676] {strides = array<i32>} : memref<640x64xf32, #tpu.memory_space<vmem>>, vector<16xf32>,
          %add3A_678 = arith.addf %add3A_642, %get3A_677 : vector<16xf32>
          %get3A_679 = arith.constant 0 : i32
          %get3A_680 = arith.constant 0 : i32
          %get3A_681 = tpu.memref_slice %arg7[%scan3A_32, %get3A_679, %get3A_680] : memref<2x640x64xf32, #tpu.memory_space<vmem>> -> memref<1x640x64xf32, #tpu.memory_space<vmem>>
          %get3A_682 = tpu.memref_squeeze %get3A_681 : memref<1x640x64xf32, #tpu.memory_space<vmem>> -> memref<640x64xf32, #tpu.memory_space<vmem>>
          %get3A_683 = arith.index_cast %add3A_670 : i32 to index
          %get3A_684 = arith.constant 16 : index
          %get3A_685 = tpu.vector_load %get3A_682[%get3A_683, %get3A_684] {strides = array<i32>} : memref<640x64xf32, #tpu.memory_space<vmem>>, vector<16xf32>,
          %add3A_686 = arith.addf %add3A_650, %get3A_685 : vector<16xf32>
          %get3A_687 = arith.constant 0 : i32
          %get3A_688 = arith.constant 0 : i32
          %get3A_689 = tpu.memref_slice %arg7[%scan3A_32, %get3A_687, %get3A_688] : memref<2x640x64xf32, #tpu.memory_space<vmem>> -> memref<1x640x64xf32, #tpu.memory_space<vmem>>
          %get3A_690 = tpu.memref_squeeze %get3A_689 : memref<1x640x64xf32, #tpu.memory_space<vmem>> -> memref<640x64xf32, #tpu.memory_space<vmem>>
          %get3A_691 = arith.index_cast %add3A_670 : i32 to index
          %get3A_692 = arith.constant 32 : index
          %get3A_693 = tpu.vector_load %get3A_690[%get3A_691, %get3A_692] {strides = array<i32>} : memref<640x64xf32, #tpu.memory_space<vmem>>, vector<16xf32>,
          %add3A_694 = arith.addf %add3A_658, %get3A_693 : vector<16xf32>
          %get3A_695 = arith.constant 0 : i32
          %get3A_696 = arith.constant 0 : i32
          %get3A_697 = tpu.memref_slice %arg7[%scan3A_32, %get3A_695, %get3A_696] : memref<2x640x64xf32, #tpu.memory_space<vmem>> -> memref<1x640x64xf32, #tpu.memory_space<vmem>>
          %get3A_698 = tpu.memref_squeeze %get3A_697 : memref<1x640x64xf32, #tpu.memory_space<vmem>> -> memref<640x64xf32, #tpu.memory_space<vmem>>
          %get3A_699 = arith.index_cast %add3A_670 : i32 to index
          %get3A_700 = arith.constant 48 : index
          %get3A_701 = tpu.vector_load %get3A_698[%get3A_699, %get3A_700] {strides = array<i32>} : memref<640x64xf32, #tpu.memory_space<vmem>>, vector<16xf32>,
          %add3A_702 = arith.addf %add3A_666, %get3A_701 : vector<16xf32>
          %mul3A_703 = arith.constant 20 : i32
          %mul3A_704 = arith.muli %add3A_118, %mul3A_703 : i32
          %add3A_705 = arith.constant 16 : i32
          %add3A_706 = arith.addi %mul3A_704, %add3A_705 : i32
          %get3A_707 = arith.constant 0 : i32
          %get3A_708 = arith.constant 0 : i32
          %get3A_709 = tpu.memref_slice %arg7[%scan3A_32, %get3A_707, %get3A_708] : memref<2x640x64xf32, #tpu.memory_space<vmem>> -> memref<1x640x64xf32, #tpu.memory_space<vmem>>
          %get3A_710 = tpu.memref_squeeze %get3A_709 : memref<1x640x64xf32, #tpu.memory_space<vmem>> -> memref<640x64xf32, #tpu.memory_space<vmem>>
          %get3A_711 = arith.index_cast %add3A_706 : i32 to index
          %get3A_712 = arith.constant 0 : index
          %get3A_713 = tpu.vector_load %get3A_710[%get3A_711, %get3A_712] {strides = array<i32>} : memref<640x64xf32, #tpu.memory_space<vmem>>, vector<16xf32>,
          %add3A_714 = arith.addf %add3A_678, %get3A_713 : vector<16xf32>
          %get3A_715 = arith.constant 0 : i32
          %get3A_716 = arith.constant 0 : i32
          %get3A_717 = tpu.memref_slice %arg7[%scan3A_32, %get3A_715, %get3A_716] : memref<2x640x64xf32, #tpu.memory_space<vmem>> -> memref<1x640x64xf32, #tpu.memory_space<vmem>>
          %get3A_718 = tpu.memref_squeeze %get3A_717 : memref<1x640x64xf32, #tpu.memory_space<vmem>> -> memref<640x64xf32, #tpu.memory_space<vmem>>
          %get3A_719 = arith.index_cast %add3A_706 : i32 to index
          %get3A_720 = arith.constant 16 : index
          %get3A_721 = tpu.vector_load %get3A_718[%get3A_719, %get3A_720] {strides = array<i32>} : memref<640x64xf32, #tpu.memory_space<vmem>>, vector<16xf32>,
          %add3A_722 = arith.addf %add3A_686, %get3A_721 : vector<16xf32>
          %get3A_723 = arith.constant 0 : i32
          %get3A_724 = arith.constant 0 : i32
          %get3A_725 = tpu.memref_slice %arg7[%scan3A_32, %get3A_723, %get3A_724] : memref<2x640x64xf32, #tpu.memory_space<vmem>> -> memref<1x640x64xf32, #tpu.memory_space<vmem>>
          %get3A_726 = tpu.memref_squeeze %get3A_725 : memref<1x640x64xf32, #tpu.memory_space<vmem>> -> memref<640x64xf32, #tpu.memory_space<vmem>>
          %get3A_727 = arith.index_cast %add3A_706 : i32 to index
          %get3A_728 = arith.constant 32 : index
          %get3A_729 = tpu.vector_load %get3A_726[%get3A_727, %get3A_728] {strides = array<i32>} : memref<640x64xf32, #tpu.memory_space<vmem>>, vector<16xf32>,
          %add3A_730 = arith.addf %add3A_694, %get3A_729 : vector<16xf32>
          %get3A_731 = arith.constant 0 : i32
          %get3A_732 = arith.constant 0 : i32
          %get3A_733 = tpu.memref_slice %arg7[%scan3A_32, %get3A_731, %get3A_732] : memref<2x640x64xf32, #tpu.memory_space<vmem>> -> memref<1x640x64xf32, #tpu.memory_space<vmem>>
          %get3A_734 = tpu.memref_squeeze %get3A_733 : memref<1x640x64xf32, #tpu.memory_space<vmem>> -> memref<640x64xf32, #tpu.memory_space<vmem>>
          %get3A_735 = arith.index_cast %add3A_706 : i32 to index
          %get3A_736 = arith.constant 48 : index
          %get3A_737 = tpu.vector_load %get3A_734[%get3A_735, %get3A_736] {strides = array<i32>} : memref<640x64xf32, #tpu.memory_space<vmem>>, vector<16xf32>,
          %add3A_738 = arith.addf %add3A_702, %get3A_737 : vector<16xf32>
          %mul3A_739 = arith.constant 20 : i32
          %mul3A_740 = arith.muli %add3A_118, %mul3A_739 : i32
          %add3A_741 = arith.constant 17 : i32
          %add3A_742 = arith.addi %mul3A_740, %add3A_741 : i32
          %get3A_743 = arith.constant 0 : i32
          %get3A_744 = arith.constant 0 : i32
          %get3A_745 = tpu.memref_slice %arg7[%scan3A_32, %get3A_743, %get3A_744] : memref<2x640x64xf32, #tpu.memory_space<vmem>> -> memref<1x640x64xf32, #tpu.memory_space<vmem>>
          %get3A_746 = tpu.memref_squeeze %get3A_745 : memref<1x640x64xf32, #tpu.memory_space<vmem>> -> memref<640x64xf32, #tpu.memory_space<vmem>>
          %get3A_747 = arith.index_cast %add3A_742 : i32 to index
          %get3A_748 = arith.constant 0 : index
          %get3A_749 = tpu.vector_load %get3A_746[%get3A_747, %get3A_748] {strides = array<i32>} : memref<640x64xf32, #tpu.memory_space<vmem>>, vector<16xf32>,
          %add3A_750 = arith.addf %add3A_714, %get3A_749 : vector<16xf32>
          %get3A_751 = arith.constant 0 : i32
          %get3A_752 = arith.constant 0 : i32
          %get3A_753 = tpu.memref_slice %arg7[%scan3A_32, %get3A_751, %get3A_752] : memref<2x640x64xf32, #tpu.memory_space<vmem>> -> memref<1x640x64xf32, #tpu.memory_space<vmem>>
          %get3A_754 = tpu.memref_squeeze %get3A_753 : memref<1x640x64xf32, #tpu.memory_space<vmem>> -> memref<640x64xf32, #tpu.memory_space<vmem>>
          %get3A_755 = arith.index_cast %add3A_742 : i32 to index
          %get3A_756 = arith.constant 16 : index
          %get3A_757 = tpu.vector_load %get3A_754[%get3A_755, %get3A_756] {strides = array<i32>} : memref<640x64xf32, #tpu.memory_space<vmem>>, vector<16xf32>,
          %add3A_758 = arith.addf %add3A_722, %get3A_757 : vector<16xf32>
          %get3A_759 = arith.constant 0 : i32
          %get3A_760 = arith.constant 0 : i32
          %get3A_761 = tpu.memref_slice %arg7[%scan3A_32, %get3A_759, %get3A_760] : memref<2x640x64xf32, #tpu.memory_space<vmem>> -> memref<1x640x64xf32, #tpu.memory_space<vmem>>
          %get3A_762 = tpu.memref_squeeze %get3A_761 : memref<1x640x64xf32, #tpu.memory_space<vmem>> -> memref<640x64xf32, #tpu.memory_space<vmem>>
          %get3A_763 = arith.index_cast %add3A_742 : i32 to index
          %get3A_764 = arith.constant 32 : index
          %get3A_765 = tpu.vector_load %get3A_762[%get3A_763, %get3A_764] {strides = array<i32>} : memref<640x64xf32, #tpu.memory_space<vmem>>, vector<16xf32>,
          %add3A_766 = arith.addf %add3A_730, %get3A_765 : vector<16xf32>
          %get3A_767 = arith.constant 0 : i32
          %get3A_768 = arith.constant 0 : i32
          %get3A_769 = tpu.memref_slice %arg7[%scan3A_32, %get3A_767, %get3A_768] : memref<2x640x64xf32, #tpu.memory_space<vmem>> -> memref<1x640x64xf32, #tpu.memory_space<vmem>>
          %get3A_770 = tpu.memref_squeeze %get3A_769 : memref<1x640x64xf32, #tpu.memory_space<vmem>> -> memref<640x64xf32, #tpu.memory_space<vmem>>
          %get3A_771 = arith.index_cast %add3A_742 : i32 to index
          %get3A_772 = arith.constant 48 : index
          %get3A_773 = tpu.vector_load %get3A_770[%get3A_771, %get3A_772] {strides = array<i32>} : memref<640x64xf32, #tpu.memory_space<vmem>>, vector<16xf32>,
          %add3A_774 = arith.addf %add3A_738, %get3A_773 : vector<16xf32>
          %mul3A_775 = arith.constant 20 : i32
          %mul3A_776 = arith.muli %add3A_118, %mul3A_775 : i32
          %add3A_777 = arith.constant 18 : i32
          %add3A_778 = arith.addi %mul3A_776, %add3A_777 : i32
          %get3A_779 = arith.constant 0 : i32
          %get3A_780 = arith.constant 0 : i32
          %get3A_781 = tpu.memref_slice %arg7[%scan3A_32, %get3A_779, %get3A_780] : memref<2x640x64xf32, #tpu.memory_space<vmem>> -> memref<1x640x64xf32, #tpu.memory_space<vmem>>
          %get3A_782 = tpu.memref_squeeze %get3A_781 : memref<1x640x64xf32, #tpu.memory_space<vmem>> -> memref<640x64xf32, #tpu.memory_space<vmem>>
          %get3A_783 = arith.index_cast %add3A_778 : i32 to index
          %get3A_784 = arith.constant 0 : index
          %get3A_785 = tpu.vector_load %get3A_782[%get3A_783, %get3A_784] {strides = array<i32>} : memref<640x64xf32, #tpu.memory_space<vmem>>, vector<16xf32>,
          %add3A_786 = arith.addf %add3A_750, %get3A_785 : vector<16xf32>
          %get3A_787 = arith.constant 0 : i32
          %get3A_788 = arith.constant 0 : i32
          %get3A_789 = tpu.memref_slice %arg7[%scan3A_32, %get3A_787, %get3A_788] : memref<2x640x64xf32, #tpu.memory_space<vmem>> -> memref<1x640x64xf32, #tpu.memory_space<vmem>>
          %get3A_790 = tpu.memref_squeeze %get3A_789 : memref<1x640x64xf32, #tpu.memory_space<vmem>> -> memref<640x64xf32, #tpu.memory_space<vmem>>
          %get3A_791 = arith.index_cast %add3A_778 : i32 to index
          %get3A_792 = arith.constant 16 : index
          %get3A_793 = tpu.vector_load %get3A_790[%get3A_791, %get3A_792] {strides = array<i32>} : memref<640x64xf32, #tpu.memory_space<vmem>>, vector<16xf32>,
          %add3A_794 = arith.addf %add3A_758, %get3A_793 : vector<16xf32>
          %get3A_795 = arith.constant 0 : i32
          %get3A_796 = arith.constant 0 : i32
          %get3A_797 = tpu.memref_slice %arg7[%scan3A_32, %get3A_795, %get3A_796] : memref<2x640x64xf32, #tpu.memory_space<vmem>> -> memref<1x640x64xf32, #tpu.memory_space<vmem>>
          %get3A_798 = tpu.memref_squeeze %get3A_797 : memref<1x640x64xf32, #tpu.memory_space<vmem>> -> memref<640x64xf32, #tpu.memory_space<vmem>>
          %get3A_799 = arith.index_cast %add3A_778 : i32 to index
          %get3A_800 = arith.constant 32 : index
          %get3A_801 = tpu.vector_load %get3A_798[%get3A_799, %get3A_800] {strides = array<i32>} : memref<640x64xf32, #tpu.memory_space<vmem>>, vector<16xf32>,
          %add3A_802 = arith.addf %add3A_766, %get3A_801 : vector<16xf32>
          %get3A_803 = arith.constant 0 : i32
          %get3A_804 = arith.constant 0 : i32
          %get3A_805 = tpu.memref_slice %arg7[%scan3A_32, %get3A_803, %get3A_804] : memref<2x640x64xf32, #tpu.memory_space<vmem>> -> memref<1x640x64xf32, #tpu.memory_space<vmem>>
          %get3A_806 = tpu.memref_squeeze %get3A_805 : memref<1x640x64xf32, #tpu.memory_space<vmem>> -> memref<640x64xf32, #tpu.memory_space<vmem>>
          %get3A_807 = arith.index_cast %add3A_778 : i32 to index
          %get3A_808 = arith.constant 48 : index
          %get3A_809 = tpu.vector_load %get3A_806[%get3A_807, %get3A_808] {strides = array<i32>} : memref<640x64xf32, #tpu.memory_space<vmem>>, vector<16xf32>,
          %add3A_810 = arith.addf %add3A_774, %get3A_809 : vector<16xf32>
          %mul3A_811 = arith.constant 20 : i32
          %mul3A_812 = arith.muli %add3A_118, %mul3A_811 : i32
          %add3A_813 = arith.constant 19 : i32
          %add3A_814 = arith.addi %mul3A_812, %add3A_813 : i32
          %get3A_815 = arith.constant 0 : i32
          %get3A_816 = arith.constant 0 : i32
          %get3A_817 = tpu.memref_slice %arg7[%scan3A_32, %get3A_815, %get3A_816] : memref<2x640x64xf32, #tpu.memory_space<vmem>> -> memref<1x640x64xf32, #tpu.memory_space<vmem>>
          %get3A_818 = tpu.memref_squeeze %get3A_817 : memref<1x640x64xf32, #tpu.memory_space<vmem>> -> memref<640x64xf32, #tpu.memory_space<vmem>>
          %get3A_819 = arith.index_cast %add3A_814 : i32 to index
          %get3A_820 = arith.constant 0 : index
          %get3A_821 = tpu.vector_load %get3A_818[%get3A_819, %get3A_820] {strides = array<i32>} : memref<640x64xf32, #tpu.memory_space<vmem>>, vector<16xf32>,
          %add3A_822 = arith.addf %add3A_786, %get3A_821 : vector<16xf32>
          %get3A_823 = arith.constant 0 : i32
          %get3A_824 = arith.constant 0 : i32
          %get3A_825 = tpu.memref_slice %arg7[%scan3A_32, %get3A_823, %get3A_824] : memref<2x640x64xf32, #tpu.memory_space<vmem>> -> memref<1x640x64xf32, #tpu.memory_space<vmem>>
          %get3A_826 = tpu.memref_squeeze %get3A_825 : memref<1x640x64xf32, #tpu.memory_space<vmem>> -> memref<640x64xf32, #tpu.memory_space<vmem>>
          %get3A_827 = arith.index_cast %add3A_814 : i32 to index
          %get3A_828 = arith.constant 16 : index
          %get3A_829 = tpu.vector_load %get3A_826[%get3A_827, %get3A_828] {strides = array<i32>} : memref<640x64xf32, #tpu.memory_space<vmem>>, vector<16xf32>,
          %add3A_830 = arith.addf %add3A_794, %get3A_829 : vector<16xf32>
          %get3A_831 = arith.constant 0 : i32
          %get3A_832 = arith.constant 0 : i32
          %get3A_833 = tpu.memref_slice %arg7[%scan3A_32, %get3A_831, %get3A_832] : memref<2x640x64xf32, #tpu.memory_space<vmem>> -> memref<1x640x64xf32, #tpu.memory_space<vmem>>
          %get3A_834 = tpu.memref_squeeze %get3A_833 : memref<1x640x64xf32, #tpu.memory_space<vmem>> -> memref<640x64xf32, #tpu.memory_space<vmem>>
          %get3A_835 = arith.index_cast %add3A_814 : i32 to index
          %get3A_836 = arith.constant 32 : index
          %get3A_837 = tpu.vector_load %get3A_834[%get3A_835, %get3A_836] {strides = array<i32>} : memref<640x64xf32, #tpu.memory_space<vmem>>, vector<16xf32>,
          %add3A_838 = arith.addf %add3A_802, %get3A_837 : vector<16xf32>
          %get3A_839 = arith.constant 0 : i32
          %get3A_840 = arith.constant 0 : i32
          %get3A_841 = tpu.memref_slice %arg7[%scan3A_32, %get3A_839, %get3A_840] : memref<2x640x64xf32, #tpu.memory_space<vmem>> -> memref<1x640x64xf32, #tpu.memory_space<vmem>>
          %get3A_842 = tpu.memref_squeeze %get3A_841 : memref<1x640x64xf32, #tpu.memory_space<vmem>> -> memref<640x64xf32, #tpu.memory_space<vmem>>
          %get3A_843 = arith.index_cast %add3A_814 : i32 to index
          %get3A_844 = arith.constant 48 : index
          %get3A_845 = tpu.vector_load %get3A_842[%get3A_843, %get3A_844] {strides = array<i32>} : memref<640x64xf32, #tpu.memory_space<vmem>>, vector<16xf32>,
          %add3A_846 = arith.addf %add3A_810, %get3A_845 : vector<16xf32>
          %mul3A_847 = arith.constant 20 : i32
          %mul3A_848 = arith.muli %add3A_118, %mul3A_847 : i32
          %get3A_849 = arith.constant 0 : i32
          %get3A_850 = tpu.memref_slice %arg6[%scan3A_31, %get3A_849] : memref<2x640xi32, #tpu.memory_space<vmem>> -> memref<1x640xi32, #tpu.memory_space<vmem>>
          %get3A_851 = tpu.memref_squeeze %get3A_850 : memref<1x640xi32, #tpu.memory_space<vmem>> -> memref<640xi32, #tpu.memory_space<vmem>>
          %get3A_852 = arith.index_cast %mul3A_848 : i32 to index
          %get3A_853 = tpu.vector_load %get3A_851[%get3A_852] {strides = array<i32>} : memref<640xi32, #tpu.memory_space<vmem>>, vector<16xi32>,
          %mul3A_854 = arith.constant 20 : i32
          %mul3A_855 = arith.muli %add3A_118, %mul3A_854 : i32
          %add3A_856 = arith.constant 4 : i32
          %add3A_857 = arith.addi %mul3A_855, %add3A_856 : i32
          %get3A_858 = arith.constant 0 : i32
          %get3A_859 = tpu.memref_slice %arg6[%scan3A_31, %get3A_858] : memref<2x640xi32, #tpu.memory_space<vmem>> -> memref<1x640xi32, #tpu.memory_space<vmem>>
          %get3A_860 = tpu.memref_squeeze %get3A_859 : memref<1x640xi32, #tpu.memory_space<vmem>> -> memref<640xi32, #tpu.memory_space<vmem>>
          %get3A_861 = arith.index_cast %add3A_857 : i32 to index
          %get3A_862 = tpu.vector_load %get3A_860[%get3A_861] {strides = array<i32>} : memref<640xi32, #tpu.memory_space<vmem>>, vector<16xi32>,
          %eq3A = arith.constant 0 : i32
          %eq3A_863 = vector.broadcast %eq3A : i32 to vector<16xi32>
          %eq3A_864 = arith.cmpi eq, %get3A_853, %eq3A_863 : vector<16xi32>
          %select_n3A = arith.select %eq3A_864, %broadcast_in_dim3A_3, %broadcast_in_dim3A_5 : vector<16xi1>, vector<16xi32>
          %eq3A_865 = arith.constant 0 : i32
          %eq3A_866 = vector.broadcast %eq3A_865 : i32 to vector<16xi32>
          %eq3A_867 = arith.cmpi eq, %get3A_862, %eq3A_866 : vector<16xi32>
          %ge3A = arith.constant 12 : i32
          %ge3A_868 = vector.broadcast %ge3A : i32 to vector<16xi32>
          %ge3A_869 = arith.cmpi sge, %iota3A, %ge3A_868 : vector<16xi32>
          %and3A = arith.andi %eq3A_867, %ge3A_869 : vector<16xi1>
          %select_n3A_870 = arith.select %and3A, %broadcast_in_dim3A_3, %broadcast_in_dim3A_5 : vector<16xi1>, vector<16xi32>
          %add3A_871 = arith.addi %select_n3A, %select_n3A_870 : vector<16xi32>
          %reduce_sum3A = arith.constant true
          %reduce_sum3A_872 = vector.broadcast %reduce_sum3A : i1 to vector<16xi1>
          %reduce_sum3A_873 = tpu.scan <sum>, %add3A_871 masked %reduce_sum3A_872 : vector<16xi32>, vector<16xi1> -> vector<16xi32>
          %reduce_sum3A_874 = vector.extract %reduce_sum3A_873[15] : i32 from vector<16xi32>
          %convert_element_type3A_875 = arith.sitofp %reduce_sum3A_874 : i32 to f32
          %mul3A_876 = vector.broadcast %convert_element_type3A_875 : f32 to vector<16xf32>
          %mul3A_877 = arith.mulf %mul3A_876, %get3A_6 : vector<16xf32>
          %sub3A = arith.subf %add3A_822, %mul3A_877 : vector<16xf32>
          %swap3A_878 = arith.index_cast %add3A_118 : i32 to index
          %swap3A_879 = arith.constant 0 : index
          %swap3A_880 = tpu.vector_load %arg9[%swap3A_878, %swap3A_879] {strides = array<i32>} : memref<32x64xf32, #tpu.memory_space<vmem>>, vector<16xf32>,
          tpu.vector_store %arg9[%swap3A_878, %swap3A_879], %sub3A {strides = array<i32>} : memref<32x64xf32, #tpu.memory_space<vmem>>, vector<16xf32>,
          %mul3A_881 = vector.broadcast %convert_element_type3A_875 : f32 to vector<16xf32>
          %mul3A_882 = arith.mulf %mul3A_881, %get3A_8 : vector<16xf32>
          %sub3A_883 = arith.subf %add3A_830, %mul3A_882 : vector<16xf32>
          %swap3A_884 = arith.index_cast %add3A_118 : i32 to index
          %swap3A_885 = arith.constant 16 : index
          %swap3A_886 = tpu.vector_load %arg9[%swap3A_884, %swap3A_885] {strides = array<i32>} : memref<32x64xf32, #tpu.memory_space<vmem>>, vector<16xf32>,
          tpu.vector_store %arg9[%swap3A_884, %swap3A_885], %sub3A_883 {strides = array<i32>} : memref<32x64xf32, #tpu.memory_space<vmem>>, vector<16xf32>,
          %mul3A_887 = vector.broadcast %convert_element_type3A_875 : f32 to vector<16xf32>
          %mul3A_888 = arith.mulf %mul3A_887, %get3A_10 : vector<16xf32>
          %sub3A_889 = arith.subf %add3A_838, %mul3A_888 : vector<16xf32>
          %swap3A_890 = arith.index_cast %add3A_118 : i32 to index
          %swap3A_891 = arith.constant 32 : index
          %swap3A_892 = tpu.vector_load %arg9[%swap3A_890, %swap3A_891] {strides = array<i32>} : memref<32x64xf32, #tpu.memory_space<vmem>>, vector<16xf32>,
          tpu.vector_store %arg9[%swap3A_890, %swap3A_891], %sub3A_889 {strides = array<i32>} : memref<32x64xf32, #tpu.memory_space<vmem>>, vector<16xf32>,
          %mul3A_893 = vector.broadcast %convert_element_type3A_875 : f32 to vector<16xf32>
          %mul3A_894 = arith.mulf %mul3A_893, %get3A_12 : vector<16xf32>
          %sub3A_895 = arith.subf %add3A_846, %mul3A_894 : vector<16xf32>
          %swap3A_896 = arith.index_cast %add3A_118 : i32 to index
          %swap3A_897 = arith.constant 48 : index
          %swap3A_898 = tpu.vector_load %arg9[%swap3A_896, %swap3A_897] {strides = array<i32>} : memref<32x64xf32, #tpu.memory_space<vmem>>, vector<16xf32>,
          tpu.vector_store %arg9[%swap3A_896, %swap3A_897], %sub3A_895 {strides = array<i32>} : memref<32x64xf32, #tpu.memory_space<vmem>>, vector<16xf32>,
          %sub3A_899 = arith.constant 2.000000e+01 : f32
          %sub3A_900 = arith.subf %sub3A_899, %convert_element_type3A_875 : f32
          %eq3A_901 = vector.broadcast %scan3A_114 : i32 to vector<16xi32>
          %eq3A_902 = arith.cmpi eq, %iota3A, %eq3A_901 : vector<16xi32>
          %broadcast_in_dim3A_903 = vector.broadcast %sub3A_900 : f32 to vector<16xf32>
          %select_n3A_904 = arith.select %eq3A_902, %broadcast_in_dim3A_903, %scan3A_115 : vector<16xi1>, vector<16xf32>
          scf.yield %select_n3A_904 : vector<16xf32>
        }
        %scan3A_107 = arith.constant 16 : i32
        %mul3A_108 = arith.constant 32 : i32
        %mul3A_109 = arith.muli %mul3A_40, %mul3A_108 : i32
        %mul3A_110 = arith.constant 16 : i32
        %mul3A_111 = arith.muli %scan3A_99, %mul3A_110 : i32
        %add3A_112 = arith.addi %mul3A_109, %mul3A_111 : i32
        %swap3A = arith.index_cast %add3A_112 : i32 to index
        %swap3A_113 = tpu.vector_load %arg10[%swap3A] {strides = array<i32>} : memref<512xf32, #tpu.memory_space<vmem>>, vector<16xf32>,
        tpu.vector_store %arg10[%swap3A], %scan3A_106 {strides = array<i32>} : memref<512xf32, #tpu.memory_space<vmem>>, vector<16xf32>,
      }
      %scan3A_75 = arith.constant 2 : i32
      "tpu.region"() ({
        %run_scoped3A_99 = tpu.sem_alloc : memref<!tpu.dma_semaphore, #tpu.memory_space<semaphore_mem>>
        %dma_start3A_100 = arith.constant 0 : i32
        %dma_start3A_101 = tpu.memref_slice %arg4[%add3A_69, %dma_start3A_100] : memref<16384x64xf32, #tpu.memory_space<hbm>> -> memref<32x64xf32, #tpu.memory_space<hbm>>
        %dma_start3A_102 = arith.constant 0 : i32
        %dma_start3A_103 = tpu.memref_slice %arg4[%add3A_69, %dma_start3A_102] : memref<16384x64xf32, #tpu.memory_space<hbm>> -> memref<32x64xf32, #tpu.memory_space<hbm>>
        tpu.enqueue_dma source(%arg9 : memref<32x64xf32, #tpu.memory_space<vmem>>) target(%dma_start3A_103 : memref<32x64xf32, #tpu.memory_space<hbm>>) target_semaphore(%run_scoped3A_99 : memref<!tpu.dma_semaphore, #tpu.memory_space<semaphore_mem>>)
        %dma_wait3A_104 = arith.constant 0 : i32
        %dma_wait3A_105 = tpu.memref_slice %arg4[%add3A_69, %dma_wait3A_104] : memref<16384x64xf32, #tpu.memory_space<hbm>> -> memref<32x64xf32, #tpu.memory_space<hbm>>
        %dma_wait3A_106 = arith.constant 0 : i32
        %dma_wait3A_107 = tpu.memref_slice %arg4[%add3A_69, %dma_wait3A_106] : memref<16384x64xf32, #tpu.memory_space<hbm>> -> memref<32x64xf32, #tpu.memory_space<hbm>>
        tpu.wait_dma2 semaphore(%run_scoped3A_99 : memref<!tpu.dma_semaphore, #tpu.memory_space<semaphore_mem>>) src(%arg9 : memref<32x64xf32, #tpu.memory_space<vmem>>) dst(%dma_wait3A_107 : memref<32x64xf32, #tpu.memory_space<hbm>>)
        tpu.yield
      }) : () -> ()
      %lt3A = arith.constant 7 : i32
      %lt3A_76 = arith.cmpi slt, %scan3A_38, %lt3A : i32
      %convert_element_type3A = arith.extui %lt3A_76 : i1 to i32
      %cond3A = arith.constant 0 : i32
      %cond3A_77 = arith.cmpi ne, %convert_element_type3A, %cond3A : i32
      scf.if %cond3A_77 {
        %add3A_99 = arith.constant 2 : i32
        %add3A_100 = arith.addi %mul3A_40, %add3A_99 : i32
        %mul3A_101 = arith.constant 32 : i32
        %mul3A_102 = arith.muli %add3A_100, %mul3A_101 : i32
        %add3A_103 = arith.addi %mul3A_2, %mul3A_102 : i32
        %mul3A_104 = arith.constant 20 : i32
        %mul3A_105 = arith.muli %add3A_103, %mul3A_104 : i32
        "tpu.region"() ({
          %run_scoped3A_116 = tpu.sem_alloc : memref<!tpu.dma_semaphore, #tpu.memory_space<semaphore_mem>>
          %dma_start3A_117 = arith.constant 0 : i32
          %dma_start3A_118 = tpu.memref_slice %arg6[%scan3A_31, %dma_start3A_117] : memref<2x640xi32, #tpu.memory_space<vmem>> -> memref<1x640xi32, #tpu.memory_space<vmem>>
          %dma_start3A_119 = tpu.memref_squeeze %dma_start3A_118 : memref<1x640xi32, #tpu.memory_space<vmem>> -> memref<640xi32, #tpu.memory_space<vmem>>
          %dma_start3A_120 = tpu.memref_slice %arg2[%mul3A_105] : memref<327680xi32, #tpu.memory_space<hbm>> -> memref<640xi32, #tpu.memory_space<hbm>>
          %dma_start3A_121 = arith.constant 0 : i32
          %dma_start3A_122 = tpu.memref_slice %arg6[%scan3A_31, %dma_start3A_121] : memref<2x640xi32, #tpu.memory_space<vmem>> -> memref<1x640xi32, #tpu.memory_space<vmem>>
          %dma_start3A_123 = tpu.memref_squeeze %dma_start3A_122 : memref<1x640xi32, #tpu.memory_space<vmem>> -> memref<640xi32, #tpu.memory_space<vmem>>
          %dma_start3A_124 = tpu.memref_slice %arg2[%mul3A_105] : memref<327680xi32, #tpu.memory_space<hbm>> -> memref<640xi32, #tpu.memory_space<hbm>>
          tpu.enqueue_dma source(%dma_start3A_124 : memref<640xi32, #tpu.memory_space<hbm>>) target(%dma_start3A_123 : memref<640xi32, #tpu.memory_space<vmem>>) target_semaphore(%run_scoped3A_116 : memref<!tpu.dma_semaphore, #tpu.memory_space<semaphore_mem>>)
          %dma_wait3A_125 = arith.constant 0 : i32
          %dma_wait3A_126 = tpu.memref_slice %arg6[%scan3A_31, %dma_wait3A_125] : memref<2x640xi32, #tpu.memory_space<vmem>> -> memref<1x640xi32, #tpu.memory_space<vmem>>
          %dma_wait3A_127 = tpu.memref_squeeze %dma_wait3A_126 : memref<1x640xi32, #tpu.memory_space<vmem>> -> memref<640xi32, #tpu.memory_space<vmem>>
          %dma_wait3A_128 = tpu.memref_slice %arg2[%mul3A_105] : memref<327680xi32, #tpu.memory_space<hbm>> -> memref<640xi32, #tpu.memory_space<hbm>>
          %dma_wait3A_129 = arith.constant 0 : i32
          %dma_wait3A_130 = tpu.memref_slice %arg6[%scan3A_31, %dma_wait3A_129] : memref<2x640xi32, #tpu.memory_space<vmem>> -> memref<1x640xi32, #tpu.memory_space<vmem>>
          %dma_wait3A_131 = tpu.memref_squeeze %dma_wait3A_130 : memref<1x640xi32, #tpu.memory_space<vmem>> -> memref<640xi32, #tpu.memory_space<vmem>>
          %dma_wait3A_132 = tpu.memref_slice %arg2[%mul3A_105] : memref<327680xi32, #tpu.memory_space<hbm>> -> memref<640xi32, #tpu.memory_space<hbm>>
          tpu.wait_dma2 semaphore(%run_scoped3A_116 : memref<!tpu.dma_semaphore, #tpu.memory_space<semaphore_mem>>) src(%dma_wait3A_132 : memref<640xi32, #tpu.memory_space<hbm>>) dst(%dma_wait3A_131 : memref<640xi32, #tpu.memory_space<vmem>>)
          tpu.yield
        }) : () -> ()
        %dma_start3A_106 = arith.constant 0 : i32
        %dma_start3A_107 = arith.constant 0 : i32
        %dma_start3A_108 = tpu.memref_slice %arg7[%scan3A_32, %dma_start3A_106, %dma_start3A_107] : memref<2x640x64xf32, #tpu.memory_space<vmem>> -> memref<1x640x64xf32, #tpu.memory_space<vmem>>
        %dma_start3A_109 = tpu.memref_squeeze %dma_start3A_108 : memref<1x640x64xf32, #tpu.memory_space<vmem>> -> memref<640x64xf32, #tpu.memory_space<vmem>>
        %dma_start3A_110 = arith.constant 0 : i32
        %dma_start3A_111 = tpu.memref_slice %arg6[%scan3A_31, %dma_start3A_110] : memref<2x640xi32, #tpu.memory_space<vmem>> -> memref<1x640xi32, #tpu.memory_space<vmem>>
        %dma_start3A_112 = tpu.memref_squeeze %dma_start3A_111 : memref<1x640xi32, #tpu.memory_space<vmem>> -> memref<640xi32, #tpu.memory_space<vmem>>
        %dma_start3A_113 = arith.constant 0 : i32
        %dma_start3A_114 = arith.constant 0 : i32
        %dma_start3A_115 = tpu.memref_slice %arg3[%dma_start3A_113, %dma_start3A_114] : memref<100000x64xf32, #tpu.memory_space<hbm>> -> memref<100000x64xf32, #tpu.memory_space<hbm>>
        tpu.enqueue_indirect_dma source(%dma_start3A_115 : memref<100000x64xf32, #tpu.memory_space<hbm>>) target(%dma_start3A_109 : memref<640x64xf32, #tpu.memory_space<vmem>>) offsets(%dma_start3A_112 : memref<640xi32, #tpu.memory_space<vmem>>) semaphore(%arg11 : memref<!tpu.dma_semaphore, #tpu.memory_space<semaphore_mem>>)
      } else {
      }
      %add3A_78 = arith.constant 1 : i32
      %add3A_79 = arith.addi %mul3A_40, %add3A_78 : i32
      %dma_wait3A_80 = arith.constant 0 : i32
      %dma_wait3A_81 = arith.constant 0 : i32
      %dma_wait3A_82 = tpu.memref_slice %arg7[%scan3A_30, %dma_wait3A_80, %dma_wait3A_81] : memref<2x640x64xf32, #tpu.memory_space<vmem>> -> memref<1x640x64xf32, #tpu.memory_space<vmem>>
      %dma_wait3A_83 = tpu.memref_squeeze %dma_wait3A_82 : memref<1x640x64xf32, #tpu.memory_space<vmem>> -> memref<640x64xf32, #tpu.memory_space<vmem>>
      %dma_wait3A_84 = arith.constant 0 : i32
      %dma_wait3A_85 = tpu.memref_slice %arg6[%scan3A_29, %dma_wait3A_84] : memref<2x640xi32, #tpu.memory_space<vmem>> -> memref<1x640xi32, #tpu.memory_space<vmem>>
      %dma_wait3A_86 = tpu.memref_squeeze %dma_wait3A_85 : memref<1x640xi32, #tpu.memory_space<vmem>> -> memref<640xi32, #tpu.memory_space<vmem>>
      %dma_wait3A_87 = arith.constant 0 : i32
      %dma_wait3A_88 = arith.constant 0 : i32
      %dma_wait3A_89 = tpu.memref_slice %arg3[%dma_wait3A_87, %dma_wait3A_88] : memref<100000x64xf32, #tpu.memory_space<hbm>> -> memref<100000x64xf32, #tpu.memory_space<hbm>>
      tpu.wait_indirect_dma semaphore(%arg12 : memref<!tpu.dma_semaphore, #tpu.memory_space<semaphore_mem>>) src(%dma_wait3A_89 : memref<100000x64xf32, #tpu.memory_space<hbm>>) dst(%dma_wait3A_83 : memref<640x64xf32, #tpu.memory_space<vmem>>)
      %mul3A_90 = arith.constant 32 : i32
      %mul3A_91 = arith.muli %add3A_79, %mul3A_90 : i32
      %add3A_92 = arith.addi %mul3A_2, %mul3A_91 : i32
      %scan3A_93 = arith.constant 0 : i32
      %scan3A_94 = arith.constant 0 : i32
      %scan3A_95 = arith.constant 2 : i32
      %scan3A_96 = arith.addi %scan3A_94, %scan3A_95 : i32
      %scan3A_97 = arith.constant 1 : i32
      scf.for %scan3A_99 = %scan3A_94 to %scan3A_96 step %scan3A_97  : i32 {
        %broadcast_in_dim3A_100 = arith.constant 0.000000e+00 : f32
        %broadcast_in_dim3A_101 = vector.broadcast %broadcast_in_dim3A_100 : f32 to vector<16xf32>
        %scan3A_102 = arith.constant 0 : i32
        %scan3A_103 = arith.constant 16 : i32
        %scan3A_104 = arith.addi %scan3A_102, %scan3A_103 : i32
        %scan3A_105 = arith.constant 1 : i32
        %scan3A_106 = scf.for %scan3A_114 = %scan3A_102 to %scan3A_104 step %scan3A_105 iter_args(%scan3A_115 = %broadcast_in_dim3A_101) -> (vector<16xf32>)  : i32 {
          %mul3A_116 = arith.constant 16 : i32
          %mul3A_117 = arith.muli %scan3A_99, %mul3A_116 : i32
          %add3A_118 = arith.addi %mul3A_117, %scan3A_114 : i32
          %broadcast_in_dim3A_119 = arith.constant 0.000000e+00 : f32
          %broadcast_in_dim3A_120 = vector.broadcast %broadcast_in_dim3A_119 : f32 to vector<16xf32>
          %broadcast_in_dim3A_121 = arith.constant 0.000000e+00 : f32
          %broadcast_in_dim3A_122 = vector.broadcast %broadcast_in_dim3A_121 : f32 to vector<16xf32>
          %broadcast_in_dim3A_123 = arith.constant 0.000000e+00 : f32
          %broadcast_in_dim3A_124 = vector.broadcast %broadcast_in_dim3A_123 : f32 to vector<16xf32>
          %broadcast_in_dim3A_125 = arith.constant 0.000000e+00 : f32
          %broadcast_in_dim3A_126 = vector.broadcast %broadcast_in_dim3A_125 : f32 to vector<16xf32>
          %mul3A_127 = arith.constant 20 : i32
          %mul3A_128 = arith.muli %add3A_118, %mul3A_127 : i32
          %add3A_129 = arith.constant 0 : i32
          %add3A_130 = arith.addi %mul3A_128, %add3A_129 : i32
          %get3A_131 = arith.constant 0 : i32
          %get3A_132 = arith.constant 0 : i32
          %get3A_133 = tpu.memref_slice %arg7[%scan3A_30, %get3A_131, %get3A_132] : memref<2x640x64xf32, #tpu.memory_space<vmem>> -> memref<1x640x64xf32, #tpu.memory_space<vmem>>
          %get3A_134 = tpu.memref_squeeze %get3A_133 : memref<1x640x64xf32, #tpu.memory_space<vmem>> -> memref<640x64xf32, #tpu.memory_space<vmem>>
          %get3A_135 = arith.index_cast %add3A_130 : i32 to index
          %get3A_136 = arith.constant 0 : index
          %get3A_137 = tpu.vector_load %get3A_134[%get3A_135, %get3A_136] {strides = array<i32>} : memref<640x64xf32, #tpu.memory_space<vmem>>, vector<16xf32>,
          %add3A_138 = arith.addf %broadcast_in_dim3A_120, %get3A_137 : vector<16xf32>
          %get3A_139 = arith.constant 0 : i32
          %get3A_140 = arith.constant 0 : i32
          %get3A_141 = tpu.memref_slice %arg7[%scan3A_30, %get3A_139, %get3A_140] : memref<2x640x64xf32, #tpu.memory_space<vmem>> -> memref<1x640x64xf32, #tpu.memory_space<vmem>>
          %get3A_142 = tpu.memref_squeeze %get3A_141 : memref<1x640x64xf32, #tpu.memory_space<vmem>> -> memref<640x64xf32, #tpu.memory_space<vmem>>
          %get3A_143 = arith.index_cast %add3A_130 : i32 to index
          %get3A_144 = arith.constant 16 : index
          %get3A_145 = tpu.vector_load %get3A_142[%get3A_143, %get3A_144] {strides = array<i32>} : memref<640x64xf32, #tpu.memory_space<vmem>>, vector<16xf32>,
          %add3A_146 = arith.addf %broadcast_in_dim3A_122, %get3A_145 : vector<16xf32>
          %get3A_147 = arith.constant 0 : i32
          %get3A_148 = arith.constant 0 : i32
          %get3A_149 = tpu.memref_slice %arg7[%scan3A_30, %get3A_147, %get3A_148] : memref<2x640x64xf32, #tpu.memory_space<vmem>> -> memref<1x640x64xf32, #tpu.memory_space<vmem>>
          %get3A_150 = tpu.memref_squeeze %get3A_149 : memref<1x640x64xf32, #tpu.memory_space<vmem>> -> memref<640x64xf32, #tpu.memory_space<vmem>>
          %get3A_151 = arith.index_cast %add3A_130 : i32 to index
          %get3A_152 = arith.constant 32 : index
          %get3A_153 = tpu.vector_load %get3A_150[%get3A_151, %get3A_152] {strides = array<i32>} : memref<640x64xf32, #tpu.memory_space<vmem>>, vector<16xf32>,
          %add3A_154 = arith.addf %broadcast_in_dim3A_124, %get3A_153 : vector<16xf32>
          %get3A_155 = arith.constant 0 : i32
          %get3A_156 = arith.constant 0 : i32
          %get3A_157 = tpu.memref_slice %arg7[%scan3A_30, %get3A_155, %get3A_156] : memref<2x640x64xf32, #tpu.memory_space<vmem>> -> memref<1x640x64xf32, #tpu.memory_space<vmem>>
          %get3A_158 = tpu.memref_squeeze %get3A_157 : memref<1x640x64xf32, #tpu.memory_space<vmem>> -> memref<640x64xf32, #tpu.memory_space<vmem>>
          %get3A_159 = arith.index_cast %add3A_130 : i32 to index
          %get3A_160 = arith.constant 48 : index
          %get3A_161 = tpu.vector_load %get3A_158[%get3A_159, %get3A_160] {strides = array<i32>} : memref<640x64xf32, #tpu.memory_space<vmem>>, vector<16xf32>,
          %add3A_162 = arith.addf %broadcast_in_dim3A_126, %get3A_161 : vector<16xf32>
          %mul3A_163 = arith.constant 20 : i32
          %mul3A_164 = arith.muli %add3A_118, %mul3A_163 : i32
          %add3A_165 = arith.constant 1 : i32
          %add3A_166 = arith.addi %mul3A_164, %add3A_165 : i32
          %get3A_167 = arith.constant 0 : i32
          %get3A_168 = arith.constant 0 : i32
          %get3A_169 = tpu.memref_slice %arg7[%scan3A_30, %get3A_167, %get3A_168] : memref<2x640x64xf32, #tpu.memory_space<vmem>> -> memref<1x640x64xf32, #tpu.memory_space<vmem>>
          %get3A_170 = tpu.memref_squeeze %get3A_169 : memref<1x640x64xf32, #tpu.memory_space<vmem>> -> memref<640x64xf32, #tpu.memory_space<vmem>>
          %get3A_171 = arith.index_cast %add3A_166 : i32 to index
          %get3A_172 = arith.constant 0 : index
          %get3A_173 = tpu.vector_load %get3A_170[%get3A_171, %get3A_172] {strides = array<i32>} : memref<640x64xf32, #tpu.memory_space<vmem>>, vector<16xf32>,
          %add3A_174 = arith.addf %add3A_138, %get3A_173 : vector<16xf32>
          %get3A_175 = arith.constant 0 : i32
          %get3A_176 = arith.constant 0 : i32
          %get3A_177 = tpu.memref_slice %arg7[%scan3A_30, %get3A_175, %get3A_176] : memref<2x640x64xf32, #tpu.memory_space<vmem>> -> memref<1x640x64xf32, #tpu.memory_space<vmem>>
          %get3A_178 = tpu.memref_squeeze %get3A_177 : memref<1x640x64xf32, #tpu.memory_space<vmem>> -> memref<640x64xf32, #tpu.memory_space<vmem>>
          %get3A_179 = arith.index_cast %add3A_166 : i32 to index
          %get3A_180 = arith.constant 16 : index
          %get3A_181 = tpu.vector_load %get3A_178[%get3A_179, %get3A_180] {strides = array<i32>} : memref<640x64xf32, #tpu.memory_space<vmem>>, vector<16xf32>,
          %add3A_182 = arith.addf %add3A_146, %get3A_181 : vector<16xf32>
          %get3A_183 = arith.constant 0 : i32
          %get3A_184 = arith.constant 0 : i32
          %get3A_185 = tpu.memref_slice %arg7[%scan3A_30, %get3A_183, %get3A_184] : memref<2x640x64xf32, #tpu.memory_space<vmem>> -> memref<1x640x64xf32, #tpu.memory_space<vmem>>
          %get3A_186 = tpu.memref_squeeze %get3A_185 : memref<1x640x64xf32, #tpu.memory_space<vmem>> -> memref<640x64xf32, #tpu.memory_space<vmem>>
          %get3A_187 = arith.index_cast %add3A_166 : i32 to index
          %get3A_188 = arith.constant 32 : index
          %get3A_189 = tpu.vector_load %get3A_186[%get3A_187, %get3A_188] {strides = array<i32>} : memref<640x64xf32, #tpu.memory_space<vmem>>, vector<16xf32>,
          %add3A_190 = arith.addf %add3A_154, %get3A_189 : vector<16xf32>
          %get3A_191 = arith.constant 0 : i32
          %get3A_192 = arith.constant 0 : i32
          %get3A_193 = tpu.memref_slice %arg7[%scan3A_30, %get3A_191, %get3A_192] : memref<2x640x64xf32, #tpu.memory_space<vmem>> -> memref<1x640x64xf32, #tpu.memory_space<vmem>>
          %get3A_194 = tpu.memref_squeeze %get3A_193 : memref<1x640x64xf32, #tpu.memory_space<vmem>> -> memref<640x64xf32, #tpu.memory_space<vmem>>
          %get3A_195 = arith.index_cast %add3A_166 : i32 to index
          %get3A_196 = arith.constant 48 : index
          %get3A_197 = tpu.vector_load %get3A_194[%get3A_195, %get3A_196] {strides = array<i32>} : memref<640x64xf32, #tpu.memory_space<vmem>>, vector<16xf32>,
          %add3A_198 = arith.addf %add3A_162, %get3A_197 : vector<16xf32>
          %mul3A_199 = arith.constant 20 : i32
          %mul3A_200 = arith.muli %add3A_118, %mul3A_199 : i32
          %add3A_201 = arith.constant 2 : i32
          %add3A_202 = arith.addi %mul3A_200, %add3A_201 : i32
          %get3A_203 = arith.constant 0 : i32
          %get3A_204 = arith.constant 0 : i32
          %get3A_205 = tpu.memref_slice %arg7[%scan3A_30, %get3A_203, %get3A_204] : memref<2x640x64xf32, #tpu.memory_space<vmem>> -> memref<1x640x64xf32, #tpu.memory_space<vmem>>
          %get3A_206 = tpu.memref_squeeze %get3A_205 : memref<1x640x64xf32, #tpu.memory_space<vmem>> -> memref<640x64xf32, #tpu.memory_space<vmem>>
          %get3A_207 = arith.index_cast %add3A_202 : i32 to index
          %get3A_208 = arith.constant 0 : index
          %get3A_209 = tpu.vector_load %get3A_206[%get3A_207, %get3A_208] {strides = array<i32>} : memref<640x64xf32, #tpu.memory_space<vmem>>, vector<16xf32>,
          %add3A_210 = arith.addf %add3A_174, %get3A_209 : vector<16xf32>
          %get3A_211 = arith.constant 0 : i32
          %get3A_212 = arith.constant 0 : i32
          %get3A_213 = tpu.memref_slice %arg7[%scan3A_30, %get3A_211, %get3A_212] : memref<2x640x64xf32, #tpu.memory_space<vmem>> -> memref<1x640x64xf32, #tpu.memory_space<vmem>>
          %get3A_214 = tpu.memref_squeeze %get3A_213 : memref<1x640x64xf32, #tpu.memory_space<vmem>> -> memref<640x64xf32, #tpu.memory_space<vmem>>
          %get3A_215 = arith.index_cast %add3A_202 : i32 to index
          %get3A_216 = arith.constant 16 : index
          %get3A_217 = tpu.vector_load %get3A_214[%get3A_215, %get3A_216] {strides = array<i32>} : memref<640x64xf32, #tpu.memory_space<vmem>>, vector<16xf32>,
          %add3A_218 = arith.addf %add3A_182, %get3A_217 : vector<16xf32>
          %get3A_219 = arith.constant 0 : i32
          %get3A_220 = arith.constant 0 : i32
          %get3A_221 = tpu.memref_slice %arg7[%scan3A_30, %get3A_219, %get3A_220] : memref<2x640x64xf32, #tpu.memory_space<vmem>> -> memref<1x640x64xf32, #tpu.memory_space<vmem>>
          %get3A_222 = tpu.memref_squeeze %get3A_221 : memref<1x640x64xf32, #tpu.memory_space<vmem>> -> memref<640x64xf32, #tpu.memory_space<vmem>>
          %get3A_223 = arith.index_cast %add3A_202 : i32 to index
          %get3A_224 = arith.constant 32 : index
          %get3A_225 = tpu.vector_load %get3A_222[%get3A_223, %get3A_224] {strides = array<i32>} : memref<640x64xf32, #tpu.memory_space<vmem>>, vector<16xf32>,
          %add3A_226 = arith.addf %add3A_190, %get3A_225 : vector<16xf32>
          %get3A_227 = arith.constant 0 : i32
          %get3A_228 = arith.constant 0 : i32
          %get3A_229 = tpu.memref_slice %arg7[%scan3A_30, %get3A_227, %get3A_228] : memref<2x640x64xf32, #tpu.memory_space<vmem>> -> memref<1x640x64xf32, #tpu.memory_space<vmem>>
          %get3A_230 = tpu.memref_squeeze %get3A_229 : memref<1x640x64xf32, #tpu.memory_space<vmem>> -> memref<640x64xf32, #tpu.memory_space<vmem>>
          %get3A_231 = arith.index_cast %add3A_202 : i32 to index
          %get3A_232 = arith.constant 48 : index
          %get3A_233 = tpu.vector_load %get3A_230[%get3A_231, %get3A_232] {strides = array<i32>} : memref<640x64xf32, #tpu.memory_space<vmem>>, vector<16xf32>,
          %add3A_234 = arith.addf %add3A_198, %get3A_233 : vector<16xf32>
          %mul3A_235 = arith.constant 20 : i32
          %mul3A_236 = arith.muli %add3A_118, %mul3A_235 : i32
          %add3A_237 = arith.constant 3 : i32
          %add3A_238 = arith.addi %mul3A_236, %add3A_237 : i32
          %get3A_239 = arith.constant 0 : i32
          %get3A_240 = arith.constant 0 : i32
          %get3A_241 = tpu.memref_slice %arg7[%scan3A_30, %get3A_239, %get3A_240] : memref<2x640x64xf32, #tpu.memory_space<vmem>> -> memref<1x640x64xf32, #tpu.memory_space<vmem>>
          %get3A_242 = tpu.memref_squeeze %get3A_241 : memref<1x640x64xf32, #tpu.memory_space<vmem>> -> memref<640x64xf32, #tpu.memory_space<vmem>>
          %get3A_243 = arith.index_cast %add3A_238 : i32 to index
          %get3A_244 = arith.constant 0 : index
          %get3A_245 = tpu.vector_load %get3A_242[%get3A_243, %get3A_244] {strides = array<i32>} : memref<640x64xf32, #tpu.memory_space<vmem>>, vector<16xf32>,
          %add3A_246 = arith.addf %add3A_210, %get3A_245 : vector<16xf32>
          %get3A_247 = arith.constant 0 : i32
          %get3A_248 = arith.constant 0 : i32
          %get3A_249 = tpu.memref_slice %arg7[%scan3A_30, %get3A_247, %get3A_248] : memref<2x640x64xf32, #tpu.memory_space<vmem>> -> memref<1x640x64xf32, #tpu.memory_space<vmem>>
          %get3A_250 = tpu.memref_squeeze %get3A_249 : memref<1x640x64xf32, #tpu.memory_space<vmem>> -> memref<640x64xf32, #tpu.memory_space<vmem>>
          %get3A_251 = arith.index_cast %add3A_238 : i32 to index
          %get3A_252 = arith.constant 16 : index
          %get3A_253 = tpu.vector_load %get3A_250[%get3A_251, %get3A_252] {strides = array<i32>} : memref<640x64xf32, #tpu.memory_space<vmem>>, vector<16xf32>,
          %add3A_254 = arith.addf %add3A_218, %get3A_253 : vector<16xf32>
          %get3A_255 = arith.constant 0 : i32
          %get3A_256 = arith.constant 0 : i32
          %get3A_257 = tpu.memref_slice %arg7[%scan3A_30, %get3A_255, %get3A_256] : memref<2x640x64xf32, #tpu.memory_space<vmem>> -> memref<1x640x64xf32, #tpu.memory_space<vmem>>
          %get3A_258 = tpu.memref_squeeze %get3A_257 : memref<1x640x64xf32, #tpu.memory_space<vmem>> -> memref<640x64xf32, #tpu.memory_space<vmem>>
          %get3A_259 = arith.index_cast %add3A_238 : i32 to index
          %get3A_260 = arith.constant 32 : index
          %get3A_261 = tpu.vector_load %get3A_258[%get3A_259, %get3A_260] {strides = array<i32>} : memref<640x64xf32, #tpu.memory_space<vmem>>, vector<16xf32>,
          %add3A_262 = arith.addf %add3A_226, %get3A_261 : vector<16xf32>
          %get3A_263 = arith.constant 0 : i32
          %get3A_264 = arith.constant 0 : i32
          %get3A_265 = tpu.memref_slice %arg7[%scan3A_30, %get3A_263, %get3A_264] : memref<2x640x64xf32, #tpu.memory_space<vmem>> -> memref<1x640x64xf32, #tpu.memory_space<vmem>>
          %get3A_266 = tpu.memref_squeeze %get3A_265 : memref<1x640x64xf32, #tpu.memory_space<vmem>> -> memref<640x64xf32, #tpu.memory_space<vmem>>
          %get3A_267 = arith.index_cast %add3A_238 : i32 to index
          %get3A_268 = arith.constant 48 : index
          %get3A_269 = tpu.vector_load %get3A_266[%get3A_267, %get3A_268] {strides = array<i32>} : memref<640x64xf32, #tpu.memory_space<vmem>>, vector<16xf32>,
          %add3A_270 = arith.addf %add3A_234, %get3A_269 : vector<16xf32>
          %mul3A_271 = arith.constant 20 : i32
          %mul3A_272 = arith.muli %add3A_118, %mul3A_271 : i32
          %add3A_273 = arith.constant 4 : i32
          %add3A_274 = arith.addi %mul3A_272, %add3A_273 : i32
          %get3A_275 = arith.constant 0 : i32
          %get3A_276 = arith.constant 0 : i32
          %get3A_277 = tpu.memref_slice %arg7[%scan3A_30, %get3A_275, %get3A_276] : memref<2x640x64xf32, #tpu.memory_space<vmem>> -> memref<1x640x64xf32, #tpu.memory_space<vmem>>
          %get3A_278 = tpu.memref_squeeze %get3A_277 : memref<1x640x64xf32, #tpu.memory_space<vmem>> -> memref<640x64xf32, #tpu.memory_space<vmem>>
          %get3A_279 = arith.index_cast %add3A_274 : i32 to index
          %get3A_280 = arith.constant 0 : index
          %get3A_281 = tpu.vector_load %get3A_278[%get3A_279, %get3A_280] {strides = array<i32>} : memref<640x64xf32, #tpu.memory_space<vmem>>, vector<16xf32>,
          %add3A_282 = arith.addf %add3A_246, %get3A_281 : vector<16xf32>
          %get3A_283 = arith.constant 0 : i32
          %get3A_284 = arith.constant 0 : i32
          %get3A_285 = tpu.memref_slice %arg7[%scan3A_30, %get3A_283, %get3A_284] : memref<2x640x64xf32, #tpu.memory_space<vmem>> -> memref<1x640x64xf32, #tpu.memory_space<vmem>>
          %get3A_286 = tpu.memref_squeeze %get3A_285 : memref<1x640x64xf32, #tpu.memory_space<vmem>> -> memref<640x64xf32, #tpu.memory_space<vmem>>
          %get3A_287 = arith.index_cast %add3A_274 : i32 to index
          %get3A_288 = arith.constant 16 : index
          %get3A_289 = tpu.vector_load %get3A_286[%get3A_287, %get3A_288] {strides = array<i32>} : memref<640x64xf32, #tpu.memory_space<vmem>>, vector<16xf32>,
          %add3A_290 = arith.addf %add3A_254, %get3A_289 : vector<16xf32>
          %get3A_291 = arith.constant 0 : i32
          %get3A_292 = arith.constant 0 : i32
          %get3A_293 = tpu.memref_slice %arg7[%scan3A_30, %get3A_291, %get3A_292] : memref<2x640x64xf32, #tpu.memory_space<vmem>> -> memref<1x640x64xf32, #tpu.memory_space<vmem>>
          %get3A_294 = tpu.memref_squeeze %get3A_293 : memref<1x640x64xf32, #tpu.memory_space<vmem>> -> memref<640x64xf32, #tpu.memory_space<vmem>>
          %get3A_295 = arith.index_cast %add3A_274 : i32 to index
          %get3A_296 = arith.constant 32 : index
          %get3A_297 = tpu.vector_load %get3A_294[%get3A_295, %get3A_296] {strides = array<i32>} : memref<640x64xf32, #tpu.memory_space<vmem>>, vector<16xf32>,
          %add3A_298 = arith.addf %add3A_262, %get3A_297 : vector<16xf32>
          %get3A_299 = arith.constant 0 : i32
          %get3A_300 = arith.constant 0 : i32
          %get3A_301 = tpu.memref_slice %arg7[%scan3A_30, %get3A_299, %get3A_300] : memref<2x640x64xf32, #tpu.memory_space<vmem>> -> memref<1x640x64xf32, #tpu.memory_space<vmem>>
          %get3A_302 = tpu.memref_squeeze %get3A_301 : memref<1x640x64xf32, #tpu.memory_space<vmem>> -> memref<640x64xf32, #tpu.memory_space<vmem>>
          %get3A_303 = arith.index_cast %add3A_274 : i32 to index
          %get3A_304 = arith.constant 48 : index
          %get3A_305 = tpu.vector_load %get3A_302[%get3A_303, %get3A_304] {strides = array<i32>} : memref<640x64xf32, #tpu.memory_space<vmem>>, vector<16xf32>,
          %add3A_306 = arith.addf %add3A_270, %get3A_305 : vector<16xf32>
          %mul3A_307 = arith.constant 20 : i32
          %mul3A_308 = arith.muli %add3A_118, %mul3A_307 : i32
          %add3A_309 = arith.constant 5 : i32
          %add3A_310 = arith.addi %mul3A_308, %add3A_309 : i32
          %get3A_311 = arith.constant 0 : i32
          %get3A_312 = arith.constant 0 : i32
          %get3A_313 = tpu.memref_slice %arg7[%scan3A_30, %get3A_311, %get3A_312] : memref<2x640x64xf32, #tpu.memory_space<vmem>> -> memref<1x640x64xf32, #tpu.memory_space<vmem>>
          %get3A_314 = tpu.memref_squeeze %get3A_313 : memref<1x640x64xf32, #tpu.memory_space<vmem>> -> memref<640x64xf32, #tpu.memory_space<vmem>>
          %get3A_315 = arith.index_cast %add3A_310 : i32 to index
          %get3A_316 = arith.constant 0 : index
          %get3A_317 = tpu.vector_load %get3A_314[%get3A_315, %get3A_316] {strides = array<i32>} : memref<640x64xf32, #tpu.memory_space<vmem>>, vector<16xf32>,
          %add3A_318 = arith.addf %add3A_282, %get3A_317 : vector<16xf32>
          %get3A_319 = arith.constant 0 : i32
          %get3A_320 = arith.constant 0 : i32
          %get3A_321 = tpu.memref_slice %arg7[%scan3A_30, %get3A_319, %get3A_320] : memref<2x640x64xf32, #tpu.memory_space<vmem>> -> memref<1x640x64xf32, #tpu.memory_space<vmem>>
          %get3A_322 = tpu.memref_squeeze %get3A_321 : memref<1x640x64xf32, #tpu.memory_space<vmem>> -> memref<640x64xf32, #tpu.memory_space<vmem>>
          %get3A_323 = arith.index_cast %add3A_310 : i32 to index
          %get3A_324 = arith.constant 16 : index
          %get3A_325 = tpu.vector_load %get3A_322[%get3A_323, %get3A_324] {strides = array<i32>} : memref<640x64xf32, #tpu.memory_space<vmem>>, vector<16xf32>,
          %add3A_326 = arith.addf %add3A_290, %get3A_325 : vector<16xf32>
          %get3A_327 = arith.constant 0 : i32
          %get3A_328 = arith.constant 0 : i32
          %get3A_329 = tpu.memref_slice %arg7[%scan3A_30, %get3A_327, %get3A_328] : memref<2x640x64xf32, #tpu.memory_space<vmem>> -> memref<1x640x64xf32, #tpu.memory_space<vmem>>
          %get3A_330 = tpu.memref_squeeze %get3A_329 : memref<1x640x64xf32, #tpu.memory_space<vmem>> -> memref<640x64xf32, #tpu.memory_space<vmem>>
          %get3A_331 = arith.index_cast %add3A_310 : i32 to index
          %get3A_332 = arith.constant 32 : index
          %get3A_333 = tpu.vector_load %get3A_330[%get3A_331, %get3A_332] {strides = array<i32>} : memref<640x64xf32, #tpu.memory_space<vmem>>, vector<16xf32>,
          %add3A_334 = arith.addf %add3A_298, %get3A_333 : vector<16xf32>
          %get3A_335 = arith.constant 0 : i32
          %get3A_336 = arith.constant 0 : i32
          %get3A_337 = tpu.memref_slice %arg7[%scan3A_30, %get3A_335, %get3A_336] : memref<2x640x64xf32, #tpu.memory_space<vmem>> -> memref<1x640x64xf32, #tpu.memory_space<vmem>>
          %get3A_338 = tpu.memref_squeeze %get3A_337 : memref<1x640x64xf32, #tpu.memory_space<vmem>> -> memref<640x64xf32, #tpu.memory_space<vmem>>
          %get3A_339 = arith.index_cast %add3A_310 : i32 to index
          %get3A_340 = arith.constant 48 : index
          %get3A_341 = tpu.vector_load %get3A_338[%get3A_339, %get3A_340] {strides = array<i32>} : memref<640x64xf32, #tpu.memory_space<vmem>>, vector<16xf32>,
          %add3A_342 = arith.addf %add3A_306, %get3A_341 : vector<16xf32>
          %mul3A_343 = arith.constant 20 : i32
          %mul3A_344 = arith.muli %add3A_118, %mul3A_343 : i32
          %add3A_345 = arith.constant 6 : i32
          %add3A_346 = arith.addi %mul3A_344, %add3A_345 : i32
          %get3A_347 = arith.constant 0 : i32
          %get3A_348 = arith.constant 0 : i32
          %get3A_349 = tpu.memref_slice %arg7[%scan3A_30, %get3A_347, %get3A_348] : memref<2x640x64xf32, #tpu.memory_space<vmem>> -> memref<1x640x64xf32, #tpu.memory_space<vmem>>
          %get3A_350 = tpu.memref_squeeze %get3A_349 : memref<1x640x64xf32, #tpu.memory_space<vmem>> -> memref<640x64xf32, #tpu.memory_space<vmem>>
          %get3A_351 = arith.index_cast %add3A_346 : i32 to index
          %get3A_352 = arith.constant 0 : index
          %get3A_353 = tpu.vector_load %get3A_350[%get3A_351, %get3A_352] {strides = array<i32>} : memref<640x64xf32, #tpu.memory_space<vmem>>, vector<16xf32>,
          %add3A_354 = arith.addf %add3A_318, %get3A_353 : vector<16xf32>
          %get3A_355 = arith.constant 0 : i32
          %get3A_356 = arith.constant 0 : i32
          %get3A_357 = tpu.memref_slice %arg7[%scan3A_30, %get3A_355, %get3A_356] : memref<2x640x64xf32, #tpu.memory_space<vmem>> -> memref<1x640x64xf32, #tpu.memory_space<vmem>>
          %get3A_358 = tpu.memref_squeeze %get3A_357 : memref<1x640x64xf32, #tpu.memory_space<vmem>> -> memref<640x64xf32, #tpu.memory_space<vmem>>
          %get3A_359 = arith.index_cast %add3A_346 : i32 to index
          %get3A_360 = arith.constant 16 : index
          %get3A_361 = tpu.vector_load %get3A_358[%get3A_359, %get3A_360] {strides = array<i32>} : memref<640x64xf32, #tpu.memory_space<vmem>>, vector<16xf32>,
          %add3A_362 = arith.addf %add3A_326, %get3A_361 : vector<16xf32>
          %get3A_363 = arith.constant 0 : i32
          %get3A_364 = arith.constant 0 : i32
          %get3A_365 = tpu.memref_slice %arg7[%scan3A_30, %get3A_363, %get3A_364] : memref<2x640x64xf32, #tpu.memory_space<vmem>> -> memref<1x640x64xf32, #tpu.memory_space<vmem>>
          %get3A_366 = tpu.memref_squeeze %get3A_365 : memref<1x640x64xf32, #tpu.memory_space<vmem>> -> memref<640x64xf32, #tpu.memory_space<vmem>>
          %get3A_367 = arith.index_cast %add3A_346 : i32 to index
          %get3A_368 = arith.constant 32 : index
          %get3A_369 = tpu.vector_load %get3A_366[%get3A_367, %get3A_368] {strides = array<i32>} : memref<640x64xf32, #tpu.memory_space<vmem>>, vector<16xf32>,
          %add3A_370 = arith.addf %add3A_334, %get3A_369 : vector<16xf32>
          %get3A_371 = arith.constant 0 : i32
          %get3A_372 = arith.constant 0 : i32
          %get3A_373 = tpu.memref_slice %arg7[%scan3A_30, %get3A_371, %get3A_372] : memref<2x640x64xf32, #tpu.memory_space<vmem>> -> memref<1x640x64xf32, #tpu.memory_space<vmem>>
          %get3A_374 = tpu.memref_squeeze %get3A_373 : memref<1x640x64xf32, #tpu.memory_space<vmem>> -> memref<640x64xf32, #tpu.memory_space<vmem>>
          %get3A_375 = arith.index_cast %add3A_346 : i32 to index
          %get3A_376 = arith.constant 48 : index
          %get3A_377 = tpu.vector_load %get3A_374[%get3A_375, %get3A_376] {strides = array<i32>} : memref<640x64xf32, #tpu.memory_space<vmem>>, vector<16xf32>,
          %add3A_378 = arith.addf %add3A_342, %get3A_377 : vector<16xf32>
          %mul3A_379 = arith.constant 20 : i32
          %mul3A_380 = arith.muli %add3A_118, %mul3A_379 : i32
          %add3A_381 = arith.constant 7 : i32
          %add3A_382 = arith.addi %mul3A_380, %add3A_381 : i32
          %get3A_383 = arith.constant 0 : i32
          %get3A_384 = arith.constant 0 : i32
          %get3A_385 = tpu.memref_slice %arg7[%scan3A_30, %get3A_383, %get3A_384] : memref<2x640x64xf32, #tpu.memory_space<vmem>> -> memref<1x640x64xf32, #tpu.memory_space<vmem>>
          %get3A_386 = tpu.memref_squeeze %get3A_385 : memref<1x640x64xf32, #tpu.memory_space<vmem>> -> memref<640x64xf32, #tpu.memory_space<vmem>>
          %get3A_387 = arith.index_cast %add3A_382 : i32 to index
          %get3A_388 = arith.constant 0 : index
          %get3A_389 = tpu.vector_load %get3A_386[%get3A_387, %get3A_388] {strides = array<i32>} : memref<640x64xf32, #tpu.memory_space<vmem>>, vector<16xf32>,
          %add3A_390 = arith.addf %add3A_354, %get3A_389 : vector<16xf32>
          %get3A_391 = arith.constant 0 : i32
          %get3A_392 = arith.constant 0 : i32
          %get3A_393 = tpu.memref_slice %arg7[%scan3A_30, %get3A_391, %get3A_392] : memref<2x640x64xf32, #tpu.memory_space<vmem>> -> memref<1x640x64xf32, #tpu.memory_space<vmem>>
          %get3A_394 = tpu.memref_squeeze %get3A_393 : memref<1x640x64xf32, #tpu.memory_space<vmem>> -> memref<640x64xf32, #tpu.memory_space<vmem>>
          %get3A_395 = arith.index_cast %add3A_382 : i32 to index
          %get3A_396 = arith.constant 16 : index
          %get3A_397 = tpu.vector_load %get3A_394[%get3A_395, %get3A_396] {strides = array<i32>} : memref<640x64xf32, #tpu.memory_space<vmem>>, vector<16xf32>,
          %add3A_398 = arith.addf %add3A_362, %get3A_397 : vector<16xf32>
          %get3A_399 = arith.constant 0 : i32
          %get3A_400 = arith.constant 0 : i32
          %get3A_401 = tpu.memref_slice %arg7[%scan3A_30, %get3A_399, %get3A_400] : memref<2x640x64xf32, #tpu.memory_space<vmem>> -> memref<1x640x64xf32, #tpu.memory_space<vmem>>
          %get3A_402 = tpu.memref_squeeze %get3A_401 : memref<1x640x64xf32, #tpu.memory_space<vmem>> -> memref<640x64xf32, #tpu.memory_space<vmem>>
          %get3A_403 = arith.index_cast %add3A_382 : i32 to index
          %get3A_404 = arith.constant 32 : index
          %get3A_405 = tpu.vector_load %get3A_402[%get3A_403, %get3A_404] {strides = array<i32>} : memref<640x64xf32, #tpu.memory_space<vmem>>, vector<16xf32>,
          %add3A_406 = arith.addf %add3A_370, %get3A_405 : vector<16xf32>
          %get3A_407 = arith.constant 0 : i32
          %get3A_408 = arith.constant 0 : i32
          %get3A_409 = tpu.memref_slice %arg7[%scan3A_30, %get3A_407, %get3A_408] : memref<2x640x64xf32, #tpu.memory_space<vmem>> -> memref<1x640x64xf32, #tpu.memory_space<vmem>>
          %get3A_410 = tpu.memref_squeeze %get3A_409 : memref<1x640x64xf32, #tpu.memory_space<vmem>> -> memref<640x64xf32, #tpu.memory_space<vmem>>
          %get3A_411 = arith.index_cast %add3A_382 : i32 to index
          %get3A_412 = arith.constant 48 : index
          %get3A_413 = tpu.vector_load %get3A_410[%get3A_411, %get3A_412] {strides = array<i32>} : memref<640x64xf32, #tpu.memory_space<vmem>>, vector<16xf32>,
          %add3A_414 = arith.addf %add3A_378, %get3A_413 : vector<16xf32>
          %mul3A_415 = arith.constant 20 : i32
          %mul3A_416 = arith.muli %add3A_118, %mul3A_415 : i32
          %add3A_417 = arith.constant 8 : i32
          %add3A_418 = arith.addi %mul3A_416, %add3A_417 : i32
          %get3A_419 = arith.constant 0 : i32
          %get3A_420 = arith.constant 0 : i32
          %get3A_421 = tpu.memref_slice %arg7[%scan3A_30, %get3A_419, %get3A_420] : memref<2x640x64xf32, #tpu.memory_space<vmem>> -> memref<1x640x64xf32, #tpu.memory_space<vmem>>
          %get3A_422 = tpu.memref_squeeze %get3A_421 : memref<1x640x64xf32, #tpu.memory_space<vmem>> -> memref<640x64xf32, #tpu.memory_space<vmem>>
          %get3A_423 = arith.index_cast %add3A_418 : i32 to index
          %get3A_424 = arith.constant 0 : index
          %get3A_425 = tpu.vector_load %get3A_422[%get3A_423, %get3A_424] {strides = array<i32>} : memref<640x64xf32, #tpu.memory_space<vmem>>, vector<16xf32>,
          %add3A_426 = arith.addf %add3A_390, %get3A_425 : vector<16xf32>
          %get3A_427 = arith.constant 0 : i32
          %get3A_428 = arith.constant 0 : i32
          %get3A_429 = tpu.memref_slice %arg7[%scan3A_30, %get3A_427, %get3A_428] : memref<2x640x64xf32, #tpu.memory_space<vmem>> -> memref<1x640x64xf32, #tpu.memory_space<vmem>>
          %get3A_430 = tpu.memref_squeeze %get3A_429 : memref<1x640x64xf32, #tpu.memory_space<vmem>> -> memref<640x64xf32, #tpu.memory_space<vmem>>
          %get3A_431 = arith.index_cast %add3A_418 : i32 to index
          %get3A_432 = arith.constant 16 : index
          %get3A_433 = tpu.vector_load %get3A_430[%get3A_431, %get3A_432] {strides = array<i32>} : memref<640x64xf32, #tpu.memory_space<vmem>>, vector<16xf32>,
          %add3A_434 = arith.addf %add3A_398, %get3A_433 : vector<16xf32>
          %get3A_435 = arith.constant 0 : i32
          %get3A_436 = arith.constant 0 : i32
          %get3A_437 = tpu.memref_slice %arg7[%scan3A_30, %get3A_435, %get3A_436] : memref<2x640x64xf32, #tpu.memory_space<vmem>> -> memref<1x640x64xf32, #tpu.memory_space<vmem>>
          %get3A_438 = tpu.memref_squeeze %get3A_437 : memref<1x640x64xf32, #tpu.memory_space<vmem>> -> memref<640x64xf32, #tpu.memory_space<vmem>>
          %get3A_439 = arith.index_cast %add3A_418 : i32 to index
          %get3A_440 = arith.constant 32 : index
          %get3A_441 = tpu.vector_load %get3A_438[%get3A_439, %get3A_440] {strides = array<i32>} : memref<640x64xf32, #tpu.memory_space<vmem>>, vector<16xf32>,
          %add3A_442 = arith.addf %add3A_406, %get3A_441 : vector<16xf32>
          %get3A_443 = arith.constant 0 : i32
          %get3A_444 = arith.constant 0 : i32
          %get3A_445 = tpu.memref_slice %arg7[%scan3A_30, %get3A_443, %get3A_444] : memref<2x640x64xf32, #tpu.memory_space<vmem>> -> memref<1x640x64xf32, #tpu.memory_space<vmem>>
          %get3A_446 = tpu.memref_squeeze %get3A_445 : memref<1x640x64xf32, #tpu.memory_space<vmem>> -> memref<640x64xf32, #tpu.memory_space<vmem>>
          %get3A_447 = arith.index_cast %add3A_418 : i32 to index
          %get3A_448 = arith.constant 48 : index
          %get3A_449 = tpu.vector_load %get3A_446[%get3A_447, %get3A_448] {strides = array<i32>} : memref<640x64xf32, #tpu.memory_space<vmem>>, vector<16xf32>,
          %add3A_450 = arith.addf %add3A_414, %get3A_449 : vector<16xf32>
          %mul3A_451 = arith.constant 20 : i32
          %mul3A_452 = arith.muli %add3A_118, %mul3A_451 : i32
          %add3A_453 = arith.constant 9 : i32
          %add3A_454 = arith.addi %mul3A_452, %add3A_453 : i32
          %get3A_455 = arith.constant 0 : i32
          %get3A_456 = arith.constant 0 : i32
          %get3A_457 = tpu.memref_slice %arg7[%scan3A_30, %get3A_455, %get3A_456] : memref<2x640x64xf32, #tpu.memory_space<vmem>> -> memref<1x640x64xf32, #tpu.memory_space<vmem>>
          %get3A_458 = tpu.memref_squeeze %get3A_457 : memref<1x640x64xf32, #tpu.memory_space<vmem>> -> memref<640x64xf32, #tpu.memory_space<vmem>>
          %get3A_459 = arith.index_cast %add3A_454 : i32 to index
          %get3A_460 = arith.constant 0 : index
          %get3A_461 = tpu.vector_load %get3A_458[%get3A_459, %get3A_460] {strides = array<i32>} : memref<640x64xf32, #tpu.memory_space<vmem>>, vector<16xf32>,
          %add3A_462 = arith.addf %add3A_426, %get3A_461 : vector<16xf32>
          %get3A_463 = arith.constant 0 : i32
          %get3A_464 = arith.constant 0 : i32
          %get3A_465 = tpu.memref_slice %arg7[%scan3A_30, %get3A_463, %get3A_464] : memref<2x640x64xf32, #tpu.memory_space<vmem>> -> memref<1x640x64xf32, #tpu.memory_space<vmem>>
          %get3A_466 = tpu.memref_squeeze %get3A_465 : memref<1x640x64xf32, #tpu.memory_space<vmem>> -> memref<640x64xf32, #tpu.memory_space<vmem>>
          %get3A_467 = arith.index_cast %add3A_454 : i32 to index
          %get3A_468 = arith.constant 16 : index
          %get3A_469 = tpu.vector_load %get3A_466[%get3A_467, %get3A_468] {strides = array<i32>} : memref<640x64xf32, #tpu.memory_space<vmem>>, vector<16xf32>,
          %add3A_470 = arith.addf %add3A_434, %get3A_469 : vector<16xf32>
          %get3A_471 = arith.constant 0 : i32
          %get3A_472 = arith.constant 0 : i32
          %get3A_473 = tpu.memref_slice %arg7[%scan3A_30, %get3A_471, %get3A_472] : memref<2x640x64xf32, #tpu.memory_space<vmem>> -> memref<1x640x64xf32, #tpu.memory_space<vmem>>
          %get3A_474 = tpu.memref_squeeze %get3A_473 : memref<1x640x64xf32, #tpu.memory_space<vmem>> -> memref<640x64xf32, #tpu.memory_space<vmem>>
          %get3A_475 = arith.index_cast %add3A_454 : i32 to index
          %get3A_476 = arith.constant 32 : index
          %get3A_477 = tpu.vector_load %get3A_474[%get3A_475, %get3A_476] {strides = array<i32>} : memref<640x64xf32, #tpu.memory_space<vmem>>, vector<16xf32>,
          %add3A_478 = arith.addf %add3A_442, %get3A_477 : vector<16xf32>
          %get3A_479 = arith.constant 0 : i32
          %get3A_480 = arith.constant 0 : i32
          %get3A_481 = tpu.memref_slice %arg7[%scan3A_30, %get3A_479, %get3A_480] : memref<2x640x64xf32, #tpu.memory_space<vmem>> -> memref<1x640x64xf32, #tpu.memory_space<vmem>>
          %get3A_482 = tpu.memref_squeeze %get3A_481 : memref<1x640x64xf32, #tpu.memory_space<vmem>> -> memref<640x64xf32, #tpu.memory_space<vmem>>
          %get3A_483 = arith.index_cast %add3A_454 : i32 to index
          %get3A_484 = arith.constant 48 : index
          %get3A_485 = tpu.vector_load %get3A_482[%get3A_483, %get3A_484] {strides = array<i32>} : memref<640x64xf32, #tpu.memory_space<vmem>>, vector<16xf32>,
          %add3A_486 = arith.addf %add3A_450, %get3A_485 : vector<16xf32>
          %mul3A_487 = arith.constant 20 : i32
          %mul3A_488 = arith.muli %add3A_118, %mul3A_487 : i32
          %add3A_489 = arith.constant 10 : i32
          %add3A_490 = arith.addi %mul3A_488, %add3A_489 : i32
          %get3A_491 = arith.constant 0 : i32
          %get3A_492 = arith.constant 0 : i32
          %get3A_493 = tpu.memref_slice %arg7[%scan3A_30, %get3A_491, %get3A_492] : memref<2x640x64xf32, #tpu.memory_space<vmem>> -> memref<1x640x64xf32, #tpu.memory_space<vmem>>
          %get3A_494 = tpu.memref_squeeze %get3A_493 : memref<1x640x64xf32, #tpu.memory_space<vmem>> -> memref<640x64xf32, #tpu.memory_space<vmem>>
          %get3A_495 = arith.index_cast %add3A_490 : i32 to index
          %get3A_496 = arith.constant 0 : index
          %get3A_497 = tpu.vector_load %get3A_494[%get3A_495, %get3A_496] {strides = array<i32>} : memref<640x64xf32, #tpu.memory_space<vmem>>, vector<16xf32>,
          %add3A_498 = arith.addf %add3A_462, %get3A_497 : vector<16xf32>
          %get3A_499 = arith.constant 0 : i32
          %get3A_500 = arith.constant 0 : i32
          %get3A_501 = tpu.memref_slice %arg7[%scan3A_30, %get3A_499, %get3A_500] : memref<2x640x64xf32, #tpu.memory_space<vmem>> -> memref<1x640x64xf32, #tpu.memory_space<vmem>>
          %get3A_502 = tpu.memref_squeeze %get3A_501 : memref<1x640x64xf32, #tpu.memory_space<vmem>> -> memref<640x64xf32, #tpu.memory_space<vmem>>
          %get3A_503 = arith.index_cast %add3A_490 : i32 to index
          %get3A_504 = arith.constant 16 : index
          %get3A_505 = tpu.vector_load %get3A_502[%get3A_503, %get3A_504] {strides = array<i32>} : memref<640x64xf32, #tpu.memory_space<vmem>>, vector<16xf32>,
          %add3A_506 = arith.addf %add3A_470, %get3A_505 : vector<16xf32>
          %get3A_507 = arith.constant 0 : i32
          %get3A_508 = arith.constant 0 : i32
          %get3A_509 = tpu.memref_slice %arg7[%scan3A_30, %get3A_507, %get3A_508] : memref<2x640x64xf32, #tpu.memory_space<vmem>> -> memref<1x640x64xf32, #tpu.memory_space<vmem>>
          %get3A_510 = tpu.memref_squeeze %get3A_509 : memref<1x640x64xf32, #tpu.memory_space<vmem>> -> memref<640x64xf32, #tpu.memory_space<vmem>>
          %get3A_511 = arith.index_cast %add3A_490 : i32 to index
          %get3A_512 = arith.constant 32 : index
          %get3A_513 = tpu.vector_load %get3A_510[%get3A_511, %get3A_512] {strides = array<i32>} : memref<640x64xf32, #tpu.memory_space<vmem>>, vector<16xf32>,
          %add3A_514 = arith.addf %add3A_478, %get3A_513 : vector<16xf32>
          %get3A_515 = arith.constant 0 : i32
          %get3A_516 = arith.constant 0 : i32
          %get3A_517 = tpu.memref_slice %arg7[%scan3A_30, %get3A_515, %get3A_516] : memref<2x640x64xf32, #tpu.memory_space<vmem>> -> memref<1x640x64xf32, #tpu.memory_space<vmem>>
          %get3A_518 = tpu.memref_squeeze %get3A_517 : memref<1x640x64xf32, #tpu.memory_space<vmem>> -> memref<640x64xf32, #tpu.memory_space<vmem>>
          %get3A_519 = arith.index_cast %add3A_490 : i32 to index
          %get3A_520 = arith.constant 48 : index
          %get3A_521 = tpu.vector_load %get3A_518[%get3A_519, %get3A_520] {strides = array<i32>} : memref<640x64xf32, #tpu.memory_space<vmem>>, vector<16xf32>,
          %add3A_522 = arith.addf %add3A_486, %get3A_521 : vector<16xf32>
          %mul3A_523 = arith.constant 20 : i32
          %mul3A_524 = arith.muli %add3A_118, %mul3A_523 : i32
          %add3A_525 = arith.constant 11 : i32
          %add3A_526 = arith.addi %mul3A_524, %add3A_525 : i32
          %get3A_527 = arith.constant 0 : i32
          %get3A_528 = arith.constant 0 : i32
          %get3A_529 = tpu.memref_slice %arg7[%scan3A_30, %get3A_527, %get3A_528] : memref<2x640x64xf32, #tpu.memory_space<vmem>> -> memref<1x640x64xf32, #tpu.memory_space<vmem>>
          %get3A_530 = tpu.memref_squeeze %get3A_529 : memref<1x640x64xf32, #tpu.memory_space<vmem>> -> memref<640x64xf32, #tpu.memory_space<vmem>>
          %get3A_531 = arith.index_cast %add3A_526 : i32 to index
          %get3A_532 = arith.constant 0 : index
          %get3A_533 = tpu.vector_load %get3A_530[%get3A_531, %get3A_532] {strides = array<i32>} : memref<640x64xf32, #tpu.memory_space<vmem>>, vector<16xf32>,
          %add3A_534 = arith.addf %add3A_498, %get3A_533 : vector<16xf32>
          %get3A_535 = arith.constant 0 : i32
          %get3A_536 = arith.constant 0 : i32
          %get3A_537 = tpu.memref_slice %arg7[%scan3A_30, %get3A_535, %get3A_536] : memref<2x640x64xf32, #tpu.memory_space<vmem>> -> memref<1x640x64xf32, #tpu.memory_space<vmem>>
          %get3A_538 = tpu.memref_squeeze %get3A_537 : memref<1x640x64xf32, #tpu.memory_space<vmem>> -> memref<640x64xf32, #tpu.memory_space<vmem>>
          %get3A_539 = arith.index_cast %add3A_526 : i32 to index
          %get3A_540 = arith.constant 16 : index
          %get3A_541 = tpu.vector_load %get3A_538[%get3A_539, %get3A_540] {strides = array<i32>} : memref<640x64xf32, #tpu.memory_space<vmem>>, vector<16xf32>,
          %add3A_542 = arith.addf %add3A_506, %get3A_541 : vector<16xf32>
          %get3A_543 = arith.constant 0 : i32
          %get3A_544 = arith.constant 0 : i32
          %get3A_545 = tpu.memref_slice %arg7[%scan3A_30, %get3A_543, %get3A_544] : memref<2x640x64xf32, #tpu.memory_space<vmem>> -> memref<1x640x64xf32, #tpu.memory_space<vmem>>
          %get3A_546 = tpu.memref_squeeze %get3A_545 : memref<1x640x64xf32, #tpu.memory_space<vmem>> -> memref<640x64xf32, #tpu.memory_space<vmem>>
          %get3A_547 = arith.index_cast %add3A_526 : i32 to index
          %get3A_548 = arith.constant 32 : index
          %get3A_549 = tpu.vector_load %get3A_546[%get3A_547, %get3A_548] {strides = array<i32>} : memref<640x64xf32, #tpu.memory_space<vmem>>, vector<16xf32>,
          %add3A_550 = arith.addf %add3A_514, %get3A_549 : vector<16xf32>
          %get3A_551 = arith.constant 0 : i32
          %get3A_552 = arith.constant 0 : i32
          %get3A_553 = tpu.memref_slice %arg7[%scan3A_30, %get3A_551, %get3A_552] : memref<2x640x64xf32, #tpu.memory_space<vmem>> -> memref<1x640x64xf32, #tpu.memory_space<vmem>>
          %get3A_554 = tpu.memref_squeeze %get3A_553 : memref<1x640x64xf32, #tpu.memory_space<vmem>> -> memref<640x64xf32, #tpu.memory_space<vmem>>
          %get3A_555 = arith.index_cast %add3A_526 : i32 to index
          %get3A_556 = arith.constant 48 : index
          %get3A_557 = tpu.vector_load %get3A_554[%get3A_555, %get3A_556] {strides = array<i32>} : memref<640x64xf32, #tpu.memory_space<vmem>>, vector<16xf32>,
          %add3A_558 = arith.addf %add3A_522, %get3A_557 : vector<16xf32>
          %mul3A_559 = arith.constant 20 : i32
          %mul3A_560 = arith.muli %add3A_118, %mul3A_559 : i32
          %add3A_561 = arith.constant 12 : i32
          %add3A_562 = arith.addi %mul3A_560, %add3A_561 : i32
          %get3A_563 = arith.constant 0 : i32
          %get3A_564 = arith.constant 0 : i32
          %get3A_565 = tpu.memref_slice %arg7[%scan3A_30, %get3A_563, %get3A_564] : memref<2x640x64xf32, #tpu.memory_space<vmem>> -> memref<1x640x64xf32, #tpu.memory_space<vmem>>
          %get3A_566 = tpu.memref_squeeze %get3A_565 : memref<1x640x64xf32, #tpu.memory_space<vmem>> -> memref<640x64xf32, #tpu.memory_space<vmem>>
          %get3A_567 = arith.index_cast %add3A_562 : i32 to index
          %get3A_568 = arith.constant 0 : index
          %get3A_569 = tpu.vector_load %get3A_566[%get3A_567, %get3A_568] {strides = array<i32>} : memref<640x64xf32, #tpu.memory_space<vmem>>, vector<16xf32>,
          %add3A_570 = arith.addf %add3A_534, %get3A_569 : vector<16xf32>
          %get3A_571 = arith.constant 0 : i32
          %get3A_572 = arith.constant 0 : i32
          %get3A_573 = tpu.memref_slice %arg7[%scan3A_30, %get3A_571, %get3A_572] : memref<2x640x64xf32, #tpu.memory_space<vmem>> -> memref<1x640x64xf32, #tpu.memory_space<vmem>>
          %get3A_574 = tpu.memref_squeeze %get3A_573 : memref<1x640x64xf32, #tpu.memory_space<vmem>> -> memref<640x64xf32, #tpu.memory_space<vmem>>
          %get3A_575 = arith.index_cast %add3A_562 : i32 to index
          %get3A_576 = arith.constant 16 : index
          %get3A_577 = tpu.vector_load %get3A_574[%get3A_575, %get3A_576] {strides = array<i32>} : memref<640x64xf32, #tpu.memory_space<vmem>>, vector<16xf32>,
          %add3A_578 = arith.addf %add3A_542, %get3A_577 : vector<16xf32>
          %get3A_579 = arith.constant 0 : i32
          %get3A_580 = arith.constant 0 : i32
          %get3A_581 = tpu.memref_slice %arg7[%scan3A_30, %get3A_579, %get3A_580] : memref<2x640x64xf32, #tpu.memory_space<vmem>> -> memref<1x640x64xf32, #tpu.memory_space<vmem>>
          %get3A_582 = tpu.memref_squeeze %get3A_581 : memref<1x640x64xf32, #tpu.memory_space<vmem>> -> memref<640x64xf32, #tpu.memory_space<vmem>>
          %get3A_583 = arith.index_cast %add3A_562 : i32 to index
          %get3A_584 = arith.constant 32 : index
          %get3A_585 = tpu.vector_load %get3A_582[%get3A_583, %get3A_584] {strides = array<i32>} : memref<640x64xf32, #tpu.memory_space<vmem>>, vector<16xf32>,
          %add3A_586 = arith.addf %add3A_550, %get3A_585 : vector<16xf32>
          %get3A_587 = arith.constant 0 : i32
          %get3A_588 = arith.constant 0 : i32
          %get3A_589 = tpu.memref_slice %arg7[%scan3A_30, %get3A_587, %get3A_588] : memref<2x640x64xf32, #tpu.memory_space<vmem>> -> memref<1x640x64xf32, #tpu.memory_space<vmem>>
          %get3A_590 = tpu.memref_squeeze %get3A_589 : memref<1x640x64xf32, #tpu.memory_space<vmem>> -> memref<640x64xf32, #tpu.memory_space<vmem>>
          %get3A_591 = arith.index_cast %add3A_562 : i32 to index
          %get3A_592 = arith.constant 48 : index
          %get3A_593 = tpu.vector_load %get3A_590[%get3A_591, %get3A_592] {strides = array<i32>} : memref<640x64xf32, #tpu.memory_space<vmem>>, vector<16xf32>,
          %add3A_594 = arith.addf %add3A_558, %get3A_593 : vector<16xf32>
          %mul3A_595 = arith.constant 20 : i32
          %mul3A_596 = arith.muli %add3A_118, %mul3A_595 : i32
          %add3A_597 = arith.constant 13 : i32
          %add3A_598 = arith.addi %mul3A_596, %add3A_597 : i32
          %get3A_599 = arith.constant 0 : i32
          %get3A_600 = arith.constant 0 : i32
          %get3A_601 = tpu.memref_slice %arg7[%scan3A_30, %get3A_599, %get3A_600] : memref<2x640x64xf32, #tpu.memory_space<vmem>> -> memref<1x640x64xf32, #tpu.memory_space<vmem>>
          %get3A_602 = tpu.memref_squeeze %get3A_601 : memref<1x640x64xf32, #tpu.memory_space<vmem>> -> memref<640x64xf32, #tpu.memory_space<vmem>>
          %get3A_603 = arith.index_cast %add3A_598 : i32 to index
          %get3A_604 = arith.constant 0 : index
          %get3A_605 = tpu.vector_load %get3A_602[%get3A_603, %get3A_604] {strides = array<i32>} : memref<640x64xf32, #tpu.memory_space<vmem>>, vector<16xf32>,
          %add3A_606 = arith.addf %add3A_570, %get3A_605 : vector<16xf32>
          %get3A_607 = arith.constant 0 : i32
          %get3A_608 = arith.constant 0 : i32
          %get3A_609 = tpu.memref_slice %arg7[%scan3A_30, %get3A_607, %get3A_608] : memref<2x640x64xf32, #tpu.memory_space<vmem>> -> memref<1x640x64xf32, #tpu.memory_space<vmem>>
          %get3A_610 = tpu.memref_squeeze %get3A_609 : memref<1x640x64xf32, #tpu.memory_space<vmem>> -> memref<640x64xf32, #tpu.memory_space<vmem>>
          %get3A_611 = arith.index_cast %add3A_598 : i32 to index
          %get3A_612 = arith.constant 16 : index
          %get3A_613 = tpu.vector_load %get3A_610[%get3A_611, %get3A_612] {strides = array<i32>} : memref<640x64xf32, #tpu.memory_space<vmem>>, vector<16xf32>,
          %add3A_614 = arith.addf %add3A_578, %get3A_613 : vector<16xf32>
          %get3A_615 = arith.constant 0 : i32
          %get3A_616 = arith.constant 0 : i32
          %get3A_617 = tpu.memref_slice %arg7[%scan3A_30, %get3A_615, %get3A_616] : memref<2x640x64xf32, #tpu.memory_space<vmem>> -> memref<1x640x64xf32, #tpu.memory_space<vmem>>
          %get3A_618 = tpu.memref_squeeze %get3A_617 : memref<1x640x64xf32, #tpu.memory_space<vmem>> -> memref<640x64xf32, #tpu.memory_space<vmem>>
          %get3A_619 = arith.index_cast %add3A_598 : i32 to index
          %get3A_620 = arith.constant 32 : index
          %get3A_621 = tpu.vector_load %get3A_618[%get3A_619, %get3A_620] {strides = array<i32>} : memref<640x64xf32, #tpu.memory_space<vmem>>, vector<16xf32>,
          %add3A_622 = arith.addf %add3A_586, %get3A_621 : vector<16xf32>
          %get3A_623 = arith.constant 0 : i32
          %get3A_624 = arith.constant 0 : i32
          %get3A_625 = tpu.memref_slice %arg7[%scan3A_30, %get3A_623, %get3A_624] : memref<2x640x64xf32, #tpu.memory_space<vmem>> -> memref<1x640x64xf32, #tpu.memory_space<vmem>>
          %get3A_626 = tpu.memref_squeeze %get3A_625 : memref<1x640x64xf32, #tpu.memory_space<vmem>> -> memref<640x64xf32, #tpu.memory_space<vmem>>
          %get3A_627 = arith.index_cast %add3A_598 : i32 to index
          %get3A_628 = arith.constant 48 : index
          %get3A_629 = tpu.vector_load %get3A_626[%get3A_627, %get3A_628] {strides = array<i32>} : memref<640x64xf32, #tpu.memory_space<vmem>>, vector<16xf32>,
          %add3A_630 = arith.addf %add3A_594, %get3A_629 : vector<16xf32>
          %mul3A_631 = arith.constant 20 : i32
          %mul3A_632 = arith.muli %add3A_118, %mul3A_631 : i32
          %add3A_633 = arith.constant 14 : i32
          %add3A_634 = arith.addi %mul3A_632, %add3A_633 : i32
          %get3A_635 = arith.constant 0 : i32
          %get3A_636 = arith.constant 0 : i32
          %get3A_637 = tpu.memref_slice %arg7[%scan3A_30, %get3A_635, %get3A_636] : memref<2x640x64xf32, #tpu.memory_space<vmem>> -> memref<1x640x64xf32, #tpu.memory_space<vmem>>
          %get3A_638 = tpu.memref_squeeze %get3A_637 : memref<1x640x64xf32, #tpu.memory_space<vmem>> -> memref<640x64xf32, #tpu.memory_space<vmem>>
          %get3A_639 = arith.index_cast %add3A_634 : i32 to index
          %get3A_640 = arith.constant 0 : index
          %get3A_641 = tpu.vector_load %get3A_638[%get3A_639, %get3A_640] {strides = array<i32>} : memref<640x64xf32, #tpu.memory_space<vmem>>, vector<16xf32>,
          %add3A_642 = arith.addf %add3A_606, %get3A_641 : vector<16xf32>
          %get3A_643 = arith.constant 0 : i32
          %get3A_644 = arith.constant 0 : i32
          %get3A_645 = tpu.memref_slice %arg7[%scan3A_30, %get3A_643, %get3A_644] : memref<2x640x64xf32, #tpu.memory_space<vmem>> -> memref<1x640x64xf32, #tpu.memory_space<vmem>>
          %get3A_646 = tpu.memref_squeeze %get3A_645 : memref<1x640x64xf32, #tpu.memory_space<vmem>> -> memref<640x64xf32, #tpu.memory_space<vmem>>
          %get3A_647 = arith.index_cast %add3A_634 : i32 to index
          %get3A_648 = arith.constant 16 : index
          %get3A_649 = tpu.vector_load %get3A_646[%get3A_647, %get3A_648] {strides = array<i32>} : memref<640x64xf32, #tpu.memory_space<vmem>>, vector<16xf32>,
          %add3A_650 = arith.addf %add3A_614, %get3A_649 : vector<16xf32>
          %get3A_651 = arith.constant 0 : i32
          %get3A_652 = arith.constant 0 : i32
          %get3A_653 = tpu.memref_slice %arg7[%scan3A_30, %get3A_651, %get3A_652] : memref<2x640x64xf32, #tpu.memory_space<vmem>> -> memref<1x640x64xf32, #tpu.memory_space<vmem>>
          %get3A_654 = tpu.memref_squeeze %get3A_653 : memref<1x640x64xf32, #tpu.memory_space<vmem>> -> memref<640x64xf32, #tpu.memory_space<vmem>>
          %get3A_655 = arith.index_cast %add3A_634 : i32 to index
          %get3A_656 = arith.constant 32 : index
          %get3A_657 = tpu.vector_load %get3A_654[%get3A_655, %get3A_656] {strides = array<i32>} : memref<640x64xf32, #tpu.memory_space<vmem>>, vector<16xf32>,
          %add3A_658 = arith.addf %add3A_622, %get3A_657 : vector<16xf32>
          %get3A_659 = arith.constant 0 : i32
          %get3A_660 = arith.constant 0 : i32
          %get3A_661 = tpu.memref_slice %arg7[%scan3A_30, %get3A_659, %get3A_660] : memref<2x640x64xf32, #tpu.memory_space<vmem>> -> memref<1x640x64xf32, #tpu.memory_space<vmem>>
          %get3A_662 = tpu.memref_squeeze %get3A_661 : memref<1x640x64xf32, #tpu.memory_space<vmem>> -> memref<640x64xf32, #tpu.memory_space<vmem>>
          %get3A_663 = arith.index_cast %add3A_634 : i32 to index
          %get3A_664 = arith.constant 48 : index
          %get3A_665 = tpu.vector_load %get3A_662[%get3A_663, %get3A_664] {strides = array<i32>} : memref<640x64xf32, #tpu.memory_space<vmem>>, vector<16xf32>,
          %add3A_666 = arith.addf %add3A_630, %get3A_665 : vector<16xf32>
          %mul3A_667 = arith.constant 20 : i32
          %mul3A_668 = arith.muli %add3A_118, %mul3A_667 : i32
          %add3A_669 = arith.constant 15 : i32
          %add3A_670 = arith.addi %mul3A_668, %add3A_669 : i32
          %get3A_671 = arith.constant 0 : i32
          %get3A_672 = arith.constant 0 : i32
          %get3A_673 = tpu.memref_slice %arg7[%scan3A_30, %get3A_671, %get3A_672] : memref<2x640x64xf32, #tpu.memory_space<vmem>> -> memref<1x640x64xf32, #tpu.memory_space<vmem>>
          %get3A_674 = tpu.memref_squeeze %get3A_673 : memref<1x640x64xf32, #tpu.memory_space<vmem>> -> memref<640x64xf32, #tpu.memory_space<vmem>>
          %get3A_675 = arith.index_cast %add3A_670 : i32 to index
          %get3A_676 = arith.constant 0 : index
          %get3A_677 = tpu.vector_load %get3A_674[%get3A_675, %get3A_676] {strides = array<i32>} : memref<640x64xf32, #tpu.memory_space<vmem>>, vector<16xf32>,
          %add3A_678 = arith.addf %add3A_642, %get3A_677 : vector<16xf32>
          %get3A_679 = arith.constant 0 : i32
          %get3A_680 = arith.constant 0 : i32
          %get3A_681 = tpu.memref_slice %arg7[%scan3A_30, %get3A_679, %get3A_680] : memref<2x640x64xf32, #tpu.memory_space<vmem>> -> memref<1x640x64xf32, #tpu.memory_space<vmem>>
          %get3A_682 = tpu.memref_squeeze %get3A_681 : memref<1x640x64xf32, #tpu.memory_space<vmem>> -> memref<640x64xf32, #tpu.memory_space<vmem>>
          %get3A_683 = arith.index_cast %add3A_670 : i32 to index
          %get3A_684 = arith.constant 16 : index
          %get3A_685 = tpu.vector_load %get3A_682[%get3A_683, %get3A_684] {strides = array<i32>} : memref<640x64xf32, #tpu.memory_space<vmem>>, vector<16xf32>,
          %add3A_686 = arith.addf %add3A_650, %get3A_685 : vector<16xf32>
          %get3A_687 = arith.constant 0 : i32
          %get3A_688 = arith.constant 0 : i32
          %get3A_689 = tpu.memref_slice %arg7[%scan3A_30, %get3A_687, %get3A_688] : memref<2x640x64xf32, #tpu.memory_space<vmem>> -> memref<1x640x64xf32, #tpu.memory_space<vmem>>
          %get3A_690 = tpu.memref_squeeze %get3A_689 : memref<1x640x64xf32, #tpu.memory_space<vmem>> -> memref<640x64xf32, #tpu.memory_space<vmem>>
          %get3A_691 = arith.index_cast %add3A_670 : i32 to index
          %get3A_692 = arith.constant 32 : index
          %get3A_693 = tpu.vector_load %get3A_690[%get3A_691, %get3A_692] {strides = array<i32>} : memref<640x64xf32, #tpu.memory_space<vmem>>, vector<16xf32>,
          %add3A_694 = arith.addf %add3A_658, %get3A_693 : vector<16xf32>
          %get3A_695 = arith.constant 0 : i32
          %get3A_696 = arith.constant 0 : i32
          %get3A_697 = tpu.memref_slice %arg7[%scan3A_30, %get3A_695, %get3A_696] : memref<2x640x64xf32, #tpu.memory_space<vmem>> -> memref<1x640x64xf32, #tpu.memory_space<vmem>>
          %get3A_698 = tpu.memref_squeeze %get3A_697 : memref<1x640x64xf32, #tpu.memory_space<vmem>> -> memref<640x64xf32, #tpu.memory_space<vmem>>
          %get3A_699 = arith.index_cast %add3A_670 : i32 to index
          %get3A_700 = arith.constant 48 : index
          %get3A_701 = tpu.vector_load %get3A_698[%get3A_699, %get3A_700] {strides = array<i32>} : memref<640x64xf32, #tpu.memory_space<vmem>>, vector<16xf32>,
          %add3A_702 = arith.addf %add3A_666, %get3A_701 : vector<16xf32>
          %mul3A_703 = arith.constant 20 : i32
          %mul3A_704 = arith.muli %add3A_118, %mul3A_703 : i32
          %add3A_705 = arith.constant 16 : i32
          %add3A_706 = arith.addi %mul3A_704, %add3A_705 : i32
          %get3A_707 = arith.constant 0 : i32
          %get3A_708 = arith.constant 0 : i32
          %get3A_709 = tpu.memref_slice %arg7[%scan3A_30, %get3A_707, %get3A_708] : memref<2x640x64xf32, #tpu.memory_space<vmem>> -> memref<1x640x64xf32, #tpu.memory_space<vmem>>
          %get3A_710 = tpu.memref_squeeze %get3A_709 : memref<1x640x64xf32, #tpu.memory_space<vmem>> -> memref<640x64xf32, #tpu.memory_space<vmem>>
          %get3A_711 = arith.index_cast %add3A_706 : i32 to index
          %get3A_712 = arith.constant 0 : index
          %get3A_713 = tpu.vector_load %get3A_710[%get3A_711, %get3A_712] {strides = array<i32>} : memref<640x64xf32, #tpu.memory_space<vmem>>, vector<16xf32>,
          %add3A_714 = arith.addf %add3A_678, %get3A_713 : vector<16xf32>
          %get3A_715 = arith.constant 0 : i32
          %get3A_716 = arith.constant 0 : i32
          %get3A_717 = tpu.memref_slice %arg7[%scan3A_30, %get3A_715, %get3A_716] : memref<2x640x64xf32, #tpu.memory_space<vmem>> -> memref<1x640x64xf32, #tpu.memory_space<vmem>>
          %get3A_718 = tpu.memref_squeeze %get3A_717 : memref<1x640x64xf32, #tpu.memory_space<vmem>> -> memref<640x64xf32, #tpu.memory_space<vmem>>
          %get3A_719 = arith.index_cast %add3A_706 : i32 to index
          %get3A_720 = arith.constant 16 : index
          %get3A_721 = tpu.vector_load %get3A_718[%get3A_719, %get3A_720] {strides = array<i32>} : memref<640x64xf32, #tpu.memory_space<vmem>>, vector<16xf32>,
          %add3A_722 = arith.addf %add3A_686, %get3A_721 : vector<16xf32>
          %get3A_723 = arith.constant 0 : i32
          %get3A_724 = arith.constant 0 : i32
          %get3A_725 = tpu.memref_slice %arg7[%scan3A_30, %get3A_723, %get3A_724] : memref<2x640x64xf32, #tpu.memory_space<vmem>> -> memref<1x640x64xf32, #tpu.memory_space<vmem>>
          %get3A_726 = tpu.memref_squeeze %get3A_725 : memref<1x640x64xf32, #tpu.memory_space<vmem>> -> memref<640x64xf32, #tpu.memory_space<vmem>>
          %get3A_727 = arith.index_cast %add3A_706 : i32 to index
          %get3A_728 = arith.constant 32 : index
          %get3A_729 = tpu.vector_load %get3A_726[%get3A_727, %get3A_728] {strides = array<i32>} : memref<640x64xf32, #tpu.memory_space<vmem>>, vector<16xf32>,
          %add3A_730 = arith.addf %add3A_694, %get3A_729 : vector<16xf32>
          %get3A_731 = arith.constant 0 : i32
          %get3A_732 = arith.constant 0 : i32
          %get3A_733 = tpu.memref_slice %arg7[%scan3A_30, %get3A_731, %get3A_732] : memref<2x640x64xf32, #tpu.memory_space<vmem>> -> memref<1x640x64xf32, #tpu.memory_space<vmem>>
          %get3A_734 = tpu.memref_squeeze %get3A_733 : memref<1x640x64xf32, #tpu.memory_space<vmem>> -> memref<640x64xf32, #tpu.memory_space<vmem>>
          %get3A_735 = arith.index_cast %add3A_706 : i32 to index
          %get3A_736 = arith.constant 48 : index
          %get3A_737 = tpu.vector_load %get3A_734[%get3A_735, %get3A_736] {strides = array<i32>} : memref<640x64xf32, #tpu.memory_space<vmem>>, vector<16xf32>,
          %add3A_738 = arith.addf %add3A_702, %get3A_737 : vector<16xf32>
          %mul3A_739 = arith.constant 20 : i32
          %mul3A_740 = arith.muli %add3A_118, %mul3A_739 : i32
          %add3A_741 = arith.constant 17 : i32
          %add3A_742 = arith.addi %mul3A_740, %add3A_741 : i32
          %get3A_743 = arith.constant 0 : i32
          %get3A_744 = arith.constant 0 : i32
          %get3A_745 = tpu.memref_slice %arg7[%scan3A_30, %get3A_743, %get3A_744] : memref<2x640x64xf32, #tpu.memory_space<vmem>> -> memref<1x640x64xf32, #tpu.memory_space<vmem>>
          %get3A_746 = tpu.memref_squeeze %get3A_745 : memref<1x640x64xf32, #tpu.memory_space<vmem>> -> memref<640x64xf32, #tpu.memory_space<vmem>>
          %get3A_747 = arith.index_cast %add3A_742 : i32 to index
          %get3A_748 = arith.constant 0 : index
          %get3A_749 = tpu.vector_load %get3A_746[%get3A_747, %get3A_748] {strides = array<i32>} : memref<640x64xf32, #tpu.memory_space<vmem>>, vector<16xf32>,
          %add3A_750 = arith.addf %add3A_714, %get3A_749 : vector<16xf32>
          %get3A_751 = arith.constant 0 : i32
          %get3A_752 = arith.constant 0 : i32
          %get3A_753 = tpu.memref_slice %arg7[%scan3A_30, %get3A_751, %get3A_752] : memref<2x640x64xf32, #tpu.memory_space<vmem>> -> memref<1x640x64xf32, #tpu.memory_space<vmem>>
          %get3A_754 = tpu.memref_squeeze %get3A_753 : memref<1x640x64xf32, #tpu.memory_space<vmem>> -> memref<640x64xf32, #tpu.memory_space<vmem>>
          %get3A_755 = arith.index_cast %add3A_742 : i32 to index
          %get3A_756 = arith.constant 16 : index
          %get3A_757 = tpu.vector_load %get3A_754[%get3A_755, %get3A_756] {strides = array<i32>} : memref<640x64xf32, #tpu.memory_space<vmem>>, vector<16xf32>,
          %add3A_758 = arith.addf %add3A_722, %get3A_757 : vector<16xf32>
          %get3A_759 = arith.constant 0 : i32
          %get3A_760 = arith.constant 0 : i32
          %get3A_761 = tpu.memref_slice %arg7[%scan3A_30, %get3A_759, %get3A_760] : memref<2x640x64xf32, #tpu.memory_space<vmem>> -> memref<1x640x64xf32, #tpu.memory_space<vmem>>
          %get3A_762 = tpu.memref_squeeze %get3A_761 : memref<1x640x64xf32, #tpu.memory_space<vmem>> -> memref<640x64xf32, #tpu.memory_space<vmem>>
          %get3A_763 = arith.index_cast %add3A_742 : i32 to index
          %get3A_764 = arith.constant 32 : index
          %get3A_765 = tpu.vector_load %get3A_762[%get3A_763, %get3A_764] {strides = array<i32>} : memref<640x64xf32, #tpu.memory_space<vmem>>, vector<16xf32>,
          %add3A_766 = arith.addf %add3A_730, %get3A_765 : vector<16xf32>
          %get3A_767 = arith.constant 0 : i32
          %get3A_768 = arith.constant 0 : i32
          %get3A_769 = tpu.memref_slice %arg7[%scan3A_30, %get3A_767, %get3A_768] : memref<2x640x64xf32, #tpu.memory_space<vmem>> -> memref<1x640x64xf32, #tpu.memory_space<vmem>>
          %get3A_770 = tpu.memref_squeeze %get3A_769 : memref<1x640x64xf32, #tpu.memory_space<vmem>> -> memref<640x64xf32, #tpu.memory_space<vmem>>
          %get3A_771 = arith.index_cast %add3A_742 : i32 to index
          %get3A_772 = arith.constant 48 : index
          %get3A_773 = tpu.vector_load %get3A_770[%get3A_771, %get3A_772] {strides = array<i32>} : memref<640x64xf32, #tpu.memory_space<vmem>>, vector<16xf32>,
          %add3A_774 = arith.addf %add3A_738, %get3A_773 : vector<16xf32>
          %mul3A_775 = arith.constant 20 : i32
          %mul3A_776 = arith.muli %add3A_118, %mul3A_775 : i32
          %add3A_777 = arith.constant 18 : i32
          %add3A_778 = arith.addi %mul3A_776, %add3A_777 : i32
          %get3A_779 = arith.constant 0 : i32
          %get3A_780 = arith.constant 0 : i32
          %get3A_781 = tpu.memref_slice %arg7[%scan3A_30, %get3A_779, %get3A_780] : memref<2x640x64xf32, #tpu.memory_space<vmem>> -> memref<1x640x64xf32, #tpu.memory_space<vmem>>
          %get3A_782 = tpu.memref_squeeze %get3A_781 : memref<1x640x64xf32, #tpu.memory_space<vmem>> -> memref<640x64xf32, #tpu.memory_space<vmem>>
          %get3A_783 = arith.index_cast %add3A_778 : i32 to index
          %get3A_784 = arith.constant 0 : index
          %get3A_785 = tpu.vector_load %get3A_782[%get3A_783, %get3A_784] {strides = array<i32>} : memref<640x64xf32, #tpu.memory_space<vmem>>, vector<16xf32>,
          %add3A_786 = arith.addf %add3A_750, %get3A_785 : vector<16xf32>
          %get3A_787 = arith.constant 0 : i32
          %get3A_788 = arith.constant 0 : i32
          %get3A_789 = tpu.memref_slice %arg7[%scan3A_30, %get3A_787, %get3A_788] : memref<2x640x64xf32, #tpu.memory_space<vmem>> -> memref<1x640x64xf32, #tpu.memory_space<vmem>>
          %get3A_790 = tpu.memref_squeeze %get3A_789 : memref<1x640x64xf32, #tpu.memory_space<vmem>> -> memref<640x64xf32, #tpu.memory_space<vmem>>
          %get3A_791 = arith.index_cast %add3A_778 : i32 to index
          %get3A_792 = arith.constant 16 : index
          %get3A_793 = tpu.vector_load %get3A_790[%get3A_791, %get3A_792] {strides = array<i32>} : memref<640x64xf32, #tpu.memory_space<vmem>>, vector<16xf32>,
          %add3A_794 = arith.addf %add3A_758, %get3A_793 : vector<16xf32>
          %get3A_795 = arith.constant 0 : i32
          %get3A_796 = arith.constant 0 : i32
          %get3A_797 = tpu.memref_slice %arg7[%scan3A_30, %get3A_795, %get3A_796] : memref<2x640x64xf32, #tpu.memory_space<vmem>> -> memref<1x640x64xf32, #tpu.memory_space<vmem>>
          %get3A_798 = tpu.memref_squeeze %get3A_797 : memref<1x640x64xf32, #tpu.memory_space<vmem>> -> memref<640x64xf32, #tpu.memory_space<vmem>>
          %get3A_799 = arith.index_cast %add3A_778 : i32 to index
          %get3A_800 = arith.constant 32 : index
          %get3A_801 = tpu.vector_load %get3A_798[%get3A_799, %get3A_800] {strides = array<i32>} : memref<640x64xf32, #tpu.memory_space<vmem>>, vector<16xf32>,
          %add3A_802 = arith.addf %add3A_766, %get3A_801 : vector<16xf32>
          %get3A_803 = arith.constant 0 : i32
          %get3A_804 = arith.constant 0 : i32
          %get3A_805 = tpu.memref_slice %arg7[%scan3A_30, %get3A_803, %get3A_804] : memref<2x640x64xf32, #tpu.memory_space<vmem>> -> memref<1x640x64xf32, #tpu.memory_space<vmem>>
          %get3A_806 = tpu.memref_squeeze %get3A_805 : memref<1x640x64xf32, #tpu.memory_space<vmem>> -> memref<640x64xf32, #tpu.memory_space<vmem>>
          %get3A_807 = arith.index_cast %add3A_778 : i32 to index
          %get3A_808 = arith.constant 48 : index
          %get3A_809 = tpu.vector_load %get3A_806[%get3A_807, %get3A_808] {strides = array<i32>} : memref<640x64xf32, #tpu.memory_space<vmem>>, vector<16xf32>,
          %add3A_810 = arith.addf %add3A_774, %get3A_809 : vector<16xf32>
          %mul3A_811 = arith.constant 20 : i32
          %mul3A_812 = arith.muli %add3A_118, %mul3A_811 : i32
          %add3A_813 = arith.constant 19 : i32
          %add3A_814 = arith.addi %mul3A_812, %add3A_813 : i32
          %get3A_815 = arith.constant 0 : i32
          %get3A_816 = arith.constant 0 : i32
          %get3A_817 = tpu.memref_slice %arg7[%scan3A_30, %get3A_815, %get3A_816] : memref<2x640x64xf32, #tpu.memory_space<vmem>> -> memref<1x640x64xf32, #tpu.memory_space<vmem>>
          %get3A_818 = tpu.memref_squeeze %get3A_817 : memref<1x640x64xf32, #tpu.memory_space<vmem>> -> memref<640x64xf32, #tpu.memory_space<vmem>>
          %get3A_819 = arith.index_cast %add3A_814 : i32 to index
          %get3A_820 = arith.constant 0 : index
          %get3A_821 = tpu.vector_load %get3A_818[%get3A_819, %get3A_820] {strides = array<i32>} : memref<640x64xf32, #tpu.memory_space<vmem>>, vector<16xf32>,
          %add3A_822 = arith.addf %add3A_786, %get3A_821 : vector<16xf32>
          %get3A_823 = arith.constant 0 : i32
          %get3A_824 = arith.constant 0 : i32
          %get3A_825 = tpu.memref_slice %arg7[%scan3A_30, %get3A_823, %get3A_824] : memref<2x640x64xf32, #tpu.memory_space<vmem>> -> memref<1x640x64xf32, #tpu.memory_space<vmem>>
          %get3A_826 = tpu.memref_squeeze %get3A_825 : memref<1x640x64xf32, #tpu.memory_space<vmem>> -> memref<640x64xf32, #tpu.memory_space<vmem>>
          %get3A_827 = arith.index_cast %add3A_814 : i32 to index
          %get3A_828 = arith.constant 16 : index
          %get3A_829 = tpu.vector_load %get3A_826[%get3A_827, %get3A_828] {strides = array<i32>} : memref<640x64xf32, #tpu.memory_space<vmem>>, vector<16xf32>,
          %add3A_830 = arith.addf %add3A_794, %get3A_829 : vector<16xf32>
          %get3A_831 = arith.constant 0 : i32
          %get3A_832 = arith.constant 0 : i32
          %get3A_833 = tpu.memref_slice %arg7[%scan3A_30, %get3A_831, %get3A_832] : memref<2x640x64xf32, #tpu.memory_space<vmem>> -> memref<1x640x64xf32, #tpu.memory_space<vmem>>
          %get3A_834 = tpu.memref_squeeze %get3A_833 : memref<1x640x64xf32, #tpu.memory_space<vmem>> -> memref<640x64xf32, #tpu.memory_space<vmem>>
          %get3A_835 = arith.index_cast %add3A_814 : i32 to index
          %get3A_836 = arith.constant 32 : index
          %get3A_837 = tpu.vector_load %get3A_834[%get3A_835, %get3A_836] {strides = array<i32>} : memref<640x64xf32, #tpu.memory_space<vmem>>, vector<16xf32>,
          %add3A_838 = arith.addf %add3A_802, %get3A_837 : vector<16xf32>
          %get3A_839 = arith.constant 0 : i32
          %get3A_840 = arith.constant 0 : i32
          %get3A_841 = tpu.memref_slice %arg7[%scan3A_30, %get3A_839, %get3A_840] : memref<2x640x64xf32, #tpu.memory_space<vmem>> -> memref<1x640x64xf32, #tpu.memory_space<vmem>>
          %get3A_842 = tpu.memref_squeeze %get3A_841 : memref<1x640x64xf32, #tpu.memory_space<vmem>> -> memref<640x64xf32, #tpu.memory_space<vmem>>
          %get3A_843 = arith.index_cast %add3A_814 : i32 to index
          %get3A_844 = arith.constant 48 : index
          %get3A_845 = tpu.vector_load %get3A_842[%get3A_843, %get3A_844] {strides = array<i32>} : memref<640x64xf32, #tpu.memory_space<vmem>>, vector<16xf32>,
          %add3A_846 = arith.addf %add3A_810, %get3A_845 : vector<16xf32>
          %mul3A_847 = arith.constant 20 : i32
          %mul3A_848 = arith.muli %add3A_118, %mul3A_847 : i32
          %get3A_849 = arith.constant 0 : i32
          %get3A_850 = tpu.memref_slice %arg6[%scan3A_29, %get3A_849] : memref<2x640xi32, #tpu.memory_space<vmem>> -> memref<1x640xi32, #tpu.memory_space<vmem>>
          %get3A_851 = tpu.memref_squeeze %get3A_850 : memref<1x640xi32, #tpu.memory_space<vmem>> -> memref<640xi32, #tpu.memory_space<vmem>>
          %get3A_852 = arith.index_cast %mul3A_848 : i32 to index
          %get3A_853 = tpu.vector_load %get3A_851[%get3A_852] {strides = array<i32>} : memref<640xi32, #tpu.memory_space<vmem>>, vector<16xi32>,
          %mul3A_854 = arith.constant 20 : i32
          %mul3A_855 = arith.muli %add3A_118, %mul3A_854 : i32
          %add3A_856 = arith.constant 4 : i32
          %add3A_857 = arith.addi %mul3A_855, %add3A_856 : i32
          %get3A_858 = arith.constant 0 : i32
          %get3A_859 = tpu.memref_slice %arg6[%scan3A_29, %get3A_858] : memref<2x640xi32, #tpu.memory_space<vmem>> -> memref<1x640xi32, #tpu.memory_space<vmem>>
          %get3A_860 = tpu.memref_squeeze %get3A_859 : memref<1x640xi32, #tpu.memory_space<vmem>> -> memref<640xi32, #tpu.memory_space<vmem>>
          %get3A_861 = arith.index_cast %add3A_857 : i32 to index
          %get3A_862 = tpu.vector_load %get3A_860[%get3A_861] {strides = array<i32>} : memref<640xi32, #tpu.memory_space<vmem>>, vector<16xi32>,
          %eq3A = arith.constant 0 : i32
          %eq3A_863 = vector.broadcast %eq3A : i32 to vector<16xi32>
          %eq3A_864 = arith.cmpi eq, %get3A_853, %eq3A_863 : vector<16xi32>
          %select_n3A = arith.select %eq3A_864, %broadcast_in_dim3A_3, %broadcast_in_dim3A_5 : vector<16xi1>, vector<16xi32>
          %eq3A_865 = arith.constant 0 : i32
          %eq3A_866 = vector.broadcast %eq3A_865 : i32 to vector<16xi32>
          %eq3A_867 = arith.cmpi eq, %get3A_862, %eq3A_866 : vector<16xi32>
          %ge3A = arith.constant 12 : i32
          %ge3A_868 = vector.broadcast %ge3A : i32 to vector<16xi32>
          %ge3A_869 = arith.cmpi sge, %iota3A, %ge3A_868 : vector<16xi32>
          %and3A = arith.andi %eq3A_867, %ge3A_869 : vector<16xi1>
          %select_n3A_870 = arith.select %and3A, %broadcast_in_dim3A_3, %broadcast_in_dim3A_5 : vector<16xi1>, vector<16xi32>
          %add3A_871 = arith.addi %select_n3A, %select_n3A_870 : vector<16xi32>
          %reduce_sum3A = arith.constant true
          %reduce_sum3A_872 = vector.broadcast %reduce_sum3A : i1 to vector<16xi1>
          %reduce_sum3A_873 = tpu.scan <sum>, %add3A_871 masked %reduce_sum3A_872 : vector<16xi32>, vector<16xi1> -> vector<16xi32>
          %reduce_sum3A_874 = vector.extract %reduce_sum3A_873[15] : i32 from vector<16xi32>
          %convert_element_type3A_875 = arith.sitofp %reduce_sum3A_874 : i32 to f32
          %mul3A_876 = vector.broadcast %convert_element_type3A_875 : f32 to vector<16xf32>
          %mul3A_877 = arith.mulf %mul3A_876, %get3A_6 : vector<16xf32>
          %sub3A = arith.subf %add3A_822, %mul3A_877 : vector<16xf32>
          %swap3A_878 = arith.index_cast %add3A_118 : i32 to index
          %swap3A_879 = arith.constant 0 : index
          %swap3A_880 = tpu.vector_load %arg9[%swap3A_878, %swap3A_879] {strides = array<i32>} : memref<32x64xf32, #tpu.memory_space<vmem>>, vector<16xf32>,
          tpu.vector_store %arg9[%swap3A_878, %swap3A_879], %sub3A {strides = array<i32>} : memref<32x64xf32, #tpu.memory_space<vmem>>, vector<16xf32>,
          %mul3A_881 = vector.broadcast %convert_element_type3A_875 : f32 to vector<16xf32>
          %mul3A_882 = arith.mulf %mul3A_881, %get3A_8 : vector<16xf32>
          %sub3A_883 = arith.subf %add3A_830, %mul3A_882 : vector<16xf32>
          %swap3A_884 = arith.index_cast %add3A_118 : i32 to index
          %swap3A_885 = arith.constant 16 : index
          %swap3A_886 = tpu.vector_load %arg9[%swap3A_884, %swap3A_885] {strides = array<i32>} : memref<32x64xf32, #tpu.memory_space<vmem>>, vector<16xf32>,
          tpu.vector_store %arg9[%swap3A_884, %swap3A_885], %sub3A_883 {strides = array<i32>} : memref<32x64xf32, #tpu.memory_space<vmem>>, vector<16xf32>,
          %mul3A_887 = vector.broadcast %convert_element_type3A_875 : f32 to vector<16xf32>
          %mul3A_888 = arith.mulf %mul3A_887, %get3A_10 : vector<16xf32>
          %sub3A_889 = arith.subf %add3A_838, %mul3A_888 : vector<16xf32>
          %swap3A_890 = arith.index_cast %add3A_118 : i32 to index
          %swap3A_891 = arith.constant 32 : index
          %swap3A_892 = tpu.vector_load %arg9[%swap3A_890, %swap3A_891] {strides = array<i32>} : memref<32x64xf32, #tpu.memory_space<vmem>>, vector<16xf32>,
          tpu.vector_store %arg9[%swap3A_890, %swap3A_891], %sub3A_889 {strides = array<i32>} : memref<32x64xf32, #tpu.memory_space<vmem>>, vector<16xf32>,
          %mul3A_893 = vector.broadcast %convert_element_type3A_875 : f32 to vector<16xf32>
          %mul3A_894 = arith.mulf %mul3A_893, %get3A_12 : vector<16xf32>
          %sub3A_895 = arith.subf %add3A_846, %mul3A_894 : vector<16xf32>
          %swap3A_896 = arith.index_cast %add3A_118 : i32 to index
          %swap3A_897 = arith.constant 48 : index
          %swap3A_898 = tpu.vector_load %arg9[%swap3A_896, %swap3A_897] {strides = array<i32>} : memref<32x64xf32, #tpu.memory_space<vmem>>, vector<16xf32>,
          tpu.vector_store %arg9[%swap3A_896, %swap3A_897], %sub3A_895 {strides = array<i32>} : memref<32x64xf32, #tpu.memory_space<vmem>>, vector<16xf32>,
          %sub3A_899 = arith.constant 2.000000e+01 : f32
          %sub3A_900 = arith.subf %sub3A_899, %convert_element_type3A_875 : f32
          %eq3A_901 = vector.broadcast %scan3A_114 : i32 to vector<16xi32>
          %eq3A_902 = arith.cmpi eq, %iota3A, %eq3A_901 : vector<16xi32>
          %broadcast_in_dim3A_903 = vector.broadcast %sub3A_900 : f32 to vector<16xf32>
          %select_n3A_904 = arith.select %eq3A_902, %broadcast_in_dim3A_903, %scan3A_115 : vector<16xi1>, vector<16xf32>
          scf.yield %select_n3A_904 : vector<16xf32>
        }
        %scan3A_107 = arith.constant 16 : i32
        %mul3A_108 = arith.constant 32 : i32
        %mul3A_109 = arith.muli %add3A_79, %mul3A_108 : i32
        %mul3A_110 = arith.constant 16 : i32
        %mul3A_111 = arith.muli %scan3A_99, %mul3A_110 : i32
        %add3A_112 = arith.addi %mul3A_109, %mul3A_111 : i32
        %swap3A = arith.index_cast %add3A_112 : i32 to index
        %swap3A_113 = tpu.vector_load %arg10[%swap3A] {strides = array<i32>} : memref<512xf32, #tpu.memory_space<vmem>>, vector<16xf32>,
        tpu.vector_store %arg10[%swap3A], %scan3A_106 {strides = array<i32>} : memref<512xf32, #tpu.memory_space<vmem>>, vector<16xf32>,
      }
      %scan3A_98 = arith.constant 2 : i32
      "tpu.region"() ({
        %run_scoped3A_99 = tpu.sem_alloc : memref<!tpu.dma_semaphore, #tpu.memory_space<semaphore_mem>>
        %dma_start3A_100 = arith.constant 0 : i32
        %dma_start3A_101 = tpu.memref_slice %arg4[%add3A_92, %dma_start3A_100] : memref<16384x64xf32, #tpu.memory_space<hbm>> -> memref<32x64xf32, #tpu.memory_space<hbm>>
        %dma_start3A_102 = arith.constant 0 : i32
        %dma_start3A_103 = tpu.memref_slice %arg4[%add3A_92, %dma_start3A_102] : memref<16384x64xf32, #tpu.memory_space<hbm>> -> memref<32x64xf32, #tpu.memory_space<hbm>>
        tpu.enqueue_dma source(%arg9 : memref<32x64xf32, #tpu.memory_space<vmem>>) target(%dma_start3A_103 : memref<32x64xf32, #tpu.memory_space<hbm>>) target_semaphore(%run_scoped3A_99 : memref<!tpu.dma_semaphore, #tpu.memory_space<semaphore_mem>>)
        %dma_wait3A_104 = arith.constant 0 : i32
        %dma_wait3A_105 = tpu.memref_slice %arg4[%add3A_92, %dma_wait3A_104] : memref<16384x64xf32, #tpu.memory_space<hbm>> -> memref<32x64xf32, #tpu.memory_space<hbm>>
        %dma_wait3A_106 = arith.constant 0 : i32
        %dma_wait3A_107 = tpu.memref_slice %arg4[%add3A_92, %dma_wait3A_106] : memref<16384x64xf32, #tpu.memory_space<hbm>> -> memref<32x64xf32, #tpu.memory_space<hbm>>
        tpu.wait_dma2 semaphore(%run_scoped3A_99 : memref<!tpu.dma_semaphore, #tpu.memory_space<semaphore_mem>>) src(%arg9 : memref<32x64xf32, #tpu.memory_space<vmem>>) dst(%dma_wait3A_107 : memref<32x64xf32, #tpu.memory_space<hbm>>)
        tpu.yield
      }) : () -> ()
    }
    %scan3A_37 = arith.constant 8 : i32
    "tpu.region"() ({
      %run_scoped3A_38 = tpu.sem_alloc : memref<!tpu.dma_semaphore, #tpu.memory_space<semaphore_mem>>
      %dma_start3A_39 = tpu.memref_slice %arg5[%mul3A_2] : memref<16384xf32, #tpu.memory_space<hbm>> -> memref<512xf32, #tpu.memory_space<hbm>>
      %dma_start3A_40 = tpu.memref_slice %arg5[%mul3A_2] : memref<16384xf32, #tpu.memory_space<hbm>> -> memref<512xf32, #tpu.memory_space<hbm>>
      tpu.enqueue_dma source(%arg10 : memref<512xf32, #tpu.memory_space<vmem>>) target(%dma_start3A_40 : memref<512xf32, #tpu.memory_space<hbm>>) target_semaphore(%run_scoped3A_38 : memref<!tpu.dma_semaphore, #tpu.memory_space<semaphore_mem>>)
      %dma_wait3A = tpu.memref_slice %arg5[%mul3A_2] : memref<16384xf32, #tpu.memory_space<hbm>> -> memref<512xf32, #tpu.memory_space<hbm>>
      %dma_wait3A_41 = tpu.memref_slice %arg5[%mul3A_2] : memref<16384xf32, #tpu.memory_space<hbm>> -> memref<512xf32, #tpu.memory_space<hbm>>
      tpu.wait_dma2 semaphore(%run_scoped3A_38 : memref<!tpu.dma_semaphore, #tpu.memory_space<semaphore_mem>>) src(%arg10 : memref<512xf32, #tpu.memory_space<vmem>>) dst(%dma_wait3A_41 : memref<512xf32, #tpu.memory_space<hbm>>)
      tpu.yield
    }) : () -> ()
    return
  }
}

#map = affine_map<(d0, d1) -> (0, 0)>
#map1 = affine_map<(d0, d1) -> (0)>
module attributes {stable_mosaic.version = 14 : i64} {
  func.func @kern(%arg0: i32, %arg1: i32, %arg2: memref<16384x64xf32, #tpu.memory_space<hbm>>, %arg3: memref<16384xf32, #tpu.memory_space<hbm>>, %arg4: memref<16384xi32, #tpu.memory_space<hbm>>, %arg5: memref<100000x64xf32, #tpu.memory_space<hbm>>, %arg6: memref<16384xf32, #tpu.memory_space<hbm>>, %arg7: memref<2x32xi32, #tpu.memory_space<vmem>>, %arg8: memref<2x32x64xf32, #tpu.memory_space<vmem>>, %arg9: memref<2x32x64xf32, #tpu.memory_space<vmem>>, %arg10: memref<2x32xf32, #tpu.memory_space<vmem>>, %arg11: memref<512xf32, #tpu.memory_space<vmem>>, %arg12: memref<!tpu.dma_semaphore, #tpu.memory_space<semaphore_mem>>, %arg13: memref<!tpu.dma_semaphore, #tpu.memory_space<semaphore_mem>>, %arg14: memref<!tpu.dma_semaphore, #tpu.memory_space<semaphore_mem>>, %arg15: memref<!tpu.dma_semaphore, #tpu.memory_space<semaphore_mem>>) attributes {dimension_semantics = [#tpu.dimension_semantics<core_parallel>, #tpu.dimension_semantics<subcore_parallel>], iteration_bounds = array<i64: 2, 16>, scalar_prefetch = 0 : i64, scratch_operands = 9 : i64, tpu.core_type = #tpu.core_type<sc_vector_subcore>, window_params = [{transform_indices = #map}, {transform_indices = #map1}, {transform_indices = #map1}, {transform_indices = #map}, {transform_indices = #map1}]} {
    %mul3A = arith.constant 2 : i32
    %mul3A_0 = arith.muli %arg1, %mul3A : i32
    %add3A = arith.addi %mul3A_0, %arg0 : i32
    %mul3A_1 = arith.constant 512 : i32
    %mul3A_2 = arith.muli %add3A, %mul3A_1 : i32
    %iota3A = tpu.iota {dimensions = array<i32: 0>} : vector<16xi32>
    %add3A_3 = arith.constant 0 : i32
    %add3A_4 = arith.addi %mul3A_2, %add3A_3 : i32
    %run_scoped3A = arith.constant 0 : i32
    "tpu.region"() ({
      %run_scoped3A_43 = tpu.sem_alloc : memref<!tpu.dma_semaphore, #tpu.memory_space<semaphore_mem>>
      %dma_start3A_44 = arith.constant 0 : i32
      %dma_start3A_45 = tpu.memref_slice %arg7[%run_scoped3A, %dma_start3A_44] : memref<2x32xi32, #tpu.memory_space<vmem>> -> memref<1x32xi32, #tpu.memory_space<vmem>>
      %dma_start3A_46 = tpu.memref_squeeze %dma_start3A_45 : memref<1x32xi32, #tpu.memory_space<vmem>> -> memref<32xi32, #tpu.memory_space<vmem>>
      %dma_start3A_47 = tpu.memref_slice %arg4[%add3A_4] : memref<16384xi32, #tpu.memory_space<hbm>> -> memref<32xi32, #tpu.memory_space<hbm>>
      %dma_start3A_48 = arith.constant 0 : i32
      %dma_start3A_49 = tpu.memref_slice %arg7[%run_scoped3A, %dma_start3A_48] : memref<2x32xi32, #tpu.memory_space<vmem>> -> memref<1x32xi32, #tpu.memory_space<vmem>>
      %dma_start3A_50 = tpu.memref_squeeze %dma_start3A_49 : memref<1x32xi32, #tpu.memory_space<vmem>> -> memref<32xi32, #tpu.memory_space<vmem>>
      %dma_start3A_51 = tpu.memref_slice %arg4[%add3A_4] : memref<16384xi32, #tpu.memory_space<hbm>> -> memref<32xi32, #tpu.memory_space<hbm>>
      tpu.enqueue_dma source(%dma_start3A_51 : memref<32xi32, #tpu.memory_space<hbm>>) target(%dma_start3A_50 : memref<32xi32, #tpu.memory_space<vmem>>) target_semaphore(%run_scoped3A_43 : memref<!tpu.dma_semaphore, #tpu.memory_space<semaphore_mem>>)
      %dma_wait3A = arith.constant 0 : i32
      %dma_wait3A_52 = tpu.memref_slice %arg7[%run_scoped3A, %dma_wait3A] : memref<2x32xi32, #tpu.memory_space<vmem>> -> memref<1x32xi32, #tpu.memory_space<vmem>>
      %dma_wait3A_53 = tpu.memref_squeeze %dma_wait3A_52 : memref<1x32xi32, #tpu.memory_space<vmem>> -> memref<32xi32, #tpu.memory_space<vmem>>
      %dma_wait3A_54 = tpu.memref_slice %arg4[%add3A_4] : memref<16384xi32, #tpu.memory_space<hbm>> -> memref<32xi32, #tpu.memory_space<hbm>>
      %dma_wait3A_55 = arith.constant 0 : i32
      %dma_wait3A_56 = tpu.memref_slice %arg7[%run_scoped3A, %dma_wait3A_55] : memref<2x32xi32, #tpu.memory_space<vmem>> -> memref<1x32xi32, #tpu.memory_space<vmem>>
      %dma_wait3A_57 = tpu.memref_squeeze %dma_wait3A_56 : memref<1x32xi32, #tpu.memory_space<vmem>> -> memref<32xi32, #tpu.memory_space<vmem>>
      %dma_wait3A_58 = tpu.memref_slice %arg4[%add3A_4] : memref<16384xi32, #tpu.memory_space<hbm>> -> memref<32xi32, #tpu.memory_space<hbm>>
      tpu.wait_dma2 semaphore(%run_scoped3A_43 : memref<!tpu.dma_semaphore, #tpu.memory_space<semaphore_mem>>) src(%dma_wait3A_58 : memref<32xi32, #tpu.memory_space<hbm>>) dst(%dma_wait3A_57 : memref<32xi32, #tpu.memory_space<vmem>>)
      tpu.yield
    }) : () -> ()
    %run_scoped3A_5 = arith.constant 0 : i32
    "tpu.region"() ({
      %run_scoped3A_43 = tpu.sem_alloc : memref<!tpu.dma_semaphore, #tpu.memory_space<semaphore_mem>>
      %dma_start3A_44 = arith.constant 0 : i32
      %dma_start3A_45 = tpu.memref_slice %arg10[%run_scoped3A_5, %dma_start3A_44] : memref<2x32xf32, #tpu.memory_space<vmem>> -> memref<1x32xf32, #tpu.memory_space<vmem>>
      %dma_start3A_46 = tpu.memref_squeeze %dma_start3A_45 : memref<1x32xf32, #tpu.memory_space<vmem>> -> memref<32xf32, #tpu.memory_space<vmem>>
      %dma_start3A_47 = tpu.memref_slice %arg3[%add3A_4] : memref<16384xf32, #tpu.memory_space<hbm>> -> memref<32xf32, #tpu.memory_space<hbm>>
      %dma_start3A_48 = arith.constant 0 : i32
      %dma_start3A_49 = tpu.memref_slice %arg10[%run_scoped3A_5, %dma_start3A_48] : memref<2x32xf32, #tpu.memory_space<vmem>> -> memref<1x32xf32, #tpu.memory_space<vmem>>
      %dma_start3A_50 = tpu.memref_squeeze %dma_start3A_49 : memref<1x32xf32, #tpu.memory_space<vmem>> -> memref<32xf32, #tpu.memory_space<vmem>>
      %dma_start3A_51 = tpu.memref_slice %arg3[%add3A_4] : memref<16384xf32, #tpu.memory_space<hbm>> -> memref<32xf32, #tpu.memory_space<hbm>>
      tpu.enqueue_dma source(%dma_start3A_51 : memref<32xf32, #tpu.memory_space<hbm>>) target(%dma_start3A_50 : memref<32xf32, #tpu.memory_space<vmem>>) target_semaphore(%run_scoped3A_43 : memref<!tpu.dma_semaphore, #tpu.memory_space<semaphore_mem>>)
      %dma_wait3A = arith.constant 0 : i32
      %dma_wait3A_52 = tpu.memref_slice %arg10[%run_scoped3A_5, %dma_wait3A] : memref<2x32xf32, #tpu.memory_space<vmem>> -> memref<1x32xf32, #tpu.memory_space<vmem>>
      %dma_wait3A_53 = tpu.memref_squeeze %dma_wait3A_52 : memref<1x32xf32, #tpu.memory_space<vmem>> -> memref<32xf32, #tpu.memory_space<vmem>>
      %dma_wait3A_54 = tpu.memref_slice %arg3[%add3A_4] : memref<16384xf32, #tpu.memory_space<hbm>> -> memref<32xf32, #tpu.memory_space<hbm>>
      %dma_wait3A_55 = arith.constant 0 : i32
      %dma_wait3A_56 = tpu.memref_slice %arg10[%run_scoped3A_5, %dma_wait3A_55] : memref<2x32xf32, #tpu.memory_space<vmem>> -> memref<1x32xf32, #tpu.memory_space<vmem>>
      %dma_wait3A_57 = tpu.memref_squeeze %dma_wait3A_56 : memref<1x32xf32, #tpu.memory_space<vmem>> -> memref<32xf32, #tpu.memory_space<vmem>>
      %dma_wait3A_58 = tpu.memref_slice %arg3[%add3A_4] : memref<16384xf32, #tpu.memory_space<hbm>> -> memref<32xf32, #tpu.memory_space<hbm>>
      tpu.wait_dma2 semaphore(%run_scoped3A_43 : memref<!tpu.dma_semaphore, #tpu.memory_space<semaphore_mem>>) src(%dma_wait3A_58 : memref<32xf32, #tpu.memory_space<hbm>>) dst(%dma_wait3A_57 : memref<32xf32, #tpu.memory_space<vmem>>)
      tpu.yield
    }) : () -> ()
    %dma_start3A = arith.constant 0 : i32
    %dma_start3A_6 = arith.constant 0 : i32
    %dma_start3A_7 = arith.constant 0 : i32
    %dma_start3A_8 = arith.constant 0 : i32
    %dma_start3A_9 = tpu.memref_slice %arg8[%dma_start3A_6, %dma_start3A_7, %dma_start3A_8] : memref<2x32x64xf32, #tpu.memory_space<vmem>> -> memref<1x32x64xf32, #tpu.memory_space<vmem>>
    %dma_start3A_10 = tpu.memref_squeeze %dma_start3A_9 : memref<1x32x64xf32, #tpu.memory_space<vmem>> -> memref<32x64xf32, #tpu.memory_space<vmem>>
    %dma_start3A_11 = arith.constant 0 : i32
    %dma_start3A_12 = tpu.memref_slice %arg7[%dma_start3A, %dma_start3A_11] : memref<2x32xi32, #tpu.memory_space<vmem>> -> memref<1x32xi32, #tpu.memory_space<vmem>>
    %dma_start3A_13 = tpu.memref_squeeze %dma_start3A_12 : memref<1x32xi32, #tpu.memory_space<vmem>> -> memref<32xi32, #tpu.memory_space<vmem>>
    %dma_start3A_14 = arith.constant 0 : i32
    %dma_start3A_15 = arith.constant 0 : i32
    %dma_start3A_16 = tpu.memref_slice %arg5[%dma_start3A_14, %dma_start3A_15] : memref<100000x64xf32, #tpu.memory_space<hbm>> -> memref<100000x64xf32, #tpu.memory_space<hbm>>
    tpu.enqueue_indirect_dma source(%dma_start3A_16 : memref<100000x64xf32, #tpu.memory_space<hbm>>) target(%dma_start3A_10 : memref<32x64xf32, #tpu.memory_space<vmem>>) offsets(%dma_start3A_13 : memref<32xi32, #tpu.memory_space<vmem>>) semaphore(%arg12 : memref<!tpu.dma_semaphore, #tpu.memory_space<semaphore_mem>>)
    %dma_start3A_17 = arith.constant 0 : i32
    %dma_start3A_18 = arith.constant 0 : i32
    %dma_start3A_19 = arith.constant 0 : i32
    %dma_start3A_20 = tpu.memref_slice %arg9[%dma_start3A_17, %dma_start3A_18, %dma_start3A_19] : memref<2x32x64xf32, #tpu.memory_space<vmem>> -> memref<1x32x64xf32, #tpu.memory_space<vmem>>
    %dma_start3A_21 = tpu.memref_squeeze %dma_start3A_20 : memref<1x32x64xf32, #tpu.memory_space<vmem>> -> memref<32x64xf32, #tpu.memory_space<vmem>>
    %dma_start3A_22 = arith.constant 0 : i32
    %dma_start3A_23 = tpu.memref_slice %arg2[%add3A_4, %dma_start3A_22] : memref<16384x64xf32, #tpu.memory_space<hbm>> -> memref<32x64xf32, #tpu.memory_space<hbm>>
    %dma_start3A_24 = arith.constant 0 : i32
    %dma_start3A_25 = arith.constant 0 : i32
    %dma_start3A_26 = tpu.memref_slice %arg9[%dma_start3A_17, %dma_start3A_24, %dma_start3A_25] : memref<2x32x64xf32, #tpu.memory_space<vmem>> -> memref<1x32x64xf32, #tpu.memory_space<vmem>>
    %dma_start3A_27 = tpu.memref_squeeze %dma_start3A_26 : memref<1x32x64xf32, #tpu.memory_space<vmem>> -> memref<32x64xf32, #tpu.memory_space<vmem>>
    %dma_start3A_28 = arith.constant 0 : i32
    %dma_start3A_29 = tpu.memref_slice %arg2[%add3A_4, %dma_start3A_28] : memref<16384x64xf32, #tpu.memory_space<hbm>> -> memref<32x64xf32, #tpu.memory_space<hbm>>
    tpu.enqueue_dma source(%dma_start3A_29 : memref<32x64xf32, #tpu.memory_space<hbm>>) target(%dma_start3A_27 : memref<32x64xf32, #tpu.memory_space<vmem>>) target_semaphore(%arg14 : memref<!tpu.dma_semaphore, #tpu.memory_space<semaphore_mem>>)
    %scan3A = arith.constant 0 : i32
    %scan3A_30 = arith.constant 1 : i32
    %scan3A_31 = arith.constant 1 : i32
    %scan3A_32 = arith.constant 1 : i32
    %scan3A_33 = arith.constant 1 : i32
    %scan3A_34 = arith.constant 0 : i32
    %scan3A_35 = arith.constant 0 : i32
    %scan3A_36 = arith.constant 0 : i32
    %scan3A_37 = arith.constant 0 : i32
    %scan3A_38 = arith.constant 0 : i32
    %scan3A_39 = arith.constant 8 : i32
    %scan3A_40 = arith.addi %scan3A_38, %scan3A_39 : i32
    %scan3A_41 = arith.constant 1 : i32
    scf.for %scan3A_43 = %scan3A_38 to %scan3A_40 step %scan3A_41  : i32 {
      %mul3A_44 = arith.constant 2 : i32
      %mul3A_45 = arith.muli %mul3A_44, %scan3A_43 : i32
      %add3A_46 = arith.constant 1 : i32
      %add3A_47 = arith.addi %mul3A_45, %add3A_46 : i32
      %mul3A_48 = arith.constant 32 : i32
      %mul3A_49 = arith.muli %add3A_47, %mul3A_48 : i32
      %add3A_50 = arith.addi %mul3A_2, %mul3A_49 : i32
      "tpu.region"() ({
        %run_scoped3A_138 = tpu.sem_alloc : memref<!tpu.dma_semaphore, #tpu.memory_space<semaphore_mem>>
        %dma_start3A_139 = arith.constant 0 : i32
        %dma_start3A_140 = tpu.memref_slice %arg7[%scan3A_30, %dma_start3A_139] : memref<2x32xi32, #tpu.memory_space<vmem>> -> memref<1x32xi32, #tpu.memory_space<vmem>>
        %dma_start3A_141 = tpu.memref_squeeze %dma_start3A_140 : memref<1x32xi32, #tpu.memory_space<vmem>> -> memref<32xi32, #tpu.memory_space<vmem>>
        %dma_start3A_142 = tpu.memref_slice %arg4[%add3A_50] : memref<16384xi32, #tpu.memory_space<hbm>> -> memref<32xi32, #tpu.memory_space<hbm>>
        %dma_start3A_143 = arith.constant 0 : i32
        %dma_start3A_144 = tpu.memref_slice %arg7[%scan3A_30, %dma_start3A_143] : memref<2x32xi32, #tpu.memory_space<vmem>> -> memref<1x32xi32, #tpu.memory_space<vmem>>
        %dma_start3A_145 = tpu.memref_squeeze %dma_start3A_144 : memref<1x32xi32, #tpu.memory_space<vmem>> -> memref<32xi32, #tpu.memory_space<vmem>>
        %dma_start3A_146 = tpu.memref_slice %arg4[%add3A_50] : memref<16384xi32, #tpu.memory_space<hbm>> -> memref<32xi32, #tpu.memory_space<hbm>>
        tpu.enqueue_dma source(%dma_start3A_146 : memref<32xi32, #tpu.memory_space<hbm>>) target(%dma_start3A_145 : memref<32xi32, #tpu.memory_space<vmem>>) target_semaphore(%run_scoped3A_138 : memref<!tpu.dma_semaphore, #tpu.memory_space<semaphore_mem>>)
        %dma_wait3A_147 = arith.constant 0 : i32
        %dma_wait3A_148 = tpu.memref_slice %arg7[%scan3A_30, %dma_wait3A_147] : memref<2x32xi32, #tpu.memory_space<vmem>> -> memref<1x32xi32, #tpu.memory_space<vmem>>
        %dma_wait3A_149 = tpu.memref_squeeze %dma_wait3A_148 : memref<1x32xi32, #tpu.memory_space<vmem>> -> memref<32xi32, #tpu.memory_space<vmem>>
        %dma_wait3A_150 = tpu.memref_slice %arg4[%add3A_50] : memref<16384xi32, #tpu.memory_space<hbm>> -> memref<32xi32, #tpu.memory_space<hbm>>
        %dma_wait3A_151 = arith.constant 0 : i32
        %dma_wait3A_152 = tpu.memref_slice %arg7[%scan3A_30, %dma_wait3A_151] : memref<2x32xi32, #tpu.memory_space<vmem>> -> memref<1x32xi32, #tpu.memory_space<vmem>>
        %dma_wait3A_153 = tpu.memref_squeeze %dma_wait3A_152 : memref<1x32xi32, #tpu.memory_space<vmem>> -> memref<32xi32, #tpu.memory_space<vmem>>
        %dma_wait3A_154 = tpu.memref_slice %arg4[%add3A_50] : memref<16384xi32, #tpu.memory_space<hbm>> -> memref<32xi32, #tpu.memory_space<hbm>>
        tpu.wait_dma2 semaphore(%run_scoped3A_138 : memref<!tpu.dma_semaphore, #tpu.memory_space<semaphore_mem>>) src(%dma_wait3A_154 : memref<32xi32, #tpu.memory_space<hbm>>) dst(%dma_wait3A_153 : memref<32xi32, #tpu.memory_space<vmem>>)
        tpu.yield
      }) : () -> ()
      "tpu.region"() ({
        %run_scoped3A_138 = tpu.sem_alloc : memref<!tpu.dma_semaphore, #tpu.memory_space<semaphore_mem>>
        %dma_start3A_139 = arith.constant 0 : i32
        %dma_start3A_140 = tpu.memref_slice %arg10[%scan3A_31, %dma_start3A_139] : memref<2x32xf32, #tpu.memory_space<vmem>> -> memref<1x32xf32, #tpu.memory_space<vmem>>
        %dma_start3A_141 = tpu.memref_squeeze %dma_start3A_140 : memref<1x32xf32, #tpu.memory_space<vmem>> -> memref<32xf32, #tpu.memory_space<vmem>>
        %dma_start3A_142 = tpu.memref_slice %arg3[%add3A_50] : memref<16384xf32, #tpu.memory_space<hbm>> -> memref<32xf32, #tpu.memory_space<hbm>>
        %dma_start3A_143 = arith.constant 0 : i32
        %dma_start3A_144 = tpu.memref_slice %arg10[%scan3A_31, %dma_start3A_143] : memref<2x32xf32, #tpu.memory_space<vmem>> -> memref<1x32xf32, #tpu.memory_space<vmem>>
        %dma_start3A_145 = tpu.memref_squeeze %dma_start3A_144 : memref<1x32xf32, #tpu.memory_space<vmem>> -> memref<32xf32, #tpu.memory_space<vmem>>
        %dma_start3A_146 = tpu.memref_slice %arg3[%add3A_50] : memref<16384xf32, #tpu.memory_space<hbm>> -> memref<32xf32, #tpu.memory_space<hbm>>
        tpu.enqueue_dma source(%dma_start3A_146 : memref<32xf32, #tpu.memory_space<hbm>>) target(%dma_start3A_145 : memref<32xf32, #tpu.memory_space<vmem>>) target_semaphore(%run_scoped3A_138 : memref<!tpu.dma_semaphore, #tpu.memory_space<semaphore_mem>>)
        %dma_wait3A_147 = arith.constant 0 : i32
        %dma_wait3A_148 = tpu.memref_slice %arg10[%scan3A_31, %dma_wait3A_147] : memref<2x32xf32, #tpu.memory_space<vmem>> -> memref<1x32xf32, #tpu.memory_space<vmem>>
        %dma_wait3A_149 = tpu.memref_squeeze %dma_wait3A_148 : memref<1x32xf32, #tpu.memory_space<vmem>> -> memref<32xf32, #tpu.memory_space<vmem>>
        %dma_wait3A_150 = tpu.memref_slice %arg3[%add3A_50] : memref<16384xf32, #tpu.memory_space<hbm>> -> memref<32xf32, #tpu.memory_space<hbm>>
        %dma_wait3A_151 = arith.constant 0 : i32
        %dma_wait3A_152 = tpu.memref_slice %arg10[%scan3A_31, %dma_wait3A_151] : memref<2x32xf32, #tpu.memory_space<vmem>> -> memref<1x32xf32, #tpu.memory_space<vmem>>
        %dma_wait3A_153 = tpu.memref_squeeze %dma_wait3A_152 : memref<1x32xf32, #tpu.memory_space<vmem>> -> memref<32xf32, #tpu.memory_space<vmem>>
        %dma_wait3A_154 = tpu.memref_slice %arg3[%add3A_50] : memref<16384xf32, #tpu.memory_space<hbm>> -> memref<32xf32, #tpu.memory_space<hbm>>
        tpu.wait_dma2 semaphore(%run_scoped3A_138 : memref<!tpu.dma_semaphore, #tpu.memory_space<semaphore_mem>>) src(%dma_wait3A_154 : memref<32xf32, #tpu.memory_space<hbm>>) dst(%dma_wait3A_153 : memref<32xf32, #tpu.memory_space<vmem>>)
        tpu.yield
      }) : () -> ()
      %dma_start3A_51 = arith.constant 0 : i32
      %dma_start3A_52 = arith.constant 0 : i32
      %dma_start3A_53 = tpu.memref_slice %arg8[%scan3A_32, %dma_start3A_51, %dma_start3A_52] : memref<2x32x64xf32, #tpu.memory_space<vmem>> -> memref<1x32x64xf32, #tpu.memory_space<vmem>>
      %dma_start3A_54 = tpu.memref_squeeze %dma_start3A_53 : memref<1x32x64xf32, #tpu.memory_space<vmem>> -> memref<32x64xf32, #tpu.memory_space<vmem>>
      %dma_start3A_55 = arith.constant 0 : i32
      %dma_start3A_56 = tpu.memref_slice %arg7[%scan3A_30, %dma_start3A_55] : memref<2x32xi32, #tpu.memory_space<vmem>> -> memref<1x32xi32, #tpu.memory_space<vmem>>
      %dma_start3A_57 = tpu.memref_squeeze %dma_start3A_56 : memref<1x32xi32, #tpu.memory_space<vmem>> -> memref<32xi32, #tpu.memory_space<vmem>>
      %dma_start3A_58 = arith.constant 0 : i32
      %dma_start3A_59 = arith.constant 0 : i32
      %dma_start3A_60 = tpu.memref_slice %arg5[%dma_start3A_58, %dma_start3A_59] : memref<100000x64xf32, #tpu.memory_space<hbm>> -> memref<100000x64xf32, #tpu.memory_space<hbm>>
      tpu.enqueue_indirect_dma source(%dma_start3A_60 : memref<100000x64xf32, #tpu.memory_space<hbm>>) target(%dma_start3A_54 : memref<32x64xf32, #tpu.memory_space<vmem>>) offsets(%dma_start3A_57 : memref<32xi32, #tpu.memory_space<vmem>>) semaphore(%arg13 : memref<!tpu.dma_semaphore, #tpu.memory_space<semaphore_mem>>)
      %dma_start3A_61 = arith.constant 0 : i32
      %dma_start3A_62 = arith.constant 0 : i32
      %dma_start3A_63 = tpu.memref_slice %arg9[%scan3A_33, %dma_start3A_61, %dma_start3A_62] : memref<2x32x64xf32, #tpu.memory_space<vmem>> -> memref<1x32x64xf32, #tpu.memory_space<vmem>>
      %dma_start3A_64 = tpu.memref_squeeze %dma_start3A_63 : memref<1x32x64xf32, #tpu.memory_space<vmem>> -> memref<32x64xf32, #tpu.memory_space<vmem>>
      %dma_start3A_65 = arith.constant 0 : i32
      %dma_start3A_66 = tpu.memref_slice %arg2[%add3A_50, %dma_start3A_65] : memref<16384x64xf32, #tpu.memory_space<hbm>> -> memref<32x64xf32, #tpu.memory_space<hbm>>
      %dma_start3A_67 = arith.constant 0 : i32
      %dma_start3A_68 = arith.constant 0 : i32
      %dma_start3A_69 = tpu.memref_slice %arg9[%scan3A_33, %dma_start3A_67, %dma_start3A_68] : memref<2x32x64xf32, #tpu.memory_space<vmem>> -> memref<1x32x64xf32, #tpu.memory_space<vmem>>
      %dma_start3A_70 = tpu.memref_squeeze %dma_start3A_69 : memref<1x32x64xf32, #tpu.memory_space<vmem>> -> memref<32x64xf32, #tpu.memory_space<vmem>>
      %dma_start3A_71 = arith.constant 0 : i32
      %dma_start3A_72 = tpu.memref_slice %arg2[%add3A_50, %dma_start3A_71] : memref<16384x64xf32, #tpu.memory_space<hbm>> -> memref<32x64xf32, #tpu.memory_space<hbm>>
      tpu.enqueue_dma source(%dma_start3A_72 : memref<32x64xf32, #tpu.memory_space<hbm>>) target(%dma_start3A_70 : memref<32x64xf32, #tpu.memory_space<vmem>>) target_semaphore(%arg15 : memref<!tpu.dma_semaphore, #tpu.memory_space<semaphore_mem>>)
      %dma_wait3A = arith.constant 0 : i32
      %dma_wait3A_73 = arith.constant 0 : i32
      %dma_wait3A_74 = tpu.memref_slice %arg8[%scan3A_35, %dma_wait3A, %dma_wait3A_73] : memref<2x32x64xf32, #tpu.memory_space<vmem>> -> memref<1x32x64xf32, #tpu.memory_space<vmem>>
      %dma_wait3A_75 = tpu.memref_squeeze %dma_wait3A_74 : memref<1x32x64xf32, #tpu.memory_space<vmem>> -> memref<32x64xf32, #tpu.memory_space<vmem>>
      %dma_wait3A_76 = arith.constant 0 : i32
      %dma_wait3A_77 = tpu.memref_slice %arg7[%scan3A_34, %dma_wait3A_76] : memref<2x32xi32, #tpu.memory_space<vmem>> -> memref<1x32xi32, #tpu.memory_space<vmem>>
      %dma_wait3A_78 = tpu.memref_squeeze %dma_wait3A_77 : memref<1x32xi32, #tpu.memory_space<vmem>> -> memref<32xi32, #tpu.memory_space<vmem>>
      %dma_wait3A_79 = arith.constant 0 : i32
      %dma_wait3A_80 = arith.constant 0 : i32
      %dma_wait3A_81 = tpu.memref_slice %arg5[%dma_wait3A_79, %dma_wait3A_80] : memref<100000x64xf32, #tpu.memory_space<hbm>> -> memref<100000x64xf32, #tpu.memory_space<hbm>>
      tpu.wait_indirect_dma semaphore(%arg12 : memref<!tpu.dma_semaphore, #tpu.memory_space<semaphore_mem>>) src(%dma_wait3A_81 : memref<100000x64xf32, #tpu.memory_space<hbm>>) dst(%dma_wait3A_75 : memref<32x64xf32, #tpu.memory_space<vmem>>)
      %mul3A_82 = arith.constant 32 : i32
      %mul3A_83 = arith.muli %mul3A_45, %mul3A_82 : i32
      %add3A_84 = arith.addi %mul3A_2, %mul3A_83 : i32
      %dma_wait3A_85 = arith.constant 0 : i32
      %dma_wait3A_86 = arith.constant 0 : i32
      %dma_wait3A_87 = tpu.memref_slice %arg9[%scan3A_36, %dma_wait3A_85, %dma_wait3A_86] : memref<2x32x64xf32, #tpu.memory_space<vmem>> -> memref<1x32x64xf32, #tpu.memory_space<vmem>>
      %dma_wait3A_88 = tpu.memref_squeeze %dma_wait3A_87 : memref<1x32x64xf32, #tpu.memory_space<vmem>> -> memref<32x64xf32, #tpu.memory_space<vmem>>
      %dma_wait3A_89 = arith.constant 0 : i32
      %dma_wait3A_90 = tpu.memref_slice %arg2[%add3A_84, %dma_wait3A_89] : memref<16384x64xf32, #tpu.memory_space<hbm>> -> memref<32x64xf32, #tpu.memory_space<hbm>>
      %dma_wait3A_91 = arith.constant 0 : i32
      %dma_wait3A_92 = arith.constant 0 : i32
      %dma_wait3A_93 = tpu.memref_slice %arg9[%scan3A_36, %dma_wait3A_91, %dma_wait3A_92] : memref<2x32x64xf32, #tpu.memory_space<vmem>> -> memref<1x32x64xf32, #tpu.memory_space<vmem>>
      %dma_wait3A_94 = tpu.memref_squeeze %dma_wait3A_93 : memref<1x32x64xf32, #tpu.memory_space<vmem>> -> memref<32x64xf32, #tpu.memory_space<vmem>>
      %dma_wait3A_95 = arith.constant 0 : i32
      %dma_wait3A_96 = tpu.memref_slice %arg2[%add3A_84, %dma_wait3A_95] : memref<16384x64xf32, #tpu.memory_space<hbm>> -> memref<32x64xf32, #tpu.memory_space<hbm>>
      tpu.wait_dma2 semaphore(%arg14 : memref<!tpu.dma_semaphore, #tpu.memory_space<semaphore_mem>>) src(%dma_wait3A_96 : memref<32x64xf32, #tpu.memory_space<hbm>>) dst(%dma_wait3A_94 : memref<32x64xf32, #tpu.memory_space<vmem>>)
      %scan3A_97 = arith.constant 0 : i32
      %scan3A_98 = arith.constant 0 : i32
      %scan3A_99 = arith.constant 2 : i32
      %scan3A_100 = arith.addi %scan3A_98, %scan3A_99 : i32
      %scan3A_101 = arith.constant 1 : i32
      scf.for %scan3A_138 = %scan3A_98 to %scan3A_100 step %scan3A_101  : i32 {
        %broadcast_in_dim3A = arith.constant 0.000000e+00 : f32
        %broadcast_in_dim3A_139 = vector.broadcast %broadcast_in_dim3A : f32 to vector<16xf32>
        %scan3A_140 = arith.constant 0 : i32
        %scan3A_141 = arith.constant 16 : i32
        %scan3A_142 = arith.addi %scan3A_140, %scan3A_141 : i32
        %scan3A_143 = arith.constant 1 : i32
        %scan3A_144 = scf.for %scan3A_158 = %scan3A_140 to %scan3A_142 step %scan3A_143 iter_args(%scan3A_159 = %broadcast_in_dim3A_139) -> (vector<16xf32>)  : i32 {
          %mul3A_160 = arith.constant 16 : i32
          %mul3A_161 = arith.muli %scan3A_138, %mul3A_160 : i32
          %add3A_162 = arith.addi %mul3A_161, %scan3A_158 : i32
          %broadcast_in_dim3A_163 = arith.constant 0.000000e+00 : f32
          %broadcast_in_dim3A_164 = vector.broadcast %broadcast_in_dim3A_163 : f32 to vector<16xf32>
          %get3A_165 = arith.constant 0 : i32
          %get3A_166 = arith.constant 0 : i32
          %get3A_167 = tpu.memref_slice %arg9[%scan3A_36, %get3A_165, %get3A_166] : memref<2x32x64xf32, #tpu.memory_space<vmem>> -> memref<1x32x64xf32, #tpu.memory_space<vmem>>
          %get3A_168 = tpu.memref_squeeze %get3A_167 : memref<1x32x64xf32, #tpu.memory_space<vmem>> -> memref<32x64xf32, #tpu.memory_space<vmem>>
          %get3A_169 = arith.index_cast %add3A_162 : i32 to index
          %get3A_170 = arith.constant 0 : index
          %get3A_171 = tpu.vector_load %get3A_168[%get3A_169, %get3A_170] {strides = array<i32>} : memref<32x64xf32, #tpu.memory_space<vmem>>, vector<16xf32>,
          %get3A_172 = arith.constant 0 : i32
          %get3A_173 = arith.constant 0 : i32
          %get3A_174 = tpu.memref_slice %arg8[%scan3A_35, %get3A_172, %get3A_173] : memref<2x32x64xf32, #tpu.memory_space<vmem>> -> memref<1x32x64xf32, #tpu.memory_space<vmem>>
          %get3A_175 = tpu.memref_squeeze %get3A_174 : memref<1x32x64xf32, #tpu.memory_space<vmem>> -> memref<32x64xf32, #tpu.memory_space<vmem>>
          %get3A_176 = arith.index_cast %add3A_162 : i32 to index
          %get3A_177 = arith.constant 0 : index
          %get3A_178 = tpu.vector_load %get3A_175[%get3A_176, %get3A_177] {strides = array<i32>} : memref<32x64xf32, #tpu.memory_space<vmem>>, vector<16xf32>,
          %mul3A_179 = arith.mulf %get3A_171, %get3A_178 : vector<16xf32>
          %add3A_180 = arith.addf %broadcast_in_dim3A_164, %mul3A_179 : vector<16xf32>
          %get3A_181 = arith.constant 0 : i32
          %get3A_182 = arith.constant 0 : i32
          %get3A_183 = tpu.memref_slice %arg9[%scan3A_36, %get3A_181, %get3A_182] : memref<2x32x64xf32, #tpu.memory_space<vmem>> -> memref<1x32x64xf32, #tpu.memory_space<vmem>>
          %get3A_184 = tpu.memref_squeeze %get3A_183 : memref<1x32x64xf32, #tpu.memory_space<vmem>> -> memref<32x64xf32, #tpu.memory_space<vmem>>
          %get3A_185 = arith.index_cast %add3A_162 : i32 to index
          %get3A_186 = arith.constant 16 : index
          %get3A_187 = tpu.vector_load %get3A_184[%get3A_185, %get3A_186] {strides = array<i32>} : memref<32x64xf32, #tpu.memory_space<vmem>>, vector<16xf32>,
          %get3A_188 = arith.constant 0 : i32
          %get3A_189 = arith.constant 0 : i32
          %get3A_190 = tpu.memref_slice %arg8[%scan3A_35, %get3A_188, %get3A_189] : memref<2x32x64xf32, #tpu.memory_space<vmem>> -> memref<1x32x64xf32, #tpu.memory_space<vmem>>
          %get3A_191 = tpu.memref_squeeze %get3A_190 : memref<1x32x64xf32, #tpu.memory_space<vmem>> -> memref<32x64xf32, #tpu.memory_space<vmem>>
          %get3A_192 = arith.index_cast %add3A_162 : i32 to index
          %get3A_193 = arith.constant 16 : index
          %get3A_194 = tpu.vector_load %get3A_191[%get3A_192, %get3A_193] {strides = array<i32>} : memref<32x64xf32, #tpu.memory_space<vmem>>, vector<16xf32>,
          %mul3A_195 = arith.mulf %get3A_187, %get3A_194 : vector<16xf32>
          %add3A_196 = arith.addf %add3A_180, %mul3A_195 : vector<16xf32>
          %get3A_197 = arith.constant 0 : i32
          %get3A_198 = arith.constant 0 : i32
          %get3A_199 = tpu.memref_slice %arg9[%scan3A_36, %get3A_197, %get3A_198] : memref<2x32x64xf32, #tpu.memory_space<vmem>> -> memref<1x32x64xf32, #tpu.memory_space<vmem>>
          %get3A_200 = tpu.memref_squeeze %get3A_199 : memref<1x32x64xf32, #tpu.memory_space<vmem>> -> memref<32x64xf32, #tpu.memory_space<vmem>>
          %get3A_201 = arith.index_cast %add3A_162 : i32 to index
          %get3A_202 = arith.constant 32 : index
          %get3A_203 = tpu.vector_load %get3A_200[%get3A_201, %get3A_202] {strides = array<i32>} : memref<32x64xf32, #tpu.memory_space<vmem>>, vector<16xf32>,
          %get3A_204 = arith.constant 0 : i32
          %get3A_205 = arith.constant 0 : i32
          %get3A_206 = tpu.memref_slice %arg8[%scan3A_35, %get3A_204, %get3A_205] : memref<2x32x64xf32, #tpu.memory_space<vmem>> -> memref<1x32x64xf32, #tpu.memory_space<vmem>>
          %get3A_207 = tpu.memref_squeeze %get3A_206 : memref<1x32x64xf32, #tpu.memory_space<vmem>> -> memref<32x64xf32, #tpu.memory_space<vmem>>
          %get3A_208 = arith.index_cast %add3A_162 : i32 to index
          %get3A_209 = arith.constant 32 : index
          %get3A_210 = tpu.vector_load %get3A_207[%get3A_208, %get3A_209] {strides = array<i32>} : memref<32x64xf32, #tpu.memory_space<vmem>>, vector<16xf32>,
          %mul3A_211 = arith.mulf %get3A_203, %get3A_210 : vector<16xf32>
          %add3A_212 = arith.addf %add3A_196, %mul3A_211 : vector<16xf32>
          %get3A_213 = arith.constant 0 : i32
          %get3A_214 = arith.constant 0 : i32
          %get3A_215 = tpu.memref_slice %arg9[%scan3A_36, %get3A_213, %get3A_214] : memref<2x32x64xf32, #tpu.memory_space<vmem>> -> memref<1x32x64xf32, #tpu.memory_space<vmem>>
          %get3A_216 = tpu.memref_squeeze %get3A_215 : memref<1x32x64xf32, #tpu.memory_space<vmem>> -> memref<32x64xf32, #tpu.memory_space<vmem>>
          %get3A_217 = arith.index_cast %add3A_162 : i32 to index
          %get3A_218 = arith.constant 48 : index
          %get3A_219 = tpu.vector_load %get3A_216[%get3A_217, %get3A_218] {strides = array<i32>} : memref<32x64xf32, #tpu.memory_space<vmem>>, vector<16xf32>,
          %get3A_220 = arith.constant 0 : i32
          %get3A_221 = arith.constant 0 : i32
          %get3A_222 = tpu.memref_slice %arg8[%scan3A_35, %get3A_220, %get3A_221] : memref<2x32x64xf32, #tpu.memory_space<vmem>> -> memref<1x32x64xf32, #tpu.memory_space<vmem>>
          %get3A_223 = tpu.memref_squeeze %get3A_222 : memref<1x32x64xf32, #tpu.memory_space<vmem>> -> memref<32x64xf32, #tpu.memory_space<vmem>>
          %get3A_224 = arith.index_cast %add3A_162 : i32 to index
          %get3A_225 = arith.constant 48 : index
          %get3A_226 = tpu.vector_load %get3A_223[%get3A_224, %get3A_225] {strides = array<i32>} : memref<32x64xf32, #tpu.memory_space<vmem>>, vector<16xf32>,
          %mul3A_227 = arith.mulf %get3A_219, %get3A_226 : vector<16xf32>
          %add3A_228 = arith.addf %add3A_212, %mul3A_227 : vector<16xf32>
          %reduce_sum3A = arith.constant true
          %reduce_sum3A_229 = vector.broadcast %reduce_sum3A : i1 to vector<16xi1>
          %reduce_sum3A_230 = tpu.scan <sum>, %add3A_228 masked %reduce_sum3A_229 : vector<16xf32>, vector<16xi1> -> vector<16xf32>
          %reduce_sum3A_231 = vector.extract %reduce_sum3A_230[15] : f32 from vector<16xf32>
          %eq3A = vector.broadcast %scan3A_158 : i32 to vector<16xi32>
          %eq3A_232 = arith.cmpi eq, %iota3A, %eq3A : vector<16xi32>
          %broadcast_in_dim3A_233 = vector.broadcast %reduce_sum3A_231 : f32 to vector<16xf32>
          %select_n3A = arith.select %eq3A_232, %broadcast_in_dim3A_233, %scan3A_159 : vector<16xi1>, vector<16xf32>
          scf.yield %select_n3A : vector<16xf32>
        }
        %scan3A_145 = arith.constant 16 : i32
        %mul3A_146 = arith.constant 16 : i32
        %mul3A_147 = arith.muli %scan3A_138, %mul3A_146 : i32
        %get3A = arith.constant 0 : i32
        %get3A_148 = tpu.memref_slice %arg10[%scan3A_37, %get3A] : memref<2x32xf32, #tpu.memory_space<vmem>> -> memref<1x32xf32, #tpu.memory_space<vmem>>
        %get3A_149 = tpu.memref_squeeze %get3A_148 : memref<1x32xf32, #tpu.memory_space<vmem>> -> memref<32xf32, #tpu.memory_space<vmem>>
        %get3A_150 = arith.index_cast %mul3A_147 : i32 to index
        %get3A_151 = tpu.vector_load %get3A_149[%get3A_150] {strides = array<i32>} : memref<32xf32, #tpu.memory_space<vmem>>, vector<16xf32>,
        %div3A = arith.divf %scan3A_144, %get3A_151 : vector<16xf32>
        %mul3A_152 = arith.constant 32 : i32
        %mul3A_153 = arith.muli %mul3A_45, %mul3A_152 : i32
        %mul3A_154 = arith.constant 16 : i32
        %mul3A_155 = arith.muli %scan3A_138, %mul3A_154 : i32
        %add3A_156 = arith.addi %mul3A_153, %mul3A_155 : i32
        %swap3A = arith.index_cast %add3A_156 : i32 to index
        %swap3A_157 = tpu.vector_load %arg11[%swap3A] {strides = array<i32>} : memref<512xf32, #tpu.memory_space<vmem>>, vector<16xf32>,
        tpu.vector_store %arg11[%swap3A], %div3A {strides = array<i32>} : memref<512xf32, #tpu.memory_space<vmem>>, vector<16xf32>,
      }
      %scan3A_102 = arith.constant 2 : i32
      %lt3A = arith.constant 7 : i32
      %lt3A_103 = arith.cmpi slt, %scan3A_43, %lt3A : i32
      %convert_element_type3A = arith.extui %lt3A_103 : i1 to i32
      %cond3A = arith.constant 0 : i32
      %cond3A_104 = arith.cmpi ne, %convert_element_type3A, %cond3A : i32
      scf.if %cond3A_104 {
        %add3A_138 = arith.constant 2 : i32
        %add3A_139 = arith.addi %mul3A_45, %add3A_138 : i32
        %mul3A_140 = arith.constant 32 : i32
        %mul3A_141 = arith.muli %add3A_139, %mul3A_140 : i32
        %add3A_142 = arith.addi %mul3A_2, %mul3A_141 : i32
        "tpu.region"() ({
          %run_scoped3A_165 = tpu.sem_alloc : memref<!tpu.dma_semaphore, #tpu.memory_space<semaphore_mem>>
          %dma_start3A_166 = arith.constant 0 : i32
          %dma_start3A_167 = tpu.memref_slice %arg7[%scan3A_34, %dma_start3A_166] : memref<2x32xi32, #tpu.memory_space<vmem>> -> memref<1x32xi32, #tpu.memory_space<vmem>>
          %dma_start3A_168 = tpu.memref_squeeze %dma_start3A_167 : memref<1x32xi32, #tpu.memory_space<vmem>> -> memref<32xi32, #tpu.memory_space<vmem>>
          %dma_start3A_169 = tpu.memref_slice %arg4[%add3A_142] : memref<16384xi32, #tpu.memory_space<hbm>> -> memref<32xi32, #tpu.memory_space<hbm>>
          %dma_start3A_170 = arith.constant 0 : i32
          %dma_start3A_171 = tpu.memref_slice %arg7[%scan3A_34, %dma_start3A_170] : memref<2x32xi32, #tpu.memory_space<vmem>> -> memref<1x32xi32, #tpu.memory_space<vmem>>
          %dma_start3A_172 = tpu.memref_squeeze %dma_start3A_171 : memref<1x32xi32, #tpu.memory_space<vmem>> -> memref<32xi32, #tpu.memory_space<vmem>>
          %dma_start3A_173 = tpu.memref_slice %arg4[%add3A_142] : memref<16384xi32, #tpu.memory_space<hbm>> -> memref<32xi32, #tpu.memory_space<hbm>>
          tpu.enqueue_dma source(%dma_start3A_173 : memref<32xi32, #tpu.memory_space<hbm>>) target(%dma_start3A_172 : memref<32xi32, #tpu.memory_space<vmem>>) target_semaphore(%run_scoped3A_165 : memref<!tpu.dma_semaphore, #tpu.memory_space<semaphore_mem>>)
          %dma_wait3A_174 = arith.constant 0 : i32
          %dma_wait3A_175 = tpu.memref_slice %arg7[%scan3A_34, %dma_wait3A_174] : memref<2x32xi32, #tpu.memory_space<vmem>> -> memref<1x32xi32, #tpu.memory_space<vmem>>
          %dma_wait3A_176 = tpu.memref_squeeze %dma_wait3A_175 : memref<1x32xi32, #tpu.memory_space<vmem>> -> memref<32xi32, #tpu.memory_space<vmem>>
          %dma_wait3A_177 = tpu.memref_slice %arg4[%add3A_142] : memref<16384xi32, #tpu.memory_space<hbm>> -> memref<32xi32, #tpu.memory_space<hbm>>
          %dma_wait3A_178 = arith.constant 0 : i32
          %dma_wait3A_179 = tpu.memref_slice %arg7[%scan3A_34, %dma_wait3A_178] : memref<2x32xi32, #tpu.memory_space<vmem>> -> memref<1x32xi32, #tpu.memory_space<vmem>>
          %dma_wait3A_180 = tpu.memref_squeeze %dma_wait3A_179 : memref<1x32xi32, #tpu.memory_space<vmem>> -> memref<32xi32, #tpu.memory_space<vmem>>
          %dma_wait3A_181 = tpu.memref_slice %arg4[%add3A_142] : memref<16384xi32, #tpu.memory_space<hbm>> -> memref<32xi32, #tpu.memory_space<hbm>>
          tpu.wait_dma2 semaphore(%run_scoped3A_165 : memref<!tpu.dma_semaphore, #tpu.memory_space<semaphore_mem>>) src(%dma_wait3A_181 : memref<32xi32, #tpu.memory_space<hbm>>) dst(%dma_wait3A_180 : memref<32xi32, #tpu.memory_space<vmem>>)
          tpu.yield
        }) : () -> ()
        "tpu.region"() ({
          %run_scoped3A_165 = tpu.sem_alloc : memref<!tpu.dma_semaphore, #tpu.memory_space<semaphore_mem>>
          %dma_start3A_166 = arith.constant 0 : i32
          %dma_start3A_167 = tpu.memref_slice %arg10[%scan3A_37, %dma_start3A_166] : memref<2x32xf32, #tpu.memory_space<vmem>> -> memref<1x32xf32, #tpu.memory_space<vmem>>
          %dma_start3A_168 = tpu.memref_squeeze %dma_start3A_167 : memref<1x32xf32, #tpu.memory_space<vmem>> -> memref<32xf32, #tpu.memory_space<vmem>>
          %dma_start3A_169 = tpu.memref_slice %arg3[%add3A_142] : memref<16384xf32, #tpu.memory_space<hbm>> -> memref<32xf32, #tpu.memory_space<hbm>>
          %dma_start3A_170 = arith.constant 0 : i32
          %dma_start3A_171 = tpu.memref_slice %arg10[%scan3A_37, %dma_start3A_170] : memref<2x32xf32, #tpu.memory_space<vmem>> -> memref<1x32xf32, #tpu.memory_space<vmem>>
          %dma_start3A_172 = tpu.memref_squeeze %dma_start3A_171 : memref<1x32xf32, #tpu.memory_space<vmem>> -> memref<32xf32, #tpu.memory_space<vmem>>
          %dma_start3A_173 = tpu.memref_slice %arg3[%add3A_142] : memref<16384xf32, #tpu.memory_space<hbm>> -> memref<32xf32, #tpu.memory_space<hbm>>
          tpu.enqueue_dma source(%dma_start3A_173 : memref<32xf32, #tpu.memory_space<hbm>>) target(%dma_start3A_172 : memref<32xf32, #tpu.memory_space<vmem>>) target_semaphore(%run_scoped3A_165 : memref<!tpu.dma_semaphore, #tpu.memory_space<semaphore_mem>>)
          %dma_wait3A_174 = arith.constant 0 : i32
          %dma_wait3A_175 = tpu.memref_slice %arg10[%scan3A_37, %dma_wait3A_174] : memref<2x32xf32, #tpu.memory_space<vmem>> -> memref<1x32xf32, #tpu.memory_space<vmem>>
          %dma_wait3A_176 = tpu.memref_squeeze %dma_wait3A_175 : memref<1x32xf32, #tpu.memory_space<vmem>> -> memref<32xf32, #tpu.memory_space<vmem>>
          %dma_wait3A_177 = tpu.memref_slice %arg3[%add3A_142] : memref<16384xf32, #tpu.memory_space<hbm>> -> memref<32xf32, #tpu.memory_space<hbm>>
          %dma_wait3A_178 = arith.constant 0 : i32
          %dma_wait3A_179 = tpu.memref_slice %arg10[%scan3A_37, %dma_wait3A_178] : memref<2x32xf32, #tpu.memory_space<vmem>> -> memref<1x32xf32, #tpu.memory_space<vmem>>
          %dma_wait3A_180 = tpu.memref_squeeze %dma_wait3A_179 : memref<1x32xf32, #tpu.memory_space<vmem>> -> memref<32xf32, #tpu.memory_space<vmem>>
          %dma_wait3A_181 = tpu.memref_slice %arg3[%add3A_142] : memref<16384xf32, #tpu.memory_space<hbm>> -> memref<32xf32, #tpu.memory_space<hbm>>
          tpu.wait_dma2 semaphore(%run_scoped3A_165 : memref<!tpu.dma_semaphore, #tpu.memory_space<semaphore_mem>>) src(%dma_wait3A_181 : memref<32xf32, #tpu.memory_space<hbm>>) dst(%dma_wait3A_180 : memref<32xf32, #tpu.memory_space<vmem>>)
          tpu.yield
        }) : () -> ()
        %dma_start3A_143 = arith.constant 0 : i32
        %dma_start3A_144 = arith.constant 0 : i32
        %dma_start3A_145 = tpu.memref_slice %arg8[%scan3A_35, %dma_start3A_143, %dma_start3A_144] : memref<2x32x64xf32, #tpu.memory_space<vmem>> -> memref<1x32x64xf32, #tpu.memory_space<vmem>>
        %dma_start3A_146 = tpu.memref_squeeze %dma_start3A_145 : memref<1x32x64xf32, #tpu.memory_space<vmem>> -> memref<32x64xf32, #tpu.memory_space<vmem>>
        %dma_start3A_147 = arith.constant 0 : i32
        %dma_start3A_148 = tpu.memref_slice %arg7[%scan3A_34, %dma_start3A_147] : memref<2x32xi32, #tpu.memory_space<vmem>> -> memref<1x32xi32, #tpu.memory_space<vmem>>
        %dma_start3A_149 = tpu.memref_squeeze %dma_start3A_148 : memref<1x32xi32, #tpu.memory_space<vmem>> -> memref<32xi32, #tpu.memory_space<vmem>>
        %dma_start3A_150 = arith.constant 0 : i32
        %dma_start3A_151 = arith.constant 0 : i32
        %dma_start3A_152 = tpu.memref_slice %arg5[%dma_start3A_150, %dma_start3A_151] : memref<100000x64xf32, #tpu.memory_space<hbm>> -> memref<100000x64xf32, #tpu.memory_space<hbm>>
        tpu.enqueue_indirect_dma source(%dma_start3A_152 : memref<100000x64xf32, #tpu.memory_space<hbm>>) target(%dma_start3A_146 : memref<32x64xf32, #tpu.memory_space<vmem>>) offsets(%dma_start3A_149 : memref<32xi32, #tpu.memory_space<vmem>>) semaphore(%arg12 : memref<!tpu.dma_semaphore, #tpu.memory_space<semaphore_mem>>)
        %dma_start3A_153 = arith.constant 0 : i32
        %dma_start3A_154 = arith.constant 0 : i32
        %dma_start3A_155 = tpu.memref_slice %arg9[%scan3A_36, %dma_start3A_153, %dma_start3A_154] : memref<2x32x64xf32, #tpu.memory_space<vmem>> -> memref<1x32x64xf32, #tpu.memory_space<vmem>>
        %dma_start3A_156 = tpu.memref_squeeze %dma_start3A_155 : memref<1x32x64xf32, #tpu.memory_space<vmem>> -> memref<32x64xf32, #tpu.memory_space<vmem>>
        %dma_start3A_157 = arith.constant 0 : i32
        %dma_start3A_158 = tpu.memref_slice %arg2[%add3A_142, %dma_start3A_157] : memref<16384x64xf32, #tpu.memory_space<hbm>> -> memref<32x64xf32, #tpu.memory_space<hbm>>
        %dma_start3A_159 = arith.constant 0 : i32
        %dma_start3A_160 = arith.constant 0 : i32
        %dma_start3A_161 = tpu.memref_slice %arg9[%scan3A_36, %dma_start3A_159, %dma_start3A_160] : memref<2x32x64xf32, #tpu.memory_space<vmem>> -> memref<1x32x64xf32, #tpu.memory_space<vmem>>
        %dma_start3A_162 = tpu.memref_squeeze %dma_start3A_161 : memref<1x32x64xf32, #tpu.memory_space<vmem>> -> memref<32x64xf32, #tpu.memory_space<vmem>>
        %dma_start3A_163 = arith.constant 0 : i32
        %dma_start3A_164 = tpu.memref_slice %arg2[%add3A_142, %dma_start3A_163] : memref<16384x64xf32, #tpu.memory_space<hbm>> -> memref<32x64xf32, #tpu.memory_space<hbm>>
        tpu.enqueue_dma source(%dma_start3A_164 : memref<32x64xf32, #tpu.memory_space<hbm>>) target(%dma_start3A_162 : memref<32x64xf32, #tpu.memory_space<vmem>>) target_semaphore(%arg14 : memref<!tpu.dma_semaphore, #tpu.memory_space<semaphore_mem>>)
      } else {
      }
      %add3A_105 = arith.constant 1 : i32
      %add3A_106 = arith.addi %mul3A_45, %add3A_105 : i32
      %dma_wait3A_107 = arith.constant 0 : i32
      %dma_wait3A_108 = arith.constant 0 : i32
      %dma_wait3A_109 = tpu.memref_slice %arg8[%scan3A_32, %dma_wait3A_107, %dma_wait3A_108] : memref<2x32x64xf32, #tpu.memory_space<vmem>> -> memref<1x32x64xf32, #tpu.memory_space<vmem>>
      %dma_wait3A_110 = tpu.memref_squeeze %dma_wait3A_109 : memref<1x32x64xf32, #tpu.memory_space<vmem>> -> memref<32x64xf32, #tpu.memory_space<vmem>>
      %dma_wait3A_111 = arith.constant 0 : i32
      %dma_wait3A_112 = tpu.memref_slice %arg7[%scan3A_30, %dma_wait3A_111] : memref<2x32xi32, #tpu.memory_space<vmem>> -> memref<1x32xi32, #tpu.memory_space<vmem>>
      %dma_wait3A_113 = tpu.memref_squeeze %dma_wait3A_112 : memref<1x32xi32, #tpu.memory_space<vmem>> -> memref<32xi32, #tpu.memory_space<vmem>>
      %dma_wait3A_114 = arith.constant 0 : i32
      %dma_wait3A_115 = arith.constant 0 : i32
      %dma_wait3A_116 = tpu.memref_slice %arg5[%dma_wait3A_114, %dma_wait3A_115] : memref<100000x64xf32, #tpu.memory_space<hbm>> -> memref<100000x64xf32, #tpu.memory_space<hbm>>
      tpu.wait_indirect_dma semaphore(%arg13 : memref<!tpu.dma_semaphore, #tpu.memory_space<semaphore_mem>>) src(%dma_wait3A_116 : memref<100000x64xf32, #tpu.memory_space<hbm>>) dst(%dma_wait3A_110 : memref<32x64xf32, #tpu.memory_space<vmem>>)
      %mul3A_117 = arith.constant 32 : i32
      %mul3A_118 = arith.muli %add3A_106, %mul3A_117 : i32
      %add3A_119 = arith.addi %mul3A_2, %mul3A_118 : i32
      %dma_wait3A_120 = arith.constant 0 : i32
      %dma_wait3A_121 = arith.constant 0 : i32
      %dma_wait3A_122 = tpu.memref_slice %arg9[%scan3A_33, %dma_wait3A_120, %dma_wait3A_121] : memref<2x32x64xf32, #tpu.memory_space<vmem>> -> memref<1x32x64xf32, #tpu.memory_space<vmem>>
      %dma_wait3A_123 = tpu.memref_squeeze %dma_wait3A_122 : memref<1x32x64xf32, #tpu.memory_space<vmem>> -> memref<32x64xf32, #tpu.memory_space<vmem>>
      %dma_wait3A_124 = arith.constant 0 : i32
      %dma_wait3A_125 = tpu.memref_slice %arg2[%add3A_119, %dma_wait3A_124] : memref<16384x64xf32, #tpu.memory_space<hbm>> -> memref<32x64xf32, #tpu.memory_space<hbm>>
      %dma_wait3A_126 = arith.constant 0 : i32
      %dma_wait3A_127 = arith.constant 0 : i32
      %dma_wait3A_128 = tpu.memref_slice %arg9[%scan3A_33, %dma_wait3A_126, %dma_wait3A_127] : memref<2x32x64xf32, #tpu.memory_space<vmem>> -> memref<1x32x64xf32, #tpu.memory_space<vmem>>
      %dma_wait3A_129 = tpu.memref_squeeze %dma_wait3A_128 : memref<1x32x64xf32, #tpu.memory_space<vmem>> -> memref<32x64xf32, #tpu.memory_space<vmem>>
      %dma_wait3A_130 = arith.constant 0 : i32
      %dma_wait3A_131 = tpu.memref_slice %arg2[%add3A_119, %dma_wait3A_130] : memref<16384x64xf32, #tpu.memory_space<hbm>> -> memref<32x64xf32, #tpu.memory_space<hbm>>
      tpu.wait_dma2 semaphore(%arg15 : memref<!tpu.dma_semaphore, #tpu.memory_space<semaphore_mem>>) src(%dma_wait3A_131 : memref<32x64xf32, #tpu.memory_space<hbm>>) dst(%dma_wait3A_129 : memref<32x64xf32, #tpu.memory_space<vmem>>)
      %scan3A_132 = arith.constant 0 : i32
      %scan3A_133 = arith.constant 0 : i32
      %scan3A_134 = arith.constant 2 : i32
      %scan3A_135 = arith.addi %scan3A_133, %scan3A_134 : i32
      %scan3A_136 = arith.constant 1 : i32
      scf.for %scan3A_138 = %scan3A_133 to %scan3A_135 step %scan3A_136  : i32 {
        %broadcast_in_dim3A = arith.constant 0.000000e+00 : f32
        %broadcast_in_dim3A_139 = vector.broadcast %broadcast_in_dim3A : f32 to vector<16xf32>
        %scan3A_140 = arith.constant 0 : i32
        %scan3A_141 = arith.constant 16 : i32
        %scan3A_142 = arith.addi %scan3A_140, %scan3A_141 : i32
        %scan3A_143 = arith.constant 1 : i32
        %scan3A_144 = scf.for %scan3A_158 = %scan3A_140 to %scan3A_142 step %scan3A_143 iter_args(%scan3A_159 = %broadcast_in_dim3A_139) -> (vector<16xf32>)  : i32 {
          %mul3A_160 = arith.constant 16 : i32
          %mul3A_161 = arith.muli %scan3A_138, %mul3A_160 : i32
          %add3A_162 = arith.addi %mul3A_161, %scan3A_158 : i32
          %broadcast_in_dim3A_163 = arith.constant 0.000000e+00 : f32
          %broadcast_in_dim3A_164 = vector.broadcast %broadcast_in_dim3A_163 : f32 to vector<16xf32>
          %get3A_165 = arith.constant 0 : i32
          %get3A_166 = arith.constant 0 : i32
          %get3A_167 = tpu.memref_slice %arg9[%scan3A_33, %get3A_165, %get3A_166] : memref<2x32x64xf32, #tpu.memory_space<vmem>> -> memref<1x32x64xf32, #tpu.memory_space<vmem>>
          %get3A_168 = tpu.memref_squeeze %get3A_167 : memref<1x32x64xf32, #tpu.memory_space<vmem>> -> memref<32x64xf32, #tpu.memory_space<vmem>>
          %get3A_169 = arith.index_cast %add3A_162 : i32 to index
          %get3A_170 = arith.constant 0 : index
          %get3A_171 = tpu.vector_load %get3A_168[%get3A_169, %get3A_170] {strides = array<i32>} : memref<32x64xf32, #tpu.memory_space<vmem>>, vector<16xf32>,
          %get3A_172 = arith.constant 0 : i32
          %get3A_173 = arith.constant 0 : i32
          %get3A_174 = tpu.memref_slice %arg8[%scan3A_32, %get3A_172, %get3A_173] : memref<2x32x64xf32, #tpu.memory_space<vmem>> -> memref<1x32x64xf32, #tpu.memory_space<vmem>>
          %get3A_175 = tpu.memref_squeeze %get3A_174 : memref<1x32x64xf32, #tpu.memory_space<vmem>> -> memref<32x64xf32, #tpu.memory_space<vmem>>
          %get3A_176 = arith.index_cast %add3A_162 : i32 to index
          %get3A_177 = arith.constant 0 : index
          %get3A_178 = tpu.vector_load %get3A_175[%get3A_176, %get3A_177] {strides = array<i32>} : memref<32x64xf32, #tpu.memory_space<vmem>>, vector<16xf32>,
          %mul3A_179 = arith.mulf %get3A_171, %get3A_178 : vector<16xf32>
          %add3A_180 = arith.addf %broadcast_in_dim3A_164, %mul3A_179 : vector<16xf32>
          %get3A_181 = arith.constant 0 : i32
          %get3A_182 = arith.constant 0 : i32
          %get3A_183 = tpu.memref_slice %arg9[%scan3A_33, %get3A_181, %get3A_182] : memref<2x32x64xf32, #tpu.memory_space<vmem>> -> memref<1x32x64xf32, #tpu.memory_space<vmem>>
          %get3A_184 = tpu.memref_squeeze %get3A_183 : memref<1x32x64xf32, #tpu.memory_space<vmem>> -> memref<32x64xf32, #tpu.memory_space<vmem>>
          %get3A_185 = arith.index_cast %add3A_162 : i32 to index
          %get3A_186 = arith.constant 16 : index
          %get3A_187 = tpu.vector_load %get3A_184[%get3A_185, %get3A_186] {strides = array<i32>} : memref<32x64xf32, #tpu.memory_space<vmem>>, vector<16xf32>,
          %get3A_188 = arith.constant 0 : i32
          %get3A_189 = arith.constant 0 : i32
          %get3A_190 = tpu.memref_slice %arg8[%scan3A_32, %get3A_188, %get3A_189] : memref<2x32x64xf32, #tpu.memory_space<vmem>> -> memref<1x32x64xf32, #tpu.memory_space<vmem>>
          %get3A_191 = tpu.memref_squeeze %get3A_190 : memref<1x32x64xf32, #tpu.memory_space<vmem>> -> memref<32x64xf32, #tpu.memory_space<vmem>>
          %get3A_192 = arith.index_cast %add3A_162 : i32 to index
          %get3A_193 = arith.constant 16 : index
          %get3A_194 = tpu.vector_load %get3A_191[%get3A_192, %get3A_193] {strides = array<i32>} : memref<32x64xf32, #tpu.memory_space<vmem>>, vector<16xf32>,
          %mul3A_195 = arith.mulf %get3A_187, %get3A_194 : vector<16xf32>
          %add3A_196 = arith.addf %add3A_180, %mul3A_195 : vector<16xf32>
          %get3A_197 = arith.constant 0 : i32
          %get3A_198 = arith.constant 0 : i32
          %get3A_199 = tpu.memref_slice %arg9[%scan3A_33, %get3A_197, %get3A_198] : memref<2x32x64xf32, #tpu.memory_space<vmem>> -> memref<1x32x64xf32, #tpu.memory_space<vmem>>
          %get3A_200 = tpu.memref_squeeze %get3A_199 : memref<1x32x64xf32, #tpu.memory_space<vmem>> -> memref<32x64xf32, #tpu.memory_space<vmem>>
          %get3A_201 = arith.index_cast %add3A_162 : i32 to index
          %get3A_202 = arith.constant 32 : index
          %get3A_203 = tpu.vector_load %get3A_200[%get3A_201, %get3A_202] {strides = array<i32>} : memref<32x64xf32, #tpu.memory_space<vmem>>, vector<16xf32>,
          %get3A_204 = arith.constant 0 : i32
          %get3A_205 = arith.constant 0 : i32
          %get3A_206 = tpu.memref_slice %arg8[%scan3A_32, %get3A_204, %get3A_205] : memref<2x32x64xf32, #tpu.memory_space<vmem>> -> memref<1x32x64xf32, #tpu.memory_space<vmem>>
          %get3A_207 = tpu.memref_squeeze %get3A_206 : memref<1x32x64xf32, #tpu.memory_space<vmem>> -> memref<32x64xf32, #tpu.memory_space<vmem>>
          %get3A_208 = arith.index_cast %add3A_162 : i32 to index
          %get3A_209 = arith.constant 32 : index
          %get3A_210 = tpu.vector_load %get3A_207[%get3A_208, %get3A_209] {strides = array<i32>} : memref<32x64xf32, #tpu.memory_space<vmem>>, vector<16xf32>,
          %mul3A_211 = arith.mulf %get3A_203, %get3A_210 : vector<16xf32>
          %add3A_212 = arith.addf %add3A_196, %mul3A_211 : vector<16xf32>
          %get3A_213 = arith.constant 0 : i32
          %get3A_214 = arith.constant 0 : i32
          %get3A_215 = tpu.memref_slice %arg9[%scan3A_33, %get3A_213, %get3A_214] : memref<2x32x64xf32, #tpu.memory_space<vmem>> -> memref<1x32x64xf32, #tpu.memory_space<vmem>>
          %get3A_216 = tpu.memref_squeeze %get3A_215 : memref<1x32x64xf32, #tpu.memory_space<vmem>> -> memref<32x64xf32, #tpu.memory_space<vmem>>
          %get3A_217 = arith.index_cast %add3A_162 : i32 to index
          %get3A_218 = arith.constant 48 : index
          %get3A_219 = tpu.vector_load %get3A_216[%get3A_217, %get3A_218] {strides = array<i32>} : memref<32x64xf32, #tpu.memory_space<vmem>>, vector<16xf32>,
          %get3A_220 = arith.constant 0 : i32
          %get3A_221 = arith.constant 0 : i32
          %get3A_222 = tpu.memref_slice %arg8[%scan3A_32, %get3A_220, %get3A_221] : memref<2x32x64xf32, #tpu.memory_space<vmem>> -> memref<1x32x64xf32, #tpu.memory_space<vmem>>
          %get3A_223 = tpu.memref_squeeze %get3A_222 : memref<1x32x64xf32, #tpu.memory_space<vmem>> -> memref<32x64xf32, #tpu.memory_space<vmem>>
          %get3A_224 = arith.index_cast %add3A_162 : i32 to index
          %get3A_225 = arith.constant 48 : index
          %get3A_226 = tpu.vector_load %get3A_223[%get3A_224, %get3A_225] {strides = array<i32>} : memref<32x64xf32, #tpu.memory_space<vmem>>, vector<16xf32>,
          %mul3A_227 = arith.mulf %get3A_219, %get3A_226 : vector<16xf32>
          %add3A_228 = arith.addf %add3A_212, %mul3A_227 : vector<16xf32>
          %reduce_sum3A = arith.constant true
          %reduce_sum3A_229 = vector.broadcast %reduce_sum3A : i1 to vector<16xi1>
          %reduce_sum3A_230 = tpu.scan <sum>, %add3A_228 masked %reduce_sum3A_229 : vector<16xf32>, vector<16xi1> -> vector<16xf32>
          %reduce_sum3A_231 = vector.extract %reduce_sum3A_230[15] : f32 from vector<16xf32>
          %eq3A = vector.broadcast %scan3A_158 : i32 to vector<16xi32>
          %eq3A_232 = arith.cmpi eq, %iota3A, %eq3A : vector<16xi32>
          %broadcast_in_dim3A_233 = vector.broadcast %reduce_sum3A_231 : f32 to vector<16xf32>
          %select_n3A = arith.select %eq3A_232, %broadcast_in_dim3A_233, %scan3A_159 : vector<16xi1>, vector<16xf32>
          scf.yield %select_n3A : vector<16xf32>
        }
        %scan3A_145 = arith.constant 16 : i32
        %mul3A_146 = arith.constant 16 : i32
        %mul3A_147 = arith.muli %scan3A_138, %mul3A_146 : i32
        %get3A = arith.constant 0 : i32
        %get3A_148 = tpu.memref_slice %arg10[%scan3A_31, %get3A] : memref<2x32xf32, #tpu.memory_space<vmem>> -> memref<1x32xf32, #tpu.memory_space<vmem>>
        %get3A_149 = tpu.memref_squeeze %get3A_148 : memref<1x32xf32, #tpu.memory_space<vmem>> -> memref<32xf32, #tpu.memory_space<vmem>>
        %get3A_150 = arith.index_cast %mul3A_147 : i32 to index
        %get3A_151 = tpu.vector_load %get3A_149[%get3A_150] {strides = array<i32>} : memref<32xf32, #tpu.memory_space<vmem>>, vector<16xf32>,
        %div3A = arith.divf %scan3A_144, %get3A_151 : vector<16xf32>
        %mul3A_152 = arith.constant 32 : i32
        %mul3A_153 = arith.muli %add3A_106, %mul3A_152 : i32
        %mul3A_154 = arith.constant 16 : i32
        %mul3A_155 = arith.muli %scan3A_138, %mul3A_154 : i32
        %add3A_156 = arith.addi %mul3A_153, %mul3A_155 : i32
        %swap3A = arith.index_cast %add3A_156 : i32 to index
        %swap3A_157 = tpu.vector_load %arg11[%swap3A] {strides = array<i32>} : memref<512xf32, #tpu.memory_space<vmem>>, vector<16xf32>,
        tpu.vector_store %arg11[%swap3A], %div3A {strides = array<i32>} : memref<512xf32, #tpu.memory_space<vmem>>, vector<16xf32>,
      }
      %scan3A_137 = arith.constant 2 : i32
    }
    %scan3A_42 = arith.constant 8 : i32
    "tpu.region"() ({
      %run_scoped3A_43 = tpu.sem_alloc : memref<!tpu.dma_semaphore, #tpu.memory_space<semaphore_mem>>
      %dma_start3A_44 = tpu.memref_slice %arg6[%mul3A_2] : memref<16384xf32, #tpu.memory_space<hbm>> -> memref<512xf32, #tpu.memory_space<hbm>>
      %dma_start3A_45 = tpu.memref_slice %arg6[%mul3A_2] : memref<16384xf32, #tpu.memory_space<hbm>> -> memref<512xf32, #tpu.memory_space<hbm>>
      tpu.enqueue_dma source(%arg11 : memref<512xf32, #tpu.memory_space<vmem>>) target(%dma_start3A_45 : memref<512xf32, #tpu.memory_space<hbm>>) target_semaphore(%run_scoped3A_43 : memref<!tpu.dma_semaphore, #tpu.memory_space<semaphore_mem>>)
      %dma_wait3A = tpu.memref_slice %arg6[%mul3A_2] : memref<16384xf32, #tpu.memory_space<hbm>> -> memref<512xf32, #tpu.memory_space<hbm>>
      %dma_wait3A_46 = tpu.memref_slice %arg6[%mul3A_2] : memref<16384xf32, #tpu.memory_space<hbm>> -> memref<512xf32, #tpu.memory_space<hbm>>
      tpu.wait_dma2 semaphore(%run_scoped3A_43 : memref<!tpu.dma_semaphore, #tpu.memory_space<semaphore_mem>>) src(%arg11 : memref<512xf32, #tpu.memory_space<vmem>>) dst(%dma_wait3A_46 : memref<512xf32, #tpu.memory_space<hbm>>)
      tpu.yield
    }) : () -> ()
    return
  }
}

module attributes {stable_mosaic.version = 14 : i64} {
  func.func @body(%arg0: memref<128x128xf32, #tpu.memory_space<vmem>>, %arg1: memref<128x128xf32, #tpu.memory_space<vmem>>, %arg2: memref<1x1xf32, #tpu.memory_space<smem>>) attributes {dimension_semantics = [], scalar_prefetch = 0 : i64, scratch_operands = 0 : i64, tpu.core_type = #tpu.core_type<tc>} {
    %get3A = arith.constant 0 : index
    %get3A_0 = arith.constant 0 : index
    %get3A_1 = vector.load %arg0[%get3A, %get3A_0] : memref<128x128xf32, #tpu.memory_space<vmem>>, vector<128x128xf32>
    %get3A_2 = arith.constant 0 : index
    %get3A_3 = arith.constant 0 : index
    %get3A_4 = vector.load %arg1[%get3A_2, %get3A_3] : memref<128x128xf32, #tpu.memory_space<vmem>>, vector<128x128xf32>
    %logistic3A = arith.negf %get3A_1 : vector<128x128xf32>
    %logistic3A_5 = math.exp %logistic3A : vector<128x128xf32>
    %logistic3A_6 = arith.constant 1.000000e+00 : f32
    %logistic3A_7 = vector.broadcast %logistic3A_6 : f32 to vector<128x128xf32>
    %logistic3A_8 = arith.addf %logistic3A_7, %logistic3A_5 : vector<128x128xf32>
    %logistic3A_9 = arith.divf %logistic3A_7, %logistic3A_8 : vector<128x128xf32>
    %add3A = arith.constant 9.99999993E-9 : f32
    %add3A_10 = vector.broadcast %add3A : f32 to vector<128x128xf32>
    %add3A_11 = arith.addf %logistic3A_9, %add3A_10 : vector<128x128xf32>
    %log3A = math.log %add3A_11 : vector<128x128xf32>
    %mul3A = arith.mulf %get3A_4, %log3A : vector<128x128xf32>
    %sub3A = arith.constant 1.000000e+00 : f32
    %sub3A_12 = vector.broadcast %sub3A : f32 to vector<128x128xf32>
    %sub3A_13 = arith.subf %sub3A_12, %get3A_4 : vector<128x128xf32>
    %sub3A_14 = arith.constant 1.000000e+00 : f32
    %sub3A_15 = vector.broadcast %sub3A_14 : f32 to vector<128x128xf32>
    %sub3A_16 = arith.subf %sub3A_15, %logistic3A_9 : vector<128x128xf32>
    %add3A_17 = arith.constant 9.99999993E-9 : f32
    %add3A_18 = vector.broadcast %add3A_17 : f32 to vector<128x128xf32>
    %add3A_19 = arith.addf %sub3A_16, %add3A_18 : vector<128x128xf32>
    %log3A_20 = math.log %add3A_19 : vector<128x128xf32>
    %mul3A_21 = arith.mulf %sub3A_13, %log3A_20 : vector<128x128xf32>
    %add3A_22 = arith.addf %mul3A, %mul3A_21 : vector<128x128xf32>
    %neg3A = arith.constant 0.000000e+00 : f32
    %neg3A_23 = vector.broadcast %neg3A : f32 to vector<128x128xf32>
    %neg3A_24 = arith.subf %neg3A_23, %add3A_22 : vector<128x128xf32>
    %reduce_sum3A = vector.shape_cast %neg3A_24 : vector<128x128xf32> to vector<1x128x128xf32>
    %reduce_sum3A_25 = arith.constant dense<0.000000e+00> : vector<1xf32>
    %reduce_sum3A_26 = vector.multi_reduction <add>, %reduce_sum3A, %reduce_sum3A_25 [1, 2] : vector<1x128x128xf32> to vector<1xf32>
    %reduce_sum3A_27 = vector.shape_cast %reduce_sum3A_26 : vector<1xf32> to vector<1x1x1xf32>
    %reduce_sum3A_28 = vector.extract %reduce_sum3A_27[0, 0, 0] : f32 from vector<1x1x1xf32>
    %div3A = arith.constant 1.638400e+04 : f32
    %div3A_29 = arith.divf %reduce_sum3A_28, %div3A : f32
    %swap3A = arith.constant 0 : index
    %swap3A_30 = arith.constant 0 : index
    %swap3A_31 = memref.load %arg2[%swap3A, %swap3A_30] : memref<1x1xf32, #tpu.memory_space<smem>>
    memref.store %div3A_29, %arg2[%swap3A, %swap3A_30] : memref<1x1xf32, #tpu.memory_space<smem>>
    return
  }
}

</mosaic_0001>

<sc_bundles>
// kernel: kernel.5.cloned.1.call-start
scs
__scs_entry_jumppad:
0x0: {  	(pc) =	sbr.rel $0x88, $3  }
0x1: {  	(tag) =	ssettag $0x0;
	lr =	simm.s32 $0x1  }
0x2: {  	[smem:$0x3F9C] =	sst lr;
	_ =	strace $0xD0000000  }
0x3: {  	_ = 	snop  }
0x4: {  	_ = 	snop  }
0x5: {  	_ = 	snop  }
0x6: {  	_ = 	snop  }
0x7: {  	_ = 	snop  }
__scs_overlays_trampoline_lowered:
0x8: {  	[smem:$0x3FAB] =	sst s0  }
0x9: {  	[smem:$0x3FAC] =	sst s1  }
0xa: {  	[smem:$0x3FAD] =	sst s2  }
0xb: {  	[smem:$0x3FAE] =	sst s3  }
0xc: {  	[smem:$0x3FAF] =	sst s4  }
0xd: {  	[smem:$0x3FB0] =	sst s5  }
0xe: {  	[smem:$0x3FB1] =	sst s6  }
0xf: {  	[smem:$0x3FB2] =	sst s7  }
0x10: {  	[smem:$0x3FB3] =	sst s8  }
0x11: {  	[smem:$0x3FB4] =	sst s9;
	s0 =	simm.s32 @!p0 $0x0  }
0x12: {  	s1 =	sld [smem:$0x3F9A];
	s0 =	simm.s32 @p0 $0x1  }
0x13: {  	[smem:$0x3FB5] =	sst s0;
	s0 =	simm.s32 @!p1 $0x0  }
0x14: {  	s2 =	sld [smem:$0x3F99];
	s0 =	simm.s32 @p1 $0x1  }
0x15: {  	[smem:$0x3FB6] =	sst s0;
	s0 =	simm.s32 @!p2 $0x0  }
0x16: {  	s3 =	sld [smem:$0x3FDB];
	s0 =	simm.s32 @p2 $0x1  }
0x17: {  	s4 =	simm.s32 $0x1BF5;
	[smem:$0x3FB8] =	sst s0  }
0x18: {  	s0 =	sld [smem:$0x3F9B];
	_ =	swait.ge [sflag:s4], $0x0  }
0x19: {  	s7 =	sld [smem:$0x3F9C]  }
0x1a: {  	s8 =	sadd.s32 $0xFFFFE003, lr  }
0x1b: {  	s9 =	sadd.s32 $0xFFFFFEF7, lr;
	s5 =	simm.s32 $0xFFFFFFFF;
	p2 =	slt.u32 s8, $0xFFFFF086  }
0x1c: {  	p1 =	slt.u32 s9, $0xF7A;
	s5 =	simm.s32 @!p2 $0x0  }
0x1d: {  	s5 =	simm.s32 @p1 $0x1;
	p0 =	seq.s32 s7, s2  }
0x1e: {  	s7 =	smul.u32 @!p0 $0xF7A, s2;
	p2 =	seq.s32 @!p0 s5, $0x0  }
0x1f: {  	s9 =	smul.u32 $0xF7A, s1;
	s8 =	simm.s32 @!p0 $0x1BF5;
	p2 =	por !p2, p0  }
0x20: {  	[sflag:s8] =	ssyncset.s32 @!p0 $0xFFFFF086;
	s6 =	sadd.s32 @!p0 s3, s7;
	s7 =	simm.s32 @!p0 $0x108  }
0x21: {  	s3 =	sadd.s32 s3, s9;
	s6 =	sadd.s32 @!p0 $0x88, s6;
	s7 =	simm.s32 @p2 $0x1082  }
0x22: {  	[simem:s7], [sflag:s8] =	dma.local @!p0 [hbm:s6], $0xF7A  }
0x23: {  	s9 =	sor.u32 $0xD0000000, s2;
	s6 =	simm.s32 $0x108;
	_ =	swait.ge @!p0 [sflag:s8], $0x0  }
0x24: {  	s3 =	sadd.s32 $0x88, s3;
	s6 =	simm.s32 @!p1 $0x1082;
	[sflag:s4] =	ssyncset.s32 $0xFFFFF086  }
0x25: {  	[simem:s6], [sflag:s4] =	dma.local [hbm:s3], $0xF7A  }
0x26: {  	[smem:$0x3F9C] =	sst s1;
	(tag) =	ssettag s2;
	_ =	strace s9  }
0x27: {  	s1 =	sld [smem:$0x3FAC]  }
0x28: {  	s2 =	sld [smem:$0x3FAD]  }
0x29: {  	s4 =	sld [smem:$0x3FAF]  }
0x2a: {  	p0 =	seq.s32 s5, $0x0;
	s5 =	sld [smem:$0x3FB0]  }
0x2b: {  	s6 =	sld [smem:$0x3FB1]  }
0x2c: {  	s7 =	sld [smem:$0x3FB2]  }
0x2d: {  	s3 =	simm.s32 $0x108;
	s8 =	sld [smem:$0x3FB3]  }
0x2e: {  	s3 =	simm.s32 @!p0 $0x1082;
	s9 =	sld [smem:$0x3FB4]  }
0x2f: {  	lr =	sadd.s32 s0, s3;
	s0 =	sld [smem:$0x3FAB]  }
0x30: {  	s3 =	sld [smem:$0x3FAE]  }
0x31: {  	[smem:$0x3FB7] =	sst s10  }
0x32: {  	s10 =	sld [smem:$0x3FB5];
	_ =	sdelay $0x3  }
0x33: {  	p0 =	seq.s32 s10, $0x1;
	s10 =	sld [smem:$0x3FB7];
	_ =	sdelay $0x3  }
0x34: {  	[smem:$0x3FB7] =	sst s10  }
0x35: {  	s10 =	sld [smem:$0x3FB6];
	_ =	sdelay $0x3  }
0x36: {  	p1 =	seq.s32 s10, $0x1;
	s10 =	sld [smem:$0x3FB7];
	_ =	sdelay $0x3  }
0x37: {  	[smem:$0x3FB7] =	sst s10  }
0x38: {  	s10 =	sld [smem:$0x3FB8]  }
0x39: {  	_ = 	snop;
	(pc) =	sbr.ind lr, $3  }
0x3a: {  	_ = 	snop  }
0x3b: {  	_ = 	snop  }
0x3c: {  	p2 =	seq.s32 s10, $0x1;
	s10 =	sld [smem:$0x3FB7]  }
0x3d: {  	_ =	shalt  }
0x3e: {  	_ =	shalt  }
0x3f: {  	_ =	shalt  }
0x40: {  	_ =	shalt  }
0x41: {  	_ =	shalt  }
0x42: {  	_ =	shalt  }
0x43: {  	_ =	shalt  }
0x44: {  	_ =	shalt  }
0x45: {  	_ =	shalt  }
0x46: {  	_ =	shalt  }
0x47: {  	_ =	shalt  }
0x48: {  	_ =	shalt  }
0x49: {  	_ =	shalt  }
0x4a: {  	_ =	shalt  }
0x4b: {  	_ =	shalt  }
0x4c: {  	_ =	shalt  }
0x4d: {  	_ =	shalt  }
0x4e: {  	_ =	shalt  }
0x4f: {  	_ =	shalt  }
0x50: {  	_ =	shalt  }
0x51: {  	_ =	shalt  }
0x52: {  	_ =	shalt  }
0x53: {  	_ =	shalt  }
0x54: {  	_ =	shalt  }
0x55: {  	_ =	shalt  }
0x56: {  	_ =	shalt  }
0x57: {  	_ =	shalt  }
0x58: {  	_ =	shalt  }
0x59: {  	_ =	shalt  }
0x5a: {  	_ =	shalt  }
0x5b: {  	_ =	shalt  }
0x5c: {  	_ =	shalt  }
0x5d: {  	_ =	shalt  }
0x5e: {  	_ =	shalt  }
0x5f: {  	_ =	shalt  }
0x60: {  	_ =	shalt  }
0x61: {  	_ =	shalt  }
0x62: {  	_ =	shalt  }
0x63: {  	_ =	shalt  }
0x64: {  	_ =	shalt  }
0x65: {  	_ =	shalt  }
0x66: {  	_ =	shalt  }
0x67: {  	_ =	shalt  }
0x68: {  	_ =	shalt  }
0x69: {  	_ =	shalt  }
0x6a: {  	_ =	shalt  }
0x6b: {  	_ =	shalt  }
0x6c: {  	_ =	shalt  }
0x6d: {  	_ =	shalt  }
0x6e: {  	_ =	shalt  }
0x6f: {  	_ =	shalt  }
0x70: {  	_ =	shalt  }
0x71: {  	_ =	shalt  }
0x72: {  	_ =	shalt  }
0x73: {  	_ =	shalt  }
0x74: {  	_ =	shalt  }
0x75: {  	_ =	shalt  }
0x76: {  	_ =	shalt  }
0x77: {  	_ =	shalt  }
0x78: {  	_ =	shalt  }
0x79: {  	_ =	shalt  }
0x7a: {  	_ =	shalt  }
0x7b: {  	_ =	shalt  }
0x7c: {  	_ =	shalt  }
0x7d: {  	_ =	shalt  }
0x7e: {  	_ =	shalt  }
0x7f: {  	_ =	shalt  }
0x80: {  	_ =	shalt  }
0x81: {  	_ =	shalt  }
0x82: {  	_ =	shalt  }
0x83: {  	_ =	shalt  }
0x84: {  	_ =	shalt  }
0x85: {  	_ =	shalt  }
0x86: {  	_ =	shalt  }
0x87: {  	_ =	shalt  }
.Lfunc_end0:
.L_simem_size_0:
called_computation_lowered:
.L_overlay_start_0:
0x88: {  	s2 =	sld [smem:$0x3FD9]  }
0x89: {  	s3 =	sld [smem:$0x3FFE];
	_ =	sdelay $0x1  }
0x8a: {  	s1 =	srdreg.scid  }
0x8b: {  	s0 =	sand.u32 $0x1, s1  }
0x8c: {  	s16 =	sshll.u32 s0, $0xA;
	s2 =	sadd.s32 s3, s2  }
0x8d: {  	s2 =	sadd.s32 s2, s16  }
0x8e: {  	[smem:$0x3FC3] =	sst s2  }
0x8f: {  	_ = 	snop  }
0x90: {  	(tm) =	ssettm $0x1  }
0x91: {  	s17 =	sld [smem:$0x3FFB];
	_ =	sdelay $0x3  }
0x92: {  	_ =	strace s17  }
0x93: {  	s2 =	sld [smem:$0x3FFC];
	_ =	sdelay $0x3  }
0x94: {  	_ =	strace s2  }
0x95: {  	s2 =	sld [smem:$0x3FFD];
	_ =	sdelay $0x3  }
0x96: {  	_ =	strace s2  }
0x97: {  	_ =	strace $0x8FFFFFFF  }
0x98: {  	s18 =	sld [smem:$0x3FDB];
	_ =	sdelay $0x1  }
0x99: {  	s19 =	simm.s32 $_scs_section_size  }
0x9a: {  	s4 =	simm.s32 $_size__tile_overlayer_lowered;
	s5 =	simm.s32 $_tile_overlayer_lowered  }
0x9b: {  	s22 =	simm.s32 $0x1BFF;
	s21 =	sshll.u32 s5, $0x1;
	s2 =	sadd.s32 s19, s18  }
0x9c: {  	s6 =	simm.s32 $0x0;
	s20 =	sshll.u32 s4, $0x1;
	s4 =	sadd.s32 s21, s2  }
0x9d: {  	[timem:s6], [sflag:s22] =	dma.local [hbm:s4], s20  }
0x9e: {  	_ =	swait.ge [sflag:s22], s20  }
0x9f: {  	s3 =	ssub.s32 $0x0, s20;
	[sflag:s22] =	ssyncset.done $0x0  }
0xa0: {  	[sflag:s22] =	ssyncadd.s32 s3;
	_ =	sdelay $0x1  }
0xa1: {  	s23 =	simm.s32 $0x1B8B  }
0xa2: {  	_ =	swait.ge [sflag:s23], $0x1  }
0xa3: {  	[sflag:s23] =	ssyncset.done $0x0  }
0xa4: {  	s25 =	simm.s32 $0x1B8E;
	s24 =	sld [smem:$0x3FFE];
	[sflag:s23] =	ssyncadd.s32 $0xFFFFFFFF  }
0xa5: {  	s26 =	simm.s32 $execute0_lowered;
	[smem:$0x3FD2] =	sst s25  }
0xa6: {  	s4 =	sshll.u32 s26, $0x1;
	_ =	strace $0x80000046;
	[dreg:$0x1] =	wrdreg $0xFFFFFFFF  }
0xa7: {  	s28 =	simm.s32 $_size_execute0_lowered;
	s2 =	sadd.s32 s2, s4;
	[dreg:$0x0] =	wrdreg $0x0  }
0xa8: {  	s4 =	sshll.u32 s28, $0x1;
	[dreg:$0x2] =	wrdreg s2  }
0xa9: {  	[dreg:$0x3] =	wrdreg s4  }
0xaa: {  	[dreg:$0x4] =	wrdreg $0xC0  }
0xab: {  	_ =	task [dreg:s6], $0x5FFFF  }
0xac: {  	[dreg:$0x1] =	wrdreg $0xFFFFFFFF  }
0xad: {  	[dreg:$0x0] =	wrdreg $0x60  }
0xae: {  	[dreg:$0x2] =	wrdreg s24  }
0xaf: {  	[dreg:$0x3] =	wrdreg $0x9  }
0xb0: {  	_ =	task.clear_ibuf [dreg:s6], $0x4FFFF;
	_ =	strace $0x90000046  }
0xb1: {  	s29 =	simm.s32 $0x9;
	_ =	strace $0x80000048  }
0xb2: {  	_ =	swait.ge [sflag:s29], $0x1  }
0xb3: {  	[sflag:s29] =	ssyncadd.s32 $0xFFFFFFFF  }
0xb4: {  	_ =	strace $0x90000048  }
0xb5: {  	_ =	sfence  }
0xb6: {  	s30 =	sld [smem:$0x0];
	_ =	sdelay $0x2  }
0xb7: {  	s31 =	sshll.u32 s1, $0xD;
	s1 =	sshrl.u32 s1, $0x2  }
0xb8: {  	s3 =	sand.u32 $0x4000, s31;
	s1 =	sadd.s32 s1, s30  }
0xb9: {  	s0 =	sor.u32 s3, s0;
	s1 =	sshll.u32 s1, $0x11  }
0xba: {  	s0 =	sor.u32 s1, s0  }
0xbb: {  	s0 =	sadd.s32 $0x8F2B, s0  }
0xbc: {  	[sflag:s0] =	ssyncadd.remote.s32 $0x1  }
0xbd: {  	_ =	sfence.sel $0xFFFF  }
0xbe: {  	[dreg:$0x0] =	wrdreg $0xFFFFFFFF;
	(pc) =	sbr.abs _section_cstart, $3  }
0xbf: {  	[dreg:$0x1] =	wrdreg $0xFFFFFFFF  }
0xc0: {  	_ =	task.clear_ibuf [dreg:s6], $0x2FFFF;
	_ =	strace $0x9FFFFFFF  }
0xc1: {  	(tm) =	ssettm $0x7FFFFFFF  }
tec
execute0_lowered:
.L_overlay_start_1:
0x0: {  	(tag) =	ssettag $0x1  }
0x1: {  	s0 =	rddreg [dreg:$0x0];
	s2 =	simm.s32 $0x0;
	s4 =	srdreg.scid  }
0x2: {  	s1 =	stileid.u32;
	s12 =	simm.s32 $0x3;
	s13 =	simm.s32 $0x280  }
0x3: {  	s14 =	simm.s32 $0x500;
	s15 =	simm.s32 $0xA500;
	s16 =	simm.s32 $0x1  }
0x4: {  	s17 =	simm.s32 $0x14540;
	s18 =	simm.s32 $0x2;
	s19 =	simm.s32 $0x14D40  }
0x5: {  	s20 =	simm.s32 $0x0;
	[smem:$0x7FF] =	sst s2;
	s3 =	sadd.s32 $0x2C00, s0  }
0x6: {  	s6 =	sand.u32 $0x1, s4;
	s7 =	sshll.u32 s1, $0x1;
	s4 =	sadd.s32 $0x193600, s0  }
0x7: {  	s5 =	sadd.s32 $0xCC00, s0;
	_ =	strace $0x80000047;
	s7 =	sor.u32 s6, s7  }
0x8: {  	s9 =	ssub.s32 $0x2, s6;
	s8 =	sshll.u32 s7, $0x6;
	s10 =	smul.u32 $0x500, s7  }
0x9: {  	s31 =	sshrl.u32 s9, $0x1;
	s6 =	sshll.u32 s7, $0x9;
	s0 =	sadd.s32 s8, s0  }
0xa: {  	s11 =	ssub.s32 s9, s31;
	s8 =	sor.u32 $0x40, s6;
	s7 =	sadd.s32 s3, s10  }
0xb: {  	v0 =	vimm.s32 $0x0;
	vm0 =	vcmask $0x3F30;
	v1 =	vlaneseq.u32;
	s9 =	sadd.s32 $0x2CC00, s0;
	s10 =	smax.u32 s11, $0x1;
	s11 =	simm.s32 $0x14500  }
.LBB2_1:
0xc: {  	[tilespmem:s11], [sflag:$0x3] =	stream.linear.gather [hbm4b:s4+s2], $0x40, $0x38;
	[tilespmem:$0x14F40] =	vst v63  }
0xd: {  	_ =	swait.ge [sflag:s12], $0x40  }
0xe: {  	[sflag:s12] =	ssyncset.done $0x0  }
0xf: {  	[sflag:s12] =	ssyncadd.s32 $0xFFFFFFC0  }
0x10: {  	v2 =	vld [tilespmem:$0x14500]  }
0x11: {  	v3 =	vld [tilespmem:$0x14510]  }
0x12: {  	v4 =	vld [tilespmem:$0x14520]  }
0x13: {  	v5 =	vld [tilespmem:$0x14530];
	[tilespmem:s2], [sflag:$0x3] =	stream.linear.gather [hbm4b:s7+s2], $0x280, $0x38  }
0x14: {  	_ =	swait.ge [sflag:s12], $0x280  }
0x15: {  	[sflag:s12] =	ssyncset.done $0x0  }
0x16: {  	s21 =	simm.s32 $0x0;
	[sflag:s12] =	ssyncadd.s32 $0xFFFFFD80  }
0x17: {  	[tilespmem:s14], [sflag:$0x1] =	stream.indirect.gather [hbm4b:s4+s13], $0x40, s2, s13, $0xb8;
	[tilespmem:$0x14F40] =	vst v63  }
.LBB2_2:
0x18: {  	s24 =	sshll.u32 s21, $0x6  }
0x19: {  	s23 =	sor.u32 $0x20, s24  }
0x1a: {  	s22 =	sor.u32 s6, s23  }
0x1b: {  	s0 =	smul.u32 $0x14, s22;
	_ =	sdelay $0x1  }
0x1c: {  	s0 =	sshrl.u32 s0, $0x3  }
0x1d: {  	s25 =	simm.s32 $0x0;
	s0 =	sadd.s32 s3, s0  }
0x1e: {  	[tilespmem:s13], [sflag:$0x3] =	stream.linear.gather [hbm4b:s0+s25], $0x280, $0x38;
	[tilespmem:$0x14F40] =	vst v63  }
0x1f: {  	_ =	swait.ge [sflag:s12], $0x280  }
0x20: {  	[sflag:s12] =	ssyncset.done $0x0  }
0x21: {  	[sflag:s12] =	ssyncadd.s32 $0xFFFFFD80  }
0x22: {  	[tilespmem:s15], [sflag:$0x2] =	stream.indirect.gather [hbm4b:s4+s13], $0x40, s13, s13, $0xb8;
	[tilespmem:$0x14F40] =	vst v63  }
0x23: {  	_ =	swait.ge [sflag:s16], $0xA000  }
0x24: {  	s31 =	sadd.s32 $0x14D40, s24;
	[sflag:s16] =	ssyncset.done $0x0  }
0x25: {  	p1 =	por $0x1, $0x1;
	s26 =	simm.s32 $0x0;
	v6 =	vmov s31;
	[sflag:s16] =	ssyncadd.s32 $0xFFFF6000  }
.LBB2_3:
0x26: {  	s0 =	smul.u32 $0x14000, s26;
	_ =	sdelay $0x1  }
0x27: {  	s0 =	sshra.s32 s0, $0x2  }
0x28: {  	s28 =	sor.u32 $0x780, s0  }
0x29: {  	v8 =	vld [tilespmem:s28+$0x1C0]  }
0x2a: {  	v7 =	vld [tilespmem:s28+$0x1F0]  }
0x2b: {  	v10 =	vld [tilespmem:s28+$0x180]  }
0x2c: {  	v9 =	vld [tilespmem:s28+$0x1B0]  }
0x2d: {  	v12 =	vld [tilespmem:s28+$0x140]  }
0x2e: {  	v11 =	vld [tilespmem:s28+$0x170]  }
0x2f: {  	v15 =	vld [tilespmem:s28+$0x100]  }
0x30: {  	v13 =	vld [tilespmem:s28+$0x130]  }
0x31: {  	v17 =	vld [tilespmem:s28+$0xC0]  }
0x32: {  	v18 =	vld [tilespmem:s28+$0xF0]  }
0x33: {  	v19 =	vld [tilespmem:s28+$0x80]  }
0x34: {  	v20 =	vld [tilespmem:s28+$0xB0]  }
0x35: {  	v21 =	vld [tilespmem:s28+$0x40]  }
0x36: {  	v22 =	vld [tilespmem:s28+$0x70]  }
0x37: {  	v23 =	vld [tilespmem:s28+$0x0]  }
0x38: {  	v24 =	vld [tilespmem:s28+$0xFFFFFFC0]  }
0x39: {  	v25 =	vld [tilespmem:s28+$0xFFFFFFF0]  }
0x3a: {  	v26 =	vld [tilespmem:s28+$0xFFFFFF80]  }
0x3b: {  	v27 =	vld [tilespmem:s28+$0xFFFFFFB0]  }
0x3c: {  	v28 =	vld [tilespmem:s28+$0xFFFFFF40]  }
0x3d: {  	v29 =	vld [tilespmem:s28+$0xFFFFFF70]  }
0x3e: {  	v30 =	vld [tilespmem:s28+$0xFFFFFF00]  }
0x3f: {  	v31 =	vld [tilespmem:s28+$0xFFFFFF30]  }
0x40: {  	v32 =	vld [tilespmem:s28+$0xFFFFFEC0]  }
0x41: {  	v33 =	vld [tilespmem:s28+$0xFFFFFEF0]  }
0x42: {  	v34 =	vld [tilespmem:s28+$0xFFFFFE80]  }
0x43: {  	v35 =	vld [tilespmem:s28+$0xFFFFFEB0]  }
0x44: {  	v36 =	vld [tilespmem:s28+$0xFFFFFE40]  }
0x45: {  	v37 =	vld [tilespmem:s28+$0xFFFFFE70]  }
0x46: {  	v38 =	vld [tilespmem:s28+$0xFFFFFE00]  }
0x47: {  	v39 =	vld [tilespmem:s28+$0xFFFFFE30]  }
0x48: {  	v40 =	vld [tilespmem:s28+$0xFFFFFDC0]  }
0x49: {  	v41 =	vld [tilespmem:s28+$0xFFFFFDF0]  }
0x4a: {  	v42 =	vld [tilespmem:s28+$0xFFFFFD80]  }
0x4b: {  	v45 =	vld [tilespmem:s28+$0xFFFFFDB0]  }
0x4c: {  	v16 =	vld [tilespmem:s28+$0x230]  }
0x4d: {  	v46 =	vld [tilespmem:s28+$0x200]  }
0x4e: {  	v14 =	vld [tilespmem:s28+$0x270]  }
0x4f: {  	v47 =	vld [tilespmem:s28+$0x240]  }
0x50: {  	s1 =	smul.u32 $0x500, s26;
	v49 =	vld [tilespmem:s28+$0xFFFFFDA0]  }
0x51: {  	v50 =	vld [tilespmem:s28+$0xFFFFFD90]  }
0x52: {  	s0 =	sshra.s32 s1, $0x2;
	v62 =	vld [tilespmem:s28+$0xFFFFFDE0]  }
0x53: {  	s29 =	sor.u32 $0x4, s0;
	v63 =	vld [tilespmem:s28+$0xFFFFFE20]  }
0x54: {  	v43 =	vld [tilespmem:s29+$0xFFFFFFFC]  }
0x55: {  	v44 =	vld [tilespmem:s29+$0x0];
	v42 =	vadd.f32 $0.0e+00, v42  }
0x56: {  	v51 =	vld [tilespmem:s28+$0xFFFFFDD0];
	v45 =	vadd.f32 $0.0e+00, v45;
	v52 =	vadd.f32 $0.0e+00, v49  }
0x57: {  	v55 =	vld [tilespmem:s28+$0xFFFFFE60];
	v40 =	vadd.f32 v40, v42  }
0x58: {  	v53 =	vld [tilespmem:s28+$0xFFFFFE10];
	v41 =	vadd.f32 v41, v45;
	v56 =	vadd.f32 v62, v52  }
0x59: {  	v59 =	vld [tilespmem:s28+$0xFFFFFEA0];
	v54 =	vadd.f32 $0.0e+00, v50;
	vm1 =	veq.s32 v43, $0x0;
	v38 =	vadd.f32 v38, v40  }
0x5a: {  	v57 =	vld [tilespmem:s28+$0xFFFFFE50];
	vm2 =	veq.s32 v44, $0x0;
	v39 =	vadd.f32 v39, v41;
	v40 =	vadd.f32 v63, v56  }
0x5b: {  	v61 =	vld [tilespmem:s28+$0xFFFFFEE0];
	v58 =	vadd.f32 v51, v54;
	v43 =	vsel vm1, $0x1, v0;
	v36 =	vadd.f32 v36, v38  }
0x5c: {  	v60 =	vld [tilespmem:s28+$0xFFFFFE90];
	vm1 =	vmand vm2, vm0;
	v37 =	vadd.f32 v37, v39;
	v40 =	vadd.f32 v55, v40  }
0x5d: {  	v49 =	vld [tilespmem:s28+$0xFFFFFF20];
	v62 =	vsel vm1, $0x1, v0;
	v34 =	vadd.f32 v34, v36;
	v36 =	vadd.f32 v53, v58  }
0x5e: {  	v63 =	vld [tilespmem:s28+$0xFFFFFED0];
	v39 =	vadd.s32 v43, v62;
	v35 =	vadd.f32 v35, v37;
	v50 =	vadd.f32 v59, v40  }
0x5f: {  	v52 =	vld [tilespmem:s28+$0xFFFFFF60];
	(xrf0) =	vadd.scan.msk.s32 $0xffff, v39;
	v32 =	vadd.f32 v32, v34;
	v36 =	vadd.f32 v57, v36  }
0x60: {  	v51 =	vld [tilespmem:s28+$0xFFFFFF10];
	v33 =	vadd.f32 v33, v35;
	v34 =	vadd.f32 v61, v50  }
0x61: {  	v48 =	vld [tilespmem:s28+$0x30];
	v30 =	vadd.f32 v30, v32;
	v53 =	vadd.f32 v60, v36  }
0x62: {  	v54 =	vld [tilespmem:s28+$0xFFFFFF50];
	v31 =	vadd.f32 v31, v33;
	v32 =	vadd.f32 v49, v34  }
0x63: {  	v55 =	vld [tilespmem:s28+$0xFFFFFFA0];
	v28 =	vadd.f32 v28, v30;
	v56 =	vadd.f32 v63, v53  }
0x64: {  	v57 =	vld [tilespmem:s28+$0xFFFFFF90];
	v29 =	vadd.f32 v29, v31;
	v30 =	vadd.f32 v52, v32  }
0x65: {  	v58 =	vld [tilespmem:s28+$0xFFFFFFE0];
	v59, _, _ =	vpop (xrf0);
	v26 =	vadd.f32 v26, v28;
	v33 =	vadd.f32 v51, v56  }
0x66: {  	v60 =	vld [tilespmem:s28+$0xFFFFFFD0];
	(v2sf) =	vpush v59, $0xF;
	v27 =	vadd.f32 v27, v29  }
0x67: {  	v61 =	vld [tilespmem:s28+$0x20];
	v24 =	vadd.f32 v24, v26;
	v62 =	vadd.f32 v54, v33  }
0x68: {  	v63 =	vld [tilespmem:s28+$0x10];
	v28 =	vadd.f32 v55, v30;
	v33 =	vadd.f32 v25, v27  }
0x69: {  	v35 =	vld [tilespmem:s28+$0x60];
	v23 =	vadd.f32 v23, v24;
	v31 =	vadd.f32 v57, v62  }
0x6a: {  	v36 =	vld [tilespmem:s28+$0x50];
	v26 =	vadd.f32 v58, v28;
	v37 =	vadd.f32 v48, v33  }
0x6b: {  	v38 =	vld [tilespmem:s28+$0xA0];
	v21 =	vadd.f32 v21, v23;
	v31 =	vadd.f32 v60, v31  }
0x6c: {  	v39 =	vld [tilespmem:s28+$0x90];
	v26 =	vadd.f32 v61, v26;
	v40 =	vadd.f32 v22, v37  }
0x6d: {  	v41 =	vld [tilespmem:s28+$0xE0];
	v19 =	vadd.f32 v19, v21;
	v42 =	vadd.f32 v63, v31  }
0x6e: {  	v43 =	vld [tilespmem:s28+$0xD0];
	v25 =	vadd.f32 v35, v26;
	v44 =	vadd.f32 v20, v40  }
0x6f: {  	v45 =	vld [tilespmem:s28+$0x120];
	v17 =	vadd.f32 v17, v19;
	v23 =	vadd.f32 v36, v42  }
0x70: {  	v48 =	vld [tilespmem:s28+$0x110];
	v24 =	vadd.f32 v38, v25;
	v49 =	vadd.f32 v18, v44  }
0x71: {  	v50 =	vld [tilespmem:s28+$0x160];
	v15 =	vadd.f32 v15, v17;
	v51 =	vadd.f32 v39, v23  }
0x72: {  	v52 =	vld [tilespmem:s28+$0x150];
	v22 =	vadd.f32 v41, v24;
	v13 =	vadd.f32 v13, v49  }
0x73: {  	v53 =	vld [tilespmem:s28+$0x1A0];
	v12 =	vadd.f32 v12, v15;
	v54 =	vadd.f32 v43, v51  }
0x74: {  	v55 =	vld [tilespmem:s28+$0x190];
	v20 =	vadd.f32 v45, v22;
	v11 =	vadd.f32 v11, v13  }
0x75: {  	v56 =	vld [tilespmem:s28+$0x1E0];
	v10 =	vadd.f32 v10, v12;
	v57 =	vadd.f32 v48, v54  }
0x76: {  	v58 =	vld [tilespmem:s28+$0x1D0];
	v18 =	vadd.f32 v50, v20;
	v9 =	vadd.f32 v9, v11  }
0x77: {  	v8 =	vadd.f32 v8, v10;
	v10 =	vld [tilespmem:s28+$0x220];
	v11 =	vadd.f32 v52, v57  }
0x78: {  	v59 =	vld [tilespmem:s28+$0x210];
	s1 =	spop (v2sf);
	v15 =	vadd.f32 v53, v18;
	v7 =	vadd.f32 v7, v9  }
0x79: {  	s0 =	scvt.s32.f32 s1;
	v9 =	vld [tilespmem:s28+$0x260];
	v8 =	vadd.f32 v46, v8;
	v11 =	vadd.f32 v55, v11  }
0x7a: {  	v61 =	vld [tilespmem:s28+$0x250];
	v12 =	vadd.f32 v56, v15;
	v7 =	vadd.f32 v16, v7  }
0x7b: {  	v60 =	vmul.f32 s0, v2;
	v8 =	vadd.f32 v47, v8;
	v11 =	vadd.f32 v58, v11  }
0x7c: {  	s30 =	sshll.u32 s26, $0xA;
	v7 =	vadd.f32 v14, v7;
	v10 =	vadd.f32 v10, v12  }
0x7d: {  	s30 =	sand.u32 $0x3FFFFC00, s30;
	v62 =	vmul.f32 s0, v5;
	v8 =	vsub.f32 v8, v60;
	v11 =	vadd.f32 v59, v11  }
0x7e: {  	s30 =	sadd.s32 $0x14560, s30;
	v9 =	vadd.f32 v9, v10;
	v10 =	vmul.f32 s0, v4  }
0x7f: {  	v7 =	vsub.f32 v7, v62;
	[tilespmem:s30+$0xFFFFFFE0] =	vst v8;
	v8 =	vadd.f32 v61, v11;
	v11 =	vmul.f32 s0, v3  }
0x80: {  	v63 =	vmov s25;
	s1 =	ssub.f32 $2.000000000e+01, s0;
	v9 =	vsub.f32 v9, v10  }
0x81: {  	vm1 =	veq.s32 v63, v1;
	[tilespmem:s30+$0x10] =	vst v7;
	v10 =	vimm.f32 $0.0e+00;
	v8 =	vsub.f32 v8, v11  }
0x82: {  	p0 =	por p1, p1;
	s31 =	simm.s32 $0x1;
	v7 =	vsel vm1, s1, v10;
	[tilespmem:s30+$0x0] =	vst v9  }
.LBB2_4:
0x83: {  	[tilespmem:s30+$0xFFFFFFF0] =	vst v8;
	s30 =	sadd.s32 $0x40, s30;
	s28 =	sadd.s32 $0x500, s28;
	s29 =	sadd.s32 $0x14, s29  }
0x84: {  	p1 =	sne.s32 s31, $0xF;
	s0 =	smov.u32 s31;
	s31 =	sadd.s32 $0x1, s31;
	v9 =	vld [tilespmem:s28+$0x1C0]  }
0x85: {  	v8 =	vld [tilespmem:s28+$0x1F0]  }
0x86: {  	v11 =	vld [tilespmem:s28+$0x180]  }
0x87: {  	v10 =	vld [tilespmem:s28+$0x1B0]  }
0x88: {  	v13 =	vld [tilespmem:s28+$0x140]  }
0x89: {  	v12 =	vld [tilespmem:s28+$0x170]  }
0x8a: {  	v15 =	vld [tilespmem:s28+$0x100]  }
0x8b: {  	v14 =	vld [tilespmem:s28+$0x130]  }
0x8c: {  	v18 =	vld [tilespmem:s28+$0xC0]  }
0x8d: {  	v16 =	vld [tilespmem:s28+$0xF0]  }
0x8e: {  	v21 =	vld [tilespmem:s28+$0x80]  }
0x8f: {  	v19 =	vld [tilespmem:s28+$0xB0]  }
0x90: {  	v25 =	vld [tilespmem:s28+$0x40]  }
0x91: {  	v22 =	vld [tilespmem:s28+$0x70]  }
0x92: {  	v27 =	vld [tilespmem:s28+$0x0]  }
0x93: {  	v28 =	vld [tilespmem:s28+$0xFFFFFFC0]  }
0x94: {  	v26 =	vld [tilespmem:s28+$0xFFFFFFF0]  }
0x95: {  	v29 =	vld [tilespmem:s28+$0xFFFFFF80]  }
0x96: {  	v30 =	vld [tilespmem:s28+$0xFFFFFFB0]  }
0x97: {  	v31 =	vld [tilespmem:s28+$0xFFFFFF40]  }
0x98: {  	v32 =	vld [tilespmem:s28+$0xFFFFFF70]  }
0x99: {  	v33 =	vld [tilespmem:s28+$0xFFFFFF00]  }
0x9a: {  	v34 =	vld [tilespmem:s28+$0xFFFFFF30]  }
0x9b: {  	v35 =	vld [tilespmem:s28+$0xFFFFFEC0]  }
0x9c: {  	v36 =	vld [tilespmem:s28+$0xFFFFFEF0]  }
0x9d: {  	v37 =	vld [tilespmem:s28+$0xFFFFFE80]  }
0x9e: {  	v38 =	vld [tilespmem:s28+$0xFFFFFEB0]  }
0x9f: {  	v39 =	vld [tilespmem:s28+$0xFFFFFE40]  }
0xa0: {  	v40 =	vld [tilespmem:s28+$0xFFFFFE70]  }
0xa1: {  	v41 =	vld [tilespmem:s28+$0xFFFFFE00]  }
0xa2: {  	v42 =	vld [tilespmem:s28+$0xFFFFFE30]  }
0xa3: {  	v23 =	vld [tilespmem:s28+$0xFFFFFDC0]  }
0xa4: {  	v43 =	vld [tilespmem:s28+$0xFFFFFDF0]  }
0xa5: {  	v17 =	vld [tilespmem:s28+$0xFFFFFD80]  }
0xa6: {  	v44 =	vld [tilespmem:s29+$0xFFFFFFFC]  }
0xa7: {  	v45 =	vld [tilespmem:s29+$0x0]  }
0xa8: {  	v46 =	vld [tilespmem:s28+$0xFFFFFDB0]  }
0xa9: {  	v20 =	vld [tilespmem:s28+$0x230]  }
0xaa: {  	v47 =	vadd.f32 $0.0e+00, v17;
	v24 =	vld [tilespmem:s28+$0x200]  }
0xab: {  	v17 =	vld [tilespmem:s28+$0x270];
	vm1 =	veq.s32 v44, $0x0  }
0xac: {  	v44 =	vadd.f32 v23, v47;
	v23 =	vld [tilespmem:s28+$0x240];
	vm2 =	veq.s32 v45, $0x0  }
0xad: {  	v47 =	vsel vm1, $0x1, v0;
	v45 =	vadd.f32 $0.0e+00, v46;
	v46 =	vld [tilespmem:s28+$0x30];
	vm1 =	vmand vm2, vm0  }
0xae: {  	v41 =	vadd.f32 v41, v44;
	v44 =	vld [tilespmem:s28+$0xFFFFFE50];
	v48 =	vsel vm1, $0x1, v0  }
0xaf: {  	v49 =	vld [tilespmem:s28+$0xFFFFFDA0];
	v43 =	vadd.f32 v43, v45;
	v45 =	vadd.s32 v47, v48  }
0xb0: {  	v47 =	vld [tilespmem:s28+$0xFFFFFD90];
	v39 =	vadd.f32 v39, v41  }
0xb1: {  	v41 =	vld [tilespmem:s28+$0xFFFFFDE0];
	v42 =	vadd.f32 v42, v43  }
0xb2: {  	v43 =	vld [tilespmem:s28+$0xFFFFFDD0];
	v37 =	vadd.f32 v37, v39  }
0xb3: {  	v39 =	vld [tilespmem:s28+$0xFFFFFE20];
	v40 =	vadd.f32 v40, v42  }
0xb4: {  	v42 =	vadd.f32 $0.0e+00, v49;
	v48 =	vld [tilespmem:s28+$0xFFFFFE10]  }
0xb5: {  	v35 =	vadd.f32 v35, v37;
	v47 =	vadd.f32 $0.0e+00, v47;
	v49 =	vld [tilespmem:s28+$0xFFFFFE60]  }
0xb6: {  	v38 =	vadd.f32 v38, v40;
	v37 =	vadd.f32 v41, v42;
	v40 =	vld [tilespmem:s28+$0x50]  }
0xb7: {  	v33 =	vadd.f32 v33, v35;
	v41 =	vadd.f32 v43, v47;
	v42 =	vld [tilespmem:s28+$0xFFFFFEA0];
	(xrf0) =	vadd.scan.msk.s32 $0xffff, v45  }
0xb8: {  	v36 =	vadd.f32 v36, v38;
	v35 =	vadd.f32 v39, v37;
	v37 =	vld [tilespmem:s28+$0xFFFFFE90]  }
0xb9: {  	v31 =	vadd.f32 v31, v33;
	v38 =	vadd.f32 v48, v41;
	v39 =	vld [tilespmem:s28+$0xFFFFFEE0]  }
0xba: {  	v34 =	vadd.f32 v34, v36;
	v36 =	vmov s0;
	v33 =	vadd.f32 v49, v35;
	v35 =	vld [tilespmem:s28+$0xFFFFFED0]  }
0xbb: {  	v43 =	vadd.f32 v29, v31;
	vm1 =	veq.s32 v36, v1;
	v38 =	vadd.f32 v44, v38;
	v41 =	vld [tilespmem:s28+$0xFFFFFF20]  }
0xbc: {  	v32 =	vadd.f32 v32, v34;
	v31 =	vadd.f32 v42, v33;
	v33 =	vld [tilespmem:s28+$0xFFFFFF10]  }
0xbd: {  	v28 =	vadd.f32 v28, v43;
	v34 =	vadd.f32 v37, v38;
	v36 =	vld [tilespmem:s28+$0xFFFFFF60];
	v29, _, _ =	vpop (xrf0)  }
0xbe: {  	v31 =	vadd.f32 v39, v31;
	v37 =	vld [tilespmem:s28+$0xFFFFFF50];
	(v2sf) =	vpush v29, $0xF  }
0xbf: {  	v30 =	vadd.f32 v30, v32;
	v29 =	vadd.f32 v35, v34;
	v34 =	vld [tilespmem:s28+$0xFFFFFFA0]  }
0xc0: {  	v27 =	vadd.f32 v27, v28;
	v31 =	vadd.f32 v41, v31;
	v32 =	vld [tilespmem:s28+$0xFFFFFF90]  }
0xc1: {  	v26 =	vadd.f32 v26, v30;
	v28 =	vadd.f32 v33, v29;
	v29 =	vld [tilespmem:s28+$0xFFFFFFE0]  }
0xc2: {  	v25 =	vadd.f32 v25, v27;
	v30 =	vadd.f32 v36, v31;
	v31 =	vld [tilespmem:s28+$0xFFFFFFD0]  }
0xc3: {  	v26 =	vadd.f32 v46, v26;
	v27 =	vadd.f32 v37, v28;
	v28 =	vld [tilespmem:s28+$0x20]  }
0xc4: {  	v21 =	vadd.f32 v21, v25;
	v30 =	vadd.f32 v34, v30;
	v33 =	vld [tilespmem:s28+$0x10]  }
0xc5: {  	v22 =	vadd.f32 v22, v26;
	v25 =	vadd.f32 v32, v27;
	v27 =	vld [tilespmem:s28+$0x60]  }
0xc6: {  	v18 =	vadd.f32 v18, v21;
	v26 =	vadd.f32 v29, v30;
	v29 =	vld [tilespmem:s28+$0x90]  }
0xc7: {  	v19 =	vadd.f32 v19, v22;
	v21 =	vadd.f32 v31, v25;
	v25 =	vld [tilespmem:s28+$0xA0]  }
0xc8: {  	v15 =	vadd.f32 v15, v18;
	v22 =	vadd.f32 v28, v26;
	v18 =	vld [tilespmem:s28+$0x110]  }
0xc9: {  	v16 =	vadd.f32 v16, v19;
	v21 =	vadd.f32 v33, v21;
	v26 =	vld [tilespmem:s28+$0xE0]  }
0xca: {  	v13 =	vadd.f32 v13, v15;
	v19 =	vadd.f32 v27, v22;
	v22 =	vld [tilespmem:s28+$0xD0]  }
0xcb: {  	v14 =	vadd.f32 v14, v16;
	v15 =	vadd.f32 v40, v21;
	v21 =	vld [tilespmem:s28+$0x120]  }
0xcc: {  	v11 =	vadd.f32 v11, v13;
	v16 =	vadd.f32 v25, v19;
	v19 =	vld [tilespmem:s28+$0x160]  }
0xcd: {  	v12 =	vadd.f32 v12, v14;
	v13 =	vadd.f32 v29, v15;
	v15 =	vld [tilespmem:s28+$0x150];
	s0 =	spop (v2sf)  }
0xce: {  	v9 =	vadd.f32 v9, v11;
	v14 =	vadd.f32 v26, v16;
	v16 =	vld [tilespmem:s28+$0x1A0];
	s0 =	scvt.s32.f32 s0  }
0xcf: {  	v10 =	vadd.f32 v10, v12;
	v11 =	vadd.f32 v22, v13;
	v13 =	vld [tilespmem:s28+$0x190]  }
0xd0: {  	v9 =	vadd.f32 v24, v9;
	v12 =	vadd.f32 v21, v14;
	v14 =	vld [tilespmem:s28+$0x1E0];
	s1 =	ssub.f32 $2.000000000e+01, s0  }
0xd1: {  	v8 =	vadd.f32 v8, v10;
	v11 =	vadd.f32 v18, v11;
	v18 =	vld [tilespmem:s28+$0x1D0]  }
0xd2: {  	v9 =	vadd.f32 v23, v9;
	v10 =	vadd.f32 v19, v12;
	v12 =	vld [tilespmem:s28+$0x220];
	v19 =	vmul.f32 s0, v2  }
0xd3: {  	v8 =	vadd.f32 v20, v8;
	v20 =	vmul.f32 s0, v5;
	v11 =	vadd.f32 v15, v11;
	v15 =	vld [tilespmem:s28+$0x210]  }
0xd4: {  	v7 =	vsel vm1, s1, v7;
	v10 =	vadd.f32 v16, v10;
	v16 =	vld [tilespmem:s28+$0x260];
	v9 =	vsub.f32 v9, v19  }
0xd5: {  	v8 =	vadd.f32 v17, v8;
	v11 =	vadd.f32 v13, v11;
	v13 =	vld [tilespmem:s28+$0x250]  }
0xd6: {  	v10 =	vadd.f32 v14, v10;
	[tilespmem:s30+$0xFFFFFFE0] =	vst v9  }
0xd7: {  	v8 =	vsub.f32 v8, v20;
	v9 =	vadd.f32 v18, v11  }
0xd8: {  	v10 =	vadd.f32 v12, v10  }
0xd9: {  	v9 =	vadd.f32 v15, v9;
	[tilespmem:s30+$0x10] =	vst v8  }
.Ltmp0:
0xda: {  	v8 =	vadd.f32 v16, v10;
	v10 =	vmul.f32 s0, v4;
	(pc) =	sbr.rel @p1 .LBB2_4-.Ltmp0, $4  }
0xdb: {  	v11 =	vmul.f32 s0, v3;
	v9 =	vadd.f32 v13, v9  }
0xdc: {  	v10 =	vsub.f32 v8, v10  }
0xdd: {  	v8 =	vsub.f32 v9, v11  }
0xde: {  	[tilespmem:s30+$0x0] =	vst v10  }
.Ltmp1:
0xdf: {  	_ = 	snop;
	(pc) =	sbr.rel @p0 .LBB2_3-.Ltmp1, $4  }
0xe0: {  	_ = 	snop  }
0xe1: {  	s0 =	sshll.u32 s26, $0x4  }
0xe2: {  	[tilespmem:s30+$0xFFFFFFF0] =	vst v8;
	s0 =	sand.u32 $0x3FFFFFF0, s0  }
0xe3: {  	s26 =	simm.s32 $0x1;
	p1 =	por $0x0, $0x0;
	[tilespmem:v6+s0+$0x0 ss:$0x1] =	vst.idx.msk $0xffff, v7  }
0xe4: {  	s0 =	sadd.s32 s6, s24  }
0xe5: {  	s0 =	sshll.u32 s0, $0x3  }
0xe6: {  	p0 =	seq.s32 s21, $0x7;
	s0 =	sadd.s32 s5, s0  }
0xe7: {  	[hbm4b:s0+s2] =	stream.linear.scatter [tilespmem:s17], [sflag:$0x3], $0x800, $0x38;
	[tilespmem:$0x14F40] =	vst v63  }
0xe8: {  	s0 =	sadd.s32 @!p0 s24, s8  }
0xe9: {  	s0 =	smul.u32 @!p0 $0x14, s0  }
0xea: {  	_ =	swait.ge [sflag:s12], $0x800  }
0xeb: {  	[sflag:s12] =	ssyncset.done $0x0;
	s0 =	sshrl.u32 @!p0 s0, $0x3  }
0xec: {  	s1 =	simm.s32 @!p0 $0x0;
	[sflag:s12] =	ssyncadd.s32 $0xFFFFF800;
	s0 =	sadd.s32 @!p0 s3, s0  }
0xed: {  	[tilespmem:s1], [sflag:$0x3] =	stream.linear.gather @!p0 [hbm4b:s0+s1], $0x280, $0x38;
	[tilespmem:$0x14F40] =	vst v63  }
0xee: {  	s0 =	simm.s32 @!p0 $0x3  }
0xef: {  	_ =	swait.ge @!p0 [sflag:s0], $0x280  }
0xf0: {  	[sflag:s0] =	ssyncset.done @!p0 $0x0  }
0xf1: {  	s24 =	simm.s32 @!p0 $0x500;
	[sflag:s0] =	ssyncadd.s32 @!p0 $0xFFFFFD80;
	s0 =	simm.s32 @!p0 $0x280  }
0xf2: {  	[tilespmem:s24], [sflag:$0x1] =	stream.indirect.gather @!p0 [hbm4b:s4+s0], $0x40, s1, s0, $0xb8;
	[tilespmem:$0x14F40] =	vst v63  }
0xf3: {  	_ =	swait.ge [sflag:s18], $0xA000  }
0xf4: {  	s31 =	sadd.s32 $0x14D40, s23;
	[sflag:s18] =	ssyncset.done $0x0  }
0xf5: {  	s23 =	simm.s32 $0x0;
	p1 =	por $0x1, $0x1;
	v6 =	vmov s31;
	[sflag:s18] =	ssyncadd.s32 $0xFFFF6000  }
.LBB2_7:
0xf6: {  	s0 =	smul.u32 $0x14000, s23;
	_ =	sdelay $0x1  }
0xf7: {  	s0 =	sshra.s32 s0, $0x2  }
0xf8: {  	s25 =	smul.u32 $0x500, s23;
	s0 =	sor.u32 $0x500, s0  }
0xf9: {  	s1 =	sshll.u32 s23, $0xA;
	p0 =	por p1, p1;
	v8 =	vmov s0  }
0xfa: {  	s26 =	simm.s32 $0x0;
	s1 =	sand.u32 $0x3FFFFC00, s1;
	s31 =	sshra.s32 s25, $0x2  }
0xfb: {  	v7 =	vimm.f32 $0.0e+00;
	s28 =	simm.s32 $0x0;
	s24 =	sadd.s32 $0x14560, s1;
	s25 =	sadd.s32 $0x284, s31  }
.LBB2_8:
0xfc: {  	v62 =	vld [tilespmem:s25+$0xFFFFFFFC]  }
0xfd: {  	s29 =	sshra.s32 s26, $0x2;
	v63 =	vld [tilespmem:s25+$0x0]  }
0xfe: {  	v9 =	vld.idx.msk [tilespmem:v8+s29+$0xA000 ss:$0x1], $0xffff  }
0xff: {  	v10 =	vld.idx.msk [tilespmem:v8+s29+$0xA010 ss:$0x1], $0xffff  }
0x100: {  	v11 =	vld.idx.msk [tilespmem:v8+s29+$0xA020 ss:$0x1], $0xffff  }
0x101: {  	v12 =	vld.idx.msk [tilespmem:v8+s29+$0xA030 ss:$0x1], $0xffff  }
0x102: {  	v13 =	vld.idx.msk [tilespmem:v8+s29+$0xA040 ss:$0x1], $0xffff  }
0x103: {  	v14 =	vld.idx.msk [tilespmem:v8+s29+$0xA050 ss:$0x1], $0xffff  }
0x104: {  	v15 =	vld.idx.msk [tilespmem:v8+s29+$0xA060 ss:$0x1], $0xffff  }
0x105: {  	v16 =	vld.idx.msk [tilespmem:v8+s29+$0xA070 ss:$0x1], $0xffff  }
0x106: {  	v17 =	vld.idx.msk [tilespmem:v8+s29+$0xA080 ss:$0x1], $0xffff  }
0x107: {  	v18 =	vld.idx.msk [tilespmem:v8+s29+$0xA090 ss:$0x1], $0xffff  }
0x108: {  	v19 =	vld.idx.msk [tilespmem:v8+s29+$0xA0A0 ss:$0x1], $0xffff  }
0x109: {  	v20 =	vld.idx.msk [tilespmem:v8+s29+$0xA0B0 ss:$0x1], $0xffff  }
0x10a: {  	v21 =	vld.idx.msk [tilespmem:v8+s29+$0xA0C0 ss:$0x1], $0xffff  }
0x10b: {  	v22 =	vld.idx.msk [tilespmem:v8+s29+$0xA0D0 ss:$0x1], $0xffff  }
0x10c: {  	v23 =	vld.idx.msk [tilespmem:v8+s29+$0xA0E0 ss:$0x1], $0xffff  }
0x10d: {  	v24 =	vld.idx.msk [tilespmem:v8+s29+$0xA0F0 ss:$0x1], $0xffff  }
0x10e: {  	v25 =	vld.idx.msk [tilespmem:v8+s29+$0xA100 ss:$0x1], $0xffff  }
0x10f: {  	v26 =	vld.idx.msk [tilespmem:v8+s29+$0xA110 ss:$0x1], $0xffff  }
0x110: {  	v27 =	vld.idx.msk [tilespmem:v8+s29+$0xA120 ss:$0x1], $0xffff  }
0x111: {  	v28 =	vld.idx.msk [tilespmem:v8+s29+$0xA130 ss:$0x1], $0xffff  }
0x112: {  	v29 =	vld.idx.msk [tilespmem:v8+s29+$0xA140 ss:$0x1], $0xffff  }
0x113: {  	v30 =	vld.idx.msk [tilespmem:v8+s29+$0xA150 ss:$0x1], $0xffff  }
0x114: {  	v31 =	vld.idx.msk [tilespmem:v8+s29+$0xA160 ss:$0x1], $0xffff  }
0x115: {  	v32 =	vld.idx.msk [tilespmem:v8+s29+$0xA170 ss:$0x1], $0xffff  }
0x116: {  	v33 =	vld.idx.msk [tilespmem:v8+s29+$0xA180 ss:$0x1], $0xffff  }
0x117: {  	v34 =	vld.idx.msk [tilespmem:v8+s29+$0xA190 ss:$0x1], $0xffff  }
0x118: {  	v35 =	vld.idx.msk [tilespmem:v8+s29+$0xA1A0 ss:$0x1], $0xffff  }
0x119: {  	v36 =	vld.idx.msk [tilespmem:v8+s29+$0xA1B0 ss:$0x1], $0xffff  }
0x11a: {  	v37 =	vld.idx.msk [tilespmem:v8+s29+$0xA1C0 ss:$0x1], $0xffff  }
0x11b: {  	v38 =	vld.idx.msk [tilespmem:v8+s29+$0xA1D0 ss:$0x1], $0xffff  }
0x11c: {  	v39 =	vld.idx.msk [tilespmem:v8+s29+$0xA1E0 ss:$0x1], $0xffff  }
0x11d: {  	v40 =	vld.idx.msk [tilespmem:v8+s29+$0xA1F0 ss:$0x1], $0xffff  }
0x11e: {  	v41 =	vld.idx.msk [tilespmem:v8+s29+$0xA200 ss:$0x1], $0xffff  }
0x11f: {  	v42 =	vld.idx.msk [tilespmem:v8+s29+$0xA210 ss:$0x1], $0xffff  }
0x120: {  	v43 =	vld.idx.msk [tilespmem:v8+s29+$0xA220 ss:$0x1], $0xffff  }
0x121: {  	v44 =	vld.idx.msk [tilespmem:v8+s29+$0xA230 ss:$0x1], $0xffff  }
0x122: {  	v45 =	vld.idx.msk [tilespmem:v8+s29+$0xA240 ss:$0x1], $0xffff  }
0x123: {  	v46 =	vld.idx.msk [tilespmem:v8+s29+$0xA250 ss:$0x1], $0xffff  }
0x124: {  	v47 =	vld.idx.msk [tilespmem:v8+s29+$0xA260 ss:$0x1], $0xffff  }
0x125: {  	v48 =	vld.idx.msk [tilespmem:v8+s29+$0xA270 ss:$0x1], $0xffff  }
0x126: {  	v49 =	vld.idx.msk [tilespmem:v8+s29+$0xA280 ss:$0x1], $0xffff  }
0x127: {  	v50 =	vld.idx.msk [tilespmem:v8+s29+$0xA290 ss:$0x1], $0xffff  }
0x128: {  	v51 =	vld.idx.msk [tilespmem:v8+s29+$0xA2A0 ss:$0x1], $0xffff  }
0x129: {  	v52 =	vld.idx.msk [tilespmem:v8+s29+$0xA2B0 ss:$0x1], $0xffff;
	v9 =	vadd.f32 $0.0e+00, v9  }
0x12a: {  	v53 =	vld.idx.msk [tilespmem:v8+s29+$0xA2C0 ss:$0x1], $0xffff;
	v10 =	vadd.f32 $0.0e+00, v10;
	v11 =	vadd.f32 $0.0e+00, v11  }
0x12b: {  	v54 =	vld.idx.msk [tilespmem:v8+s29+$0xA2D0 ss:$0x1], $0xffff;
	v12 =	vadd.f32 $0.0e+00, v12;
	v9 =	vadd.f32 v13, v9  }
0x12c: {  	v55 =	vld.idx.msk [tilespmem:v8+s29+$0xA2E0 ss:$0x1], $0xffff;
	v10 =	vadd.f32 v14, v10;
	v11 =	vadd.f32 v15, v11  }
0x12d: {  	v56 =	vld.idx.msk [tilespmem:v8+s29+$0xA330 ss:$0x1], $0xffff;
	v12 =	vadd.f32 v16, v12;
	v9 =	vadd.f32 v17, v9  }
0x12e: {  	v58 =	vld.idx.msk [tilespmem:v8+s29+$0xA340 ss:$0x1], $0xffff;
	v10 =	vadd.f32 v18, v10;
	v11 =	vadd.f32 v19, v11  }
0x12f: {  	v59 =	vld.idx.msk [tilespmem:v8+s29+$0xA350 ss:$0x1], $0xffff;
	vm1 =	veq.s32 v62, $0x0;
	v12 =	vadd.f32 v20, v12;
	v9 =	vadd.f32 v21, v9  }
0x130: {  	v60 =	vld.idx.msk [tilespmem:v8+s29+$0xA360 ss:$0x1], $0xffff;
	v57 =	vsel vm1, $0x1, v0;
	v10 =	vadd.f32 v22, v10;
	v11 =	vadd.f32 v23, v11  }
0x131: {  	v62 =	vld.idx.msk [tilespmem:v8+s29+$0xA370 ss:$0x1], $0xffff;
	vm1 =	veq.s32 v63, $0x0;
	v12 =	vadd.f32 v24, v12;
	v9 =	vadd.f32 v25, v9  }
0x132: {  	v63 =	vld.idx.msk [tilespmem:v8+s29+$0xA380 ss:$0x1], $0xffff;
	vm1 =	vmand vm1, vm0;
	v10 =	vadd.f32 v26, v10;
	v11 =	vadd.f32 v27, v11  }
0x133: {  	v13 =	vld.idx.msk [tilespmem:v8+s29+$0xA2F0 ss:$0x1], $0xffff;
	v61 =	vsel vm1, $0x1, v0;
	v12 =	vadd.f32 v28, v12;
	v9 =	vadd.f32 v29, v9  }
0x134: {  	v16 =	vld.idx.msk [tilespmem:v8+s29+$0xA300 ss:$0x1], $0xffff;
	v19 =	vadd.s32 v57, v61;
	v10 =	vadd.f32 v30, v10;
	v11 =	vadd.f32 v31, v11  }
0x135: {  	v17 =	vld.idx.msk [tilespmem:v8+s29+$0xA310 ss:$0x1], $0xffff;
	(xrf0) =	vadd.scan.msk.s32 $0xffff, v19;
	v12 =	vadd.f32 v32, v12;
	v9 =	vadd.f32 v33, v9  }
0x136: {  	v18 =	vld.idx.msk [tilespmem:v8+s29+$0xA320 ss:$0x1], $0xffff;
	v10 =	vadd.f32 v34, v10;
	v11 =	vadd.f32 v35, v11  }
0x137: {  	v57 =	vld.idx.msk [tilespmem:v8+s29+$0xA4D0 ss:$0x1], $0xffff;
	v12 =	vadd.f32 v36, v12;
	v9 =	vadd.f32 v37, v9  }
0x138: {  	v36 =	vld.idx.msk [tilespmem:v8+s29+$0xA390 ss:$0x1], $0xffff;
	v10 =	vadd.f32 v38, v10;
	v11 =	vadd.f32 v39, v11  }
0x139: {  	v37 =	vld.idx.msk [tilespmem:v8+s29+$0xA3A0 ss:$0x1], $0xffff;
	v12 =	vadd.f32 v40, v12;
	v9 =	vadd.f32 v41, v9  }
0x13a: {  	v38 =	vld.idx.msk [tilespmem:v8+s29+$0xA3B0 ss:$0x1], $0xffff;
	v10 =	vadd.f32 v42, v10;
	v11 =	vadd.f32 v43, v11  }
0x13b: {  	v39 =	vld.idx.msk [tilespmem:v8+s29+$0xA3C0 ss:$0x1], $0xffff;
	v12 =	vadd.f32 v44, v12;
	v42, _, _ =	vpop (xrf0);
	v9 =	vadd.f32 v45, v9  }
0x13c: {  	v40 =	vld.idx.msk [tilespmem:v8+s29+$0xA3D0 ss:$0x1], $0xffff;
	(v2sf) =	vpush v42, $0xF;
	v10 =	vadd.f32 v46, v10  }
0x13d: {  	v41 =	vld.idx.msk [tilespmem:v8+s29+$0xA3E0 ss:$0x1], $0xffff;
	v11 =	vadd.f32 v47, v11;
	v9 =	vadd.f32 v49, v9  }
0x13e: {  	v43 =	vld.idx.msk [tilespmem:v8+s29+$0xA3F0 ss:$0x1], $0xffff;
	v12 =	vadd.f32 v48, v12;
	v10 =	vadd.f32 v50, v10  }
0x13f: {  	v44 =	vld.idx.msk [tilespmem:v8+s29+$0xA400 ss:$0x1], $0xffff;
	v11 =	vadd.f32 v51, v11;
	v9 =	vadd.f32 v53, v9  }
0x140: {  	v45 =	vld.idx.msk [tilespmem:v8+s29+$0xA410 ss:$0x1], $0xffff;
	v12 =	vadd.f32 v52, v12;
	v10 =	vadd.f32 v54, v10  }
0x141: {  	v46 =	vld.idx.msk [tilespmem:v8+s29+$0xA420 ss:$0x1], $0xffff;
	v11 =	vadd.f32 v55, v11;
	v9 =	vadd.f32 v16, v9  }
0x142: {  	v47 =	vld.idx.msk [tilespmem:v8+s29+$0xA430 ss:$0x1], $0xffff;
	v12 =	vadd.f32 v13, v12;
	v10 =	vadd.f32 v17, v10  }
0x143: {  	v48 =	vld.idx.msk [tilespmem:v8+s29+$0xA440 ss:$0x1], $0xffff;
	v11 =	vadd.f32 v18, v11;
	v9 =	vadd.f32 v58, v9  }
0x144: {  	v49 =	vld.idx.msk [tilespmem:v8+s29+$0xA450 ss:$0x1], $0xffff;
	v12 =	vadd.f32 v56, v12;
	v10 =	vadd.f32 v59, v10  }
0x145: {  	v50 =	vld.idx.msk [tilespmem:v8+s29+$0xA460 ss:$0x1], $0xffff;
	v11 =	vadd.f32 v60, v11;
	v9 =	vadd.f32 v63, v9  }
0x146: {  	v51 =	vld.idx.msk [tilespmem:v8+s29+$0xA470 ss:$0x1], $0xffff;
	v12 =	vadd.f32 v62, v12;
	v10 =	vadd.f32 v36, v10  }
0x147: {  	v52 =	vld.idx.msk [tilespmem:v8+s29+$0xA480 ss:$0x1], $0xffff;
	v11 =	vadd.f32 v37, v11;
	v9 =	vadd.f32 v39, v9  }
0x148: {  	v53 =	vld.idx.msk [tilespmem:v8+s29+$0xA490 ss:$0x1], $0xffff;
	v12 =	vadd.f32 v38, v12;
	v10 =	vadd.f32 v40, v10  }
0x149: {  	v54 =	vld.idx.msk [tilespmem:v8+s29+$0xA4A0 ss:$0x1], $0xffff;
	v11 =	vadd.f32 v41, v11;
	v9 =	vadd.f32 v44, v9  }
0x14a: {  	v56 =	vld.idx.msk [tilespmem:v8+s29+$0xA4C0 ss:$0x1], $0xffff;
	v12 =	vadd.f32 v43, v12;
	v10 =	vadd.f32 v45, v10  }
0x14b: {  	v55 =	vld.idx.msk [tilespmem:v8+s29+$0xA4B0 ss:$0x1], $0xffff;
	v11 =	vadd.f32 v46, v11;
	v9 =	vadd.f32 v48, v9  }
0x14c: {  	v58 =	vld.idx.msk [tilespmem:v8+s29+$0xA4E0 ss:$0x1], $0xffff;
	v12 =	vadd.f32 v47, v12;
	s0 =	spop (v2sf);
	v10 =	vadd.f32 v49, v10  }
0x14d: {  	s0 =	scvt.s32.f32 s0;
	v11 =	vadd.f32 v50, v11;
	v9 =	vadd.f32 v52, v9  }
0x14e: {  	v59 =	vld.idx.msk [tilespmem:v8+s29+$0xA4F0 ss:$0x1], $0xffff;
	v12 =	vadd.f32 v51, v12;
	v10 =	vadd.f32 v53, v10  }
0x14f: {  	v60 =	vmul.f32 s0, v2;
	v11 =	vadd.f32 v54, v11;
	v9 =	vadd.f32 v56, v9  }
0x150: {  	v61 =	vmul.f32 s0, v3;
	v12 =	vadd.f32 v55, v12;
	v10 =	vadd.f32 v57, v10  }
0x151: {  	v62 =	vmul.f32 s0, v4;
	v11 =	vadd.f32 v58, v11;
	v9 =	vsub.f32 v9, v60  }
0x152: {  	p1 =	sne.s32 s26, $0x12C00;
	v10 =	vsub.f32 v10, v61  }
.Ltmp2:
0x153: {  	v63 =	vmul.f32 s0, v5;
	v12 =	vadd.f32 v59, v12;
	[tilespmem:s24+$0xFFFFFFE0] =	vst v9;
	v9 =	vsub.f32 v11, v62;
	(pc) =	sbr.rel @p1 .LBB2_8-.Ltmp2, $4  }
0x154: {  	[tilespmem:s24+$0xFFFFFFF0] =	vst v10  }
0x155: {  	s0 =	ssub.f32 $2.000000000e+01, s0;
	v10 =	vsub.f32 v12, v63;
	[tilespmem:s24+$0x0] =	vst v9;
	v9 =	vmov s28  }
0x156: {  	s25 =	sadd.s32 $0x14, s25;
	vm1 =	veq.s32 v9, v1  }
0x157: {  	s26 =	sadd.s32 $0x1400, s26;
	[tilespmem:s24+$0x10] =	vst v10;
	s28 =	sadd.s32 $0x1, s28;
	s24 =	sadd.s32 $0x40, s24;
	v7 =	vsel vm1, s0, v7  }
.Ltmp3:
0x158: {  	_ = 	snop;
	(pc) =	sbr.rel @p0 .LBB2_7-.Ltmp3, $4  }
0x159: {  	_ = 	snop  }
0x15a: {  	s0 =	sshll.u32 s23, $0x4  }
0x15b: {  	s0 =	sand.u32 $0x3FFFFFF0, s0  }
0x15c: {  	s23 =	simm.s32 $0x1;
	p1 =	por $0x0, $0x0;
	[tilespmem:v6+s0+$0x0 ss:$0x1] =	vst.idx.msk $0xffff, v7  }
0x15d: {  	s0 =	sshll.u32 s22, $0x3;
	s21 =	sadd.s32 $0x1, s21  }
0x15e: {  	s0 =	sand.u32 $0x1FFFFF00, s0;
	p0 =	sne.s32 s21, $0x8  }
.Ltmp4:
0x15f: {  	s0 =	sadd.s32 s5, s0;
	(pc) =	sbr.rel @p0 .LBB2_2-.Ltmp4, $4  }
0x160: {  	[hbm4b:s0+s2] =	stream.linear.scatter [tilespmem:s17], [sflag:$0x3], $0x800, $0x38;
	[tilespmem:$0x14F40] =	vst v63  }
0x161: {  	_ =	swait.ge [sflag:s12], $0x800  }
0x162: {  	[sflag:s12] =	ssyncset.done $0x0  }
0x163: {  	[sflag:s12] =	ssyncadd.s32 $0xFFFFF800  }
0x164: {  	s20 =	sadd.s32 $0x1, s20  }
0x165: {  	p0 =	sne.s32 s20, s10  }
.Ltmp5:
0x166: {  	_ = 	snop;
	(pc) =	sbr.rel @p0 .LBB2_1-.Ltmp5, $4  }
0x167: {  	[hbm4b:s9+s2] =	stream.linear.scatter [tilespmem:s19], [sflag:$0x3], $0x200, $0x38;
	[tilespmem:$0x14F40] =	vst v63  }
0x168: {  	_ =	swait.ge [sflag:s12], $0x200  }
0x169: {  	[sflag:s12] =	ssyncset.done $0x0  }
0x16a: {  	[sflag:s12] =	ssyncadd.s32 $0xFFFFFE00  }
0x16b: {  	_ =	sfence.sel $0x180000  }
0x16c: {  	[bflag:$0x0] =	sbarrier.arrive $0xFFFF  }
0x16d: {  	_ =	strace $0x90000047  }
0x16e: {  	s0 =	stileid.u32;
	[bflag:$0x2] =	sbarrier.arrive $0xFFFF  }
0x16f: {  	p0 =	sne.s32 s0, $0x0;
	s0 =	rddreg [dreg:$0x1]  }
0x170: {  	s0 =	sadd.s32 @!p0 $0x100000, s0  }
0x171: {  	[sflag:s0] =	ssyncadd.tile.s32 @!p0 $0x1;
	_ =	shalt  }
.Lfunc_end2:
_tile_overlayer_lowered:
.L_overlay_start_2:
0x172: {  	(tag) =	ssettag $0x2  }
0x173: {  	s0 =	rddreg [dreg:$0x0];
	s2 =	stileid.u32  }
0x174: {  	s1 =	rddreg [dreg:$0x1];
	p0 =	sne.s32 s2, $0x0  }
0x175: {  	s3 =	rddreg [dreg:$0x2];
	[bflag:$0x3] =	sbarrier.arrive $0xFFFF;
	s2 =	simm.s32 @!p0 $0x1C03  }
0x176: {  	[timem:s3], [sflag:s2] =	dma.local @!p0 [hbm:s0], s1  }
0x177: {  	s0 =	simm.s32 @!p0 $0x3  }
0x178: {  	_ =	swait.ge @!p0 [sflag:s0], s1  }
0x179: {  	s1 =	ssub.s32 @!p0 $0x0, s1;
	[sflag:s0] =	ssyncset.done @!p0 $0x0  }
0x17a: {  	[sflag:s0] =	ssyncadd.s32 @!p0 s1  }
0x17b: {  	[bflag:$0x3] =	sbarrier.arrive $0xFFFF  }
0x17c: {  	_ =	shalt  }

// kernel: kernel.8.cloned.1.call-start
scs
__scs_entry_jumppad:
0x0: {  	(pc) =	sbr.rel $0x88, $3  }
0x1: {  	(tag) =	ssettag $0x0;
	lr =	simm.s32 $0x1  }
0x2: {  	[smem:$0x3F9C] =	sst lr;
	_ =	strace $0xD0000000  }
0x3: {  	_ = 	snop  }
0x4: {  	_ = 	snop  }
0x5: {  	_ = 	snop  }
0x6: {  	_ = 	snop  }
0x7: {  	_ = 	snop  }
__scs_overlays_trampoline_lowered:
0x8: {  	[smem:$0x3FAB] =	sst s0  }
0x9: {  	[smem:$0x3FAC] =	sst s1  }
0xa: {  	[smem:$0x3FAD] =	sst s2  }
0xb: {  	[smem:$0x3FAE] =	sst s3  }
0xc: {  	[smem:$0x3FAF] =	sst s4  }
0xd: {  	[smem:$0x3FB0] =	sst s5  }
0xe: {  	[smem:$0x3FB1] =	sst s6  }
0xf: {  	[smem:$0x3FB2] =	sst s7  }
0x10: {  	[smem:$0x3FB3] =	sst s8  }
0x11: {  	[smem:$0x3FB4] =	sst s9;
	s0 =	simm.s32 @!p0 $0x0  }
0x12: {  	s1 =	sld [smem:$0x3F9A];
	s0 =	simm.s32 @p0 $0x1  }
0x13: {  	[smem:$0x3FB5] =	sst s0;
	s0 =	simm.s32 @!p1 $0x0  }
0x14: {  	s2 =	sld [smem:$0x3F99];
	s0 =	simm.s32 @p1 $0x1  }
0x15: {  	[smem:$0x3FB6] =	sst s0;
	s0 =	simm.s32 @!p2 $0x0  }
0x16: {  	s3 =	sld [smem:$0x3FDB];
	s0 =	simm.s32 @p2 $0x1  }
0x17: {  	s4 =	simm.s32 $0x1BF5;
	[smem:$0x3FB8] =	sst s0  }
0x18: {  	s0 =	sld [smem:$0x3F9B];
	_ =	swait.ge [sflag:s4], $0x0  }
0x19: {  	s7 =	sld [smem:$0x3F9C]  }
0x1a: {  	s8 =	sadd.s32 $0xFFFFE003, lr  }
0x1b: {  	s9 =	sadd.s32 $0xFFFFFEF7, lr;
	s5 =	simm.s32 $0xFFFFFFFF;
	p2 =	slt.u32 s8, $0xFFFFF086  }
0x1c: {  	p1 =	slt.u32 s9, $0xF7A;
	s5 =	simm.s32 @!p2 $0x0  }
0x1d: {  	s5 =	simm.s32 @p1 $0x1;
	p0 =	seq.s32 s7, s2  }
0x1e: {  	s7 =	smul.u32 @!p0 $0xF7A, s2;
	p2 =	seq.s32 @!p0 s5, $0x0  }
0x1f: {  	s9 =	smul.u32 $0xF7A, s1;
	s8 =	simm.s32 @!p0 $0x1BF5;
	p2 =	por !p2, p0  }
0x20: {  	[sflag:s8] =	ssyncset.s32 @!p0 $0xFFFFF086;
	s6 =	sadd.s32 @!p0 s3, s7;
	s7 =	simm.s32 @!p0 $0x108  }
0x21: {  	s3 =	sadd.s32 s3, s9;
	s6 =	sadd.s32 @!p0 $0x88, s6;
	s7 =	simm.s32 @p2 $0x1082  }
0x22: {  	[simem:s7], [sflag:s8] =	dma.local @!p0 [hbm:s6], $0xF7A  }
0x23: {  	s9 =	sor.u32 $0xD0000000, s2;
	s6 =	simm.s32 $0x108;
	_ =	swait.ge @!p0 [sflag:s8], $0x0  }
0x24: {  	s3 =	sadd.s32 $0x88, s3;
	s6 =	simm.s32 @!p1 $0x1082;
	[sflag:s4] =	ssyncset.s32 $0xFFFFF086  }
0x25: {  	[simem:s6], [sflag:s4] =	dma.local [hbm:s3], $0xF7A  }
0x26: {  	[smem:$0x3F9C] =	sst s1;
	(tag) =	ssettag s2;
	_ =	strace s9  }
0x27: {  	s1 =	sld [smem:$0x3FAC]  }
0x28: {  	s2 =	sld [smem:$0x3FAD]  }
0x29: {  	s4 =	sld [smem:$0x3FAF]  }
0x2a: {  	p0 =	seq.s32 s5, $0x0;
	s5 =	sld [smem:$0x3FB0]  }
0x2b: {  	s6 =	sld [smem:$0x3FB1]  }
0x2c: {  	s7 =	sld [smem:$0x3FB2]  }
0x2d: {  	s3 =	simm.s32 $0x108;
	s8 =	sld [smem:$0x3FB3]  }
0x2e: {  	s3 =	simm.s32 @!p0 $0x1082;
	s9 =	sld [smem:$0x3FB4]  }
0x2f: {  	lr =	sadd.s32 s0, s3;
	s0 =	sld [smem:$0x3FAB]  }
0x30: {  	s3 =	sld [smem:$0x3FAE]  }
0x31: {  	[smem:$0x3FB7] =	sst s10  }
0x32: {  	s10 =	sld [smem:$0x3FB5];
	_ =	sdelay $0x3  }
0x33: {  	p0 =	seq.s32 s10, $0x1;
	s10 =	sld [smem:$0x3FB7];
	_ =	sdelay $0x3  }
0x34: {  	[smem:$0x3FB7] =	sst s10  }
0x35: {  	s10 =	sld [smem:$0x3FB6];
	_ =	sdelay $0x3  }
0x36: {  	p1 =	seq.s32 s10, $0x1;
	s10 =	sld [smem:$0x3FB7];
	_ =	sdelay $0x3  }
0x37: {  	[smem:$0x3FB7] =	sst s10  }
0x38: {  	s10 =	sld [smem:$0x3FB8]  }
0x39: {  	_ = 	snop;
	(pc) =	sbr.ind lr, $3  }
0x3a: {  	_ = 	snop  }
0x3b: {  	_ = 	snop  }
0x3c: {  	p2 =	seq.s32 s10, $0x1;
	s10 =	sld [smem:$0x3FB7]  }
0x3d: {  	_ =	shalt  }
0x3e: {  	_ =	shalt  }
0x3f: {  	_ =	shalt  }
0x40: {  	_ =	shalt  }
0x41: {  	_ =	shalt  }
0x42: {  	_ =	shalt  }
0x43: {  	_ =	shalt  }
0x44: {  	_ =	shalt  }
0x45: {  	_ =	shalt  }
0x46: {  	_ =	shalt  }
0x47: {  	_ =	shalt  }
0x48: {  	_ =	shalt  }
0x49: {  	_ =	shalt  }
0x4a: {  	_ =	shalt  }
0x4b: {  	_ =	shalt  }
0x4c: {  	_ =	shalt  }
0x4d: {  	_ =	shalt  }
0x4e: {  	_ =	shalt  }
0x4f: {  	_ =	shalt  }
0x50: {  	_ =	shalt  }
0x51: {  	_ =	shalt  }
0x52: {  	_ =	shalt  }
0x53: {  	_ =	shalt  }
0x54: {  	_ =	shalt  }
0x55: {  	_ =	shalt  }
0x56: {  	_ =	shalt  }
0x57: {  	_ =	shalt  }
0x58: {  	_ =	shalt  }
0x59: {  	_ =	shalt  }
0x5a: {  	_ =	shalt  }
0x5b: {  	_ =	shalt  }
0x5c: {  	_ =	shalt  }
0x5d: {  	_ =	shalt  }
0x5e: {  	_ =	shalt  }
0x5f: {  	_ =	shalt  }
0x60: {  	_ =	shalt  }
0x61: {  	_ =	shalt  }
0x62: {  	_ =	shalt  }
0x63: {  	_ =	shalt  }
0x64: {  	_ =	shalt  }
0x65: {  	_ =	shalt  }
0x66: {  	_ =	shalt  }
0x67: {  	_ =	shalt  }
0x68: {  	_ =	shalt  }
0x69: {  	_ =	shalt  }
0x6a: {  	_ =	shalt  }
0x6b: {  	_ =	shalt  }
0x6c: {  	_ =	shalt  }
0x6d: {  	_ =	shalt  }
0x6e: {  	_ =	shalt  }
0x6f: {  	_ =	shalt  }
0x70: {  	_ =	shalt  }
0x71: {  	_ =	shalt  }
0x72: {  	_ =	shalt  }
0x73: {  	_ =	shalt  }
0x74: {  	_ =	shalt  }
0x75: {  	_ =	shalt  }
0x76: {  	_ =	shalt  }
0x77: {  	_ =	shalt  }
0x78: {  	_ =	shalt  }
0x79: {  	_ =	shalt  }
0x7a: {  	_ =	shalt  }
0x7b: {  	_ =	shalt  }
0x7c: {  	_ =	shalt  }
0x7d: {  	_ =	shalt  }
0x7e: {  	_ =	shalt  }
0x7f: {  	_ =	shalt  }
0x80: {  	_ =	shalt  }
0x81: {  	_ =	shalt  }
0x82: {  	_ =	shalt  }
0x83: {  	_ =	shalt  }
0x84: {  	_ =	shalt  }
0x85: {  	_ =	shalt  }
0x86: {  	_ =	shalt  }
0x87: {  	_ =	shalt  }
.Lfunc_end0:
.L_simem_size_0:
called_computation.1_lowered:
.L_overlay_start_0:
0x88: {  	s2 =	sld [smem:$0x3FD9]  }
0x89: {  	s3 =	sld [smem:$0x3FFE];
	_ =	sdelay $0x1  }
0x8a: {  	s1 =	srdreg.scid  }
0x8b: {  	s0 =	sand.u32 $0x1, s1  }
0x8c: {  	s17 =	sshll.u32 s0, $0xA;
	s2 =	sadd.s32 s3, s2  }
0x8d: {  	s2 =	sadd.s32 s2, s17  }
0x8e: {  	[smem:$0x3FC3] =	sst s2  }
0x8f: {  	_ = 	snop  }
0x90: {  	s2 =	sld [smem:$0x3FC8];
	(tm) =	ssettm $0x1  }
0x91: {  	s18 =	sld [smem:$0x3FFB];
	_ =	sdelay $0x3  }
0x92: {  	_ =	strace s18  }
0x93: {  	s3 =	sld [smem:$0x3FFC];
	_ =	sdelay $0x3  }
0x94: {  	_ =	strace s3  }
0x95: {  	s3 =	sld [smem:$0x3FFD];
	_ =	sdelay $0x3  }
0x96: {  	_ =	strace s3  }
0x97: {  	_ =	strace $0x8FFFFFFF  }
0x98: {  	s19 =	sld [smem:$0x3FDB];
	_ =	sdelay $0x1  }
0x99: {  	s4 =	simm.s32 $_scs_section_size  }
0x9a: {  	s5 =	simm.s32 $_size__tile_overlayer_lowered;
	s6 =	simm.s32 $_tile_overlayer_lowered  }
0x9b: {  	s22 =	simm.s32 $0x1BFF;
	s21 =	sshll.u32 s6, $0x1;
	s3 =	sadd.s32 s4, s19  }
0x9c: {  	s7 =	simm.s32 $0x0;
	s20 =	sshll.u32 s5, $0x1;
	s5 =	sadd.s32 s21, s3  }
0x9d: {  	[timem:s7], [sflag:s22] =	dma.local [hbm:s5], s20  }
0x9e: {  	_ =	swait.ge [sflag:s22], s20  }
0x9f: {  	s4 =	ssub.s32 $0x0, s20;
	[sflag:s22] =	ssyncset.done $0x0  }
0xa0: {  	[sflag:s22] =	ssyncadd.s32 s4;
	_ =	sdelay $0x1  }
0xa1: {  	s23 =	simm.s32 $0x1B8B  }
0xa2: {  	_ =	swait.ge [sflag:s23], $0x1  }
0xa3: {  	[sflag:s23] =	ssyncset.done $0x0  }
0xa4: {  	s25 =	simm.s32 $0x1B8E;
	s24 =	sld [smem:$0x3FFE];
	[sflag:s23] =	ssyncadd.s32 $0xFFFFFFFF  }
0xa5: {  	s26 =	simm.s32 $execute0_lowered;
	[smem:$0x3FD2] =	sst s25  }
0xa6: {  	s5 =	sshll.u32 s26, $0x1;
	_ =	strace $0x80000049;
	[dreg:$0x1] =	wrdreg $0xFFFFFFFF  }
0xa7: {  	s28 =	simm.s32 $_size_execute0_lowered;
	s3 =	sadd.s32 s3, s5;
	[dreg:$0x0] =	wrdreg $0x0  }
0xa8: {  	s5 =	sshll.u32 s28, $0x1;
	[dreg:$0x2] =	wrdreg s3  }
0xa9: {  	[dreg:$0x3] =	wrdreg s5  }
0xaa: {  	[dreg:$0x4] =	wrdreg $0xC0  }
0xab: {  	_ =	task [dreg:s7], $0x5FFFF  }
0xac: {  	[dreg:$0x1] =	wrdreg $0xFFFFFFFF  }
0xad: {  	[dreg:$0x0] =	wrdreg $0x60  }
0xae: {  	[dreg:$0x2] =	wrdreg s24  }
0xaf: {  	[dreg:$0x3] =	wrdreg s2  }
0xb0: {  	[dreg:$0x4] =	wrdreg $0x9  }
0xb1: {  	_ =	task.clear_ibuf [dreg:s7], $0x5FFFF;
	_ =	strace $0x90000049  }
0xb2: {  	s29 =	simm.s32 $0x9;
	_ =	strace $0x8000004B  }
0xb3: {  	_ =	swait.ge [sflag:s29], $0x1  }
0xb4: {  	[sflag:s29] =	ssyncadd.s32 $0xFFFFFFFF  }
0xb5: {  	_ =	strace $0x9000004B  }
0xb6: {  	_ =	sfence  }
0xb7: {  	s30 =	sld [smem:$0x0];
	_ =	sdelay $0x2  }
0xb8: {  	s31 =	sshll.u32 s1, $0xD;
	s1 =	sshrl.u32 s1, $0x2  }
0xb9: {  	s3 =	sand.u32 $0x4000, s31;
	s1 =	sadd.s32 s1, s30  }
0xba: {  	s0 =	sor.u32 s3, s0;
	s1 =	sshll.u32 s1, $0x11  }
0xbb: {  	s0 =	sor.u32 s1, s0  }
0xbc: {  	s0 =	sadd.s32 $0x8F2B, s0  }
0xbd: {  	[sflag:s0] =	ssyncadd.remote.s32 $0x1  }
0xbe: {  	_ =	sfence.sel $0xFFFF  }
0xbf: {  	[dreg:$0x0] =	wrdreg $0xFFFFFFFF;
	(pc) =	sbr.abs _section_cstart, $3  }
0xc0: {  	[dreg:$0x1] =	wrdreg $0xFFFFFFFF  }
0xc1: {  	_ =	task.clear_ibuf [dreg:s7], $0x2FFFF;
	_ =	strace $0x9FFFFFFF  }
0xc2: {  	(tm) =	ssettm $0x7FFFFFFF  }
0xc3: {  	_ =	shalt  }
tec
execute0_lowered:
.L_overlay_start_1:
0x0: {  	(tag) =	ssettag $0x1  }
0x1: {  	s0 =	rddreg [dreg:$0x0]  }
0x2: {  	s1 =	rddreg [dreg:$0x1]  }
0x3: {  	s3 =	simm.s32 $0x0;
	s2 =	srdreg.scid;
	s4 =	stileid.u32  }
0x4: {  	s14 =	simm.s32 $0x5;
	s16 =	simm.s32 $0x20;
	s19 =	simm.s32 $0x2060  }
0x5: {  	s20 =	simm.s32 $0x840;
	s21 =	simm.s32 $0x1840;
	s22 =	simm.s32 $0x1  }
0x6: {  	s23 =	simm.s32 $0x3;
	s24 =	simm.s32 $0x2;
	s25 =	simm.s32 $0x4  }
0x7: {  	s28 =	simm.s32 $0x0;
	[smem:$0x7FF] =	sst s3;
	s2 =	sand.u32 $0x1, s2  }
0x8: {  	s5 =	sshll.u32 s4, $0xA;
	s4 =	sadd.s32 $0xCC00, s0;
	s7 =	sadd.s32 $0x2D400, s0  }
0x9: {  	_ =	strace $0x8000004A;
	s6 =	sshll.u32 s2, $0x9;
	s2 =	ssub.s32 $0x2, s2  }
0xa: {  	s5 =	sor.u32 s6, s5;
	s6 =	sadd.s32 $0x2CC00, s0;
	s9 =	sshrl.u32 s2, $0x1  }
0xb: {  	s8 =	sshrl.u32 s5, $0x3;
	s2 =	ssub.s32 s2, s9;
	s31 =	sshll.u32 s5, $0x3  }
0xc: {  	s11 =	sor.u32 $0x40, s5;
	s0 =	sadd.s32 s8, s0;
	s30 =	sadd.s32 s1, s8  }
0xd: {  	s8 =	sadd.s32 s6, s8;
	s10 =	sadd.s32 s4, s31;
	[dreg:$0x3] =	wrdreg s30  }
0xe: {  	v0 =	vlaneseq.u32;
	s13 =	smax.u32 s2, $0x1;
	[dreg:$0x4] =	wrdreg s8;
	s12 =	sadd.s32 $0x2C00, s0  }
.LBB2_1:
0xf: {  	s0 =	rddreg [dreg:$0x3]  }
0x10: {  	[tilespmem:s3], [sflag:$0x5] =	stream.linear.gather [hbm4b:s0+s3], $0x20, $0x38;
	[tilespmem:$0x2280] =	vst v63  }
0x11: {  	_ =	swait.ge [sflag:s14], $0x20  }
0x12: {  	[sflag:s14] =	ssyncset.done $0x0  }
0x13: {  	s2 =	simm.s32 $0x2040;
	s26 =	rddreg [dreg:$0x4];
	[sflag:s14] =	ssyncadd.s32 $0xFFFFFFE0  }
0x14: {  	[tilespmem:s2], [sflag:$0x5] =	stream.linear.gather [hbm4b:s26+s3], $0x20, $0x38;
	[tilespmem:$0x2280] =	vst v63  }
0x15: {  	_ =	swait.ge [sflag:s14], $0x20  }
0x16: {  	[sflag:s14] =	ssyncset.done $0x0  }
0x17: {  	s30 =	simm.s32 $0x40;
	[sflag:s14] =	ssyncadd.s32 $0xFFFFFFE0  }
0x18: {  	[tilespmem:s30], [sflag:$0x1] =	stream.indirect.gather [hbm4b:s7+s16], $0x40, s3, s16, $0xb8;
	[tilespmem:$0x2280] =	vst v63  }
0x19: {  	s31 =	simm.s32 $0x1040;
	s29 =	simm.s32 $0x0  }
0x1a: {  	[tilespmem:s31], [sflag:$0x3] =	stream.linear.gather [hbm4b:s10+s3], $0x800, $0x38;
	[tilespmem:$0x2280] =	vst v63  }
.LBB2_2:
0x1b: {  	s31 =	sshll.u32 s29, $0x6  }
0x1c: {  	s30 =	sor.u32 $0x20, s31  }
0x1d: {  	s2 =	sor.u32 s5, s30  }
0x1e: {  	s8 =	sshrl.u32 s2, $0x3  }
0x1f: {  	s0 =	simm.s32 $0x0;
	s9 =	sadd.s32 s1, s8  }
0x20: {  	[tilespmem:s16], [sflag:$0x5] =	stream.linear.gather [hbm4b:s9+s0], $0x20, $0x38;
	[tilespmem:$0x2280] =	vst v63  }
0x21: {  	_ =	swait.ge [sflag:s14], $0x20  }
0x22: {  	[sflag:s14] =	ssyncset.done $0x0  }
0x23: {  	s8 =	sadd.s32 s6, s8;
	[sflag:s14] =	ssyncadd.s32 $0xFFFFFFE0  }
0x24: {  	[tilespmem:s19], [sflag:$0x5] =	stream.linear.gather [hbm4b:s8+s0], $0x20, $0x38;
	[tilespmem:$0x2280] =	vst v63  }
0x25: {  	_ =	swait.ge [sflag:s14], $0x20  }
0x26: {  	[sflag:s14] =	ssyncset.done $0x0  }
0x27: {  	s2 =	sshll.u32 s2, $0x3;
	[sflag:s14] =	ssyncadd.s32 $0xFFFFFFE0  }
0x28: {  	[tilespmem:s20], [sflag:$0x2] =	stream.indirect.gather [hbm4b:s7+s16], $0x40, s16, s16, $0xb8;
	[tilespmem:$0x2280] =	vst v63  }
0x29: {  	s2 =	sadd.s32 s4, s2  }
0x2a: {  	[tilespmem:s21], [sflag:$0x4] =	stream.linear.gather [hbm4b:s2+s0], $0x800, $0x38;
	[tilespmem:$0x2280] =	vst v63  }
0x2b: {  	_ =	swait.ge [sflag:s22], $0x800  }
0x2c: {  	[sflag:s22] =	ssyncset.done $0x0  }
0x2d: {  	[sflag:s22] =	ssyncadd.s32 $0xFFFFF800  }
0x2e: {  	s26 =	sand.u32 $0x3FFFFFC0, s31;
	_ =	swait.ge [sflag:s23], $0x800  }
0x2f: {  	s2 =	sadd.s32 $0x2080, s26;
	[sflag:s23] =	ssyncset.done $0x0  }
0x30: {  	p1 =	por $0x1, $0x1;
	v1 =	vmov s2;
	[sflag:s23] =	ssyncadd.s32 $0xFFFFF800  }
.LBB2_3:
0x31: {  	s2 =	sshll.u32 s0, $0xA  }
0x32: {  	s2 =	sand.u32 $0x3FFFFC00, s2  }
0x33: {  	s8 =	sadd.s32 $0x1060, s2  }
0x34: {  	s2 =	sor.u32 $0x60, s2;
	v2 =	vld [tilespmem:s8+$0xFFFFFFE0]  }
0x35: {  	v3 =	vld [tilespmem:s2+$0xFFFFFFE0]  }
0x36: {  	v4 =	vld [tilespmem:s8+$0xFFFFFFF0]  }
0x37: {  	v5 =	vld [tilespmem:s2+$0xFFFFFFF0]  }
0x38: {  	v6 =	vld [tilespmem:s8+$0x0]  }
0x39: {  	v7 =	vld [tilespmem:s2+$0x0]  }
0x3a: {  	v8 =	vld [tilespmem:s8+$0x10]  }
0x3b: {  	v9 =	vld [tilespmem:s2+$0x10];
	s8 =	sadd.s32 $0x40, s8;
	v2 =	vmul.f32 v3, v2  }
0x3c: {  	s2 =	sadd.s32 $0x40, s2;
	v10 =	vld [tilespmem:s8+$0xFFFFFFE0]  }
0x3d: {  	v11 =	vld [tilespmem:s2+$0xFFFFFFE0];
	v4 =	vmul.f32 v5, v4;
	v2 =	vadd.f32 $0.0e+00, v2  }
0x3e: {  	v12 =	vld [tilespmem:s8+$0xFFFFFFF0]  }
0x3f: {  	v13 =	vld [tilespmem:s2+$0xFFFFFFF0];
	v2 =	vadd.f32 v4, v2;
	v4 =	vmul.f32 v7, v6  }
0x40: {  	v14 =	vld [tilespmem:s8+$0x0]  }
0x41: {  	v15 =	vld [tilespmem:s2+$0x0];
	v8 =	vmul.f32 v9, v8;
	v2 =	vadd.f32 v4, v2  }
0x42: {  	v3 =	vld [tilespmem:s8+$0x10];
	v10 =	vmul.f32 v11, v10  }
0x43: {  	v11 =	vld [tilespmem:s2+$0x10];
	v2 =	vadd.f32 v8, v2  }
0x44: {  	s9 =	sadd.s32 $0x40, s2;
	v12 =	vmul.f32 v13, v12;
	v10 =	vadd.f32 $0.0e+00, v10  }
0x45: {  	v63 =	vld [tilespmem:s9+$0xFFFFFFE0];
	s8 =	sadd.s32 $0x40, s8;
	(xrf2) =	vadd.scan.msk.f32 $0xffff, v2  }
0x46: {  	v5 =	vld [tilespmem:s8+$0xFFFFFFE0];
	v7 =	vmul.f32 v15, v14;
	v6 =	vadd.f32 v12, v10  }
0x47: {  	v16 =	vld [tilespmem:s8+$0xFFFFFFF0]  }
0x48: {  	v10 =	vld [tilespmem:s9+$0xFFFFFFF0];
	v9 =	vmul.f32 v11, v3;
	v7 =	vadd.f32 v7, v6  }
0x49: {  	v4 =	vld [tilespmem:s8+$0x0]  }
0x4a: {  	v6 =	vld [tilespmem:s9+$0x0];
	v11 =	vadd.f32 v9, v7  }
0x4b: {  	v3 =	vld [tilespmem:s8+$0x10];
	v8 =	vmul.f32 v63, v5  }
0x4c: {  	s15 =	simm.s32 $0x1;
	s26 =	sadd.s32 $0x40, s8;
	v5 =	vld [tilespmem:s9+$0x10];
	(xrf2) =	vadd.scan.msk.f32 $0xffff, v11  }
0x4d: {  	p0 =	por p1, p1;
	s17 =	simm.s32 $0x3;
	s8 =	sadd.s32 $0x40, s9;
	v7 =	vld [tilespmem:s26+$0xFFFFFFE0];
	v9 =	vadd.f32 $0.0e+00, v8;
	v10 =	vmul.f32 v10, v16  }
0x4e: {  	s18 =	simm.s32 $0x0;
	s2 =	simm.s32 $0x2;
	s9 =	simm.s32 $0x4;
	v2 =	vimm.f32 $0.0e+00;
	v8 =	vld [tilespmem:s8+$0xFFFFFFE0]  }
.LBB2_4:
0x4f: {  	p1 =	sne.s32 s9, $0xF;
	v11 =	vld [tilespmem:s26+$0xFFFFFFF0];
	v9 =	vadd.f32 v10, v9;
	v6 =	vmul.f32 v6, v4;
	v4, _, _ =	vpop (xrf2)  }
0x50: {  	v12 =	vmov s18;
	s18 =	smov.u32 s15;
	s15 =	smov.u32 s2;
	s2 =	smov.u32 s17;
	v10 =	vld [tilespmem:s8+$0xFFFFFFF0];
	v13 =	vbroadcast v4, $0xF  }
0x51: {  	s17 =	smov.u32 s9;
	vm0 =	veq.s32 v12, v0;
	v4 =	vld [tilespmem:s26+$0x0];
	v9 =	vadd.f32 v6, v9;
	v5 =	vmul.f32 v5, v3  }
.Ltmp0:
0x52: {  	v6 =	vld [tilespmem:s8+$0x0];
	v2 =	vsel vm0, v13, v2;
	(pc) =	sbr.rel @p1 .LBB2_4-.Ltmp0, $4  }
0x53: {  	v8 =	vmul.f32 v8, v7;
	v3 =	vld [tilespmem:s26+$0x10];
	v12 =	vadd.f32 v5, v9  }
0x54: {  	s26 =	sadd.s32 $0x40, s26;
	v5 =	vld [tilespmem:s8+$0x10]  }
0x55: {  	s8 =	sadd.s32 $0x40, s8;
	v7 =	vld [tilespmem:s26+$0xFFFFFFE0];
	v9 =	vadd.f32 $0.0e+00, v8;
	v10 =	vmul.f32 v10, v11;
	(xrf2) =	vadd.scan.msk.f32 $0xffff, v12  }
0x56: {  	s9 =	sadd.s32 $0x1, s9;
	v8 =	vld [tilespmem:s8+$0xFFFFFFE0]  }
0x57: {  	v11 =	vld [tilespmem:s26+$0xFFFFFFF0]  }
0x58: {  	v12 =	vld [tilespmem:s8+$0xFFFFFFF0]  }
0x59: {  	v13 =	vld [tilespmem:s26+$0x0]  }
0x5a: {  	v14 =	vld [tilespmem:s8+$0x0]  }
0x5b: {  	v52 =	vld [tilespmem:s26+$0x10];
	v7 =	vmul.f32 v8, v7  }
0x5c: {  	v15 =	vld [tilespmem:s8+$0x10];
	v9 =	vadd.f32 v10, v9;
	v4 =	vmul.f32 v6, v4  }
0x5d: {  	v11 =	vmul.f32 v12, v11;
	v7 =	vadd.f32 $0.0e+00, v7  }
0x5e: {  	v4 =	vadd.f32 v4, v9  }
0x5f: {  	v3 =	vmul.f32 v5, v3;
	v54 =	vmul.f32 v14, v13;
	v53 =	vadd.f32 v11, v7;
	_ =	sdelay $0x1  }
0x60: {  	v3 =	vadd.f32 v3, v4;
	v56 =	vmul.f32 v15, v52;
	v55 =	vadd.f32 v54, v53  }
0x61: {  	s0 =	sshll.u32 s0, $0x4  }
0x62: {  	(xrf2) =	vadd.scan.msk.f32 $0xffff, v3;
	v3 =	vld [tilespmem:s0+$0x2040];
	v57 =	vadd.f32 v56, v55;
	_ =	sdelay $0x1  }
0x63: {  	(xrf2) =	vadd.scan.msk.f32 $0xffff, v57;
	_ =	sdelay $0x2  }
0x64: {  	(erf) = vrcp.f32 v3;
	v3, _, _ =	vpop (xrf2)  }
0x65: {  	v3 =	vbroadcast v3, $0xF;
	_ =	sdelay $0x1  }
0x66: {  	v59 =	vmov s18  }
0x67: {  	vm0 =	veq.s32 v59, v0;
	v58, _, _ =	vpop (xrf2)  }
0x68: {  	v2 =	vsel vm0, v3, v2;
	v3, _, _ =	vpop (xrf2)  }
0x69: {  	v60 =	vmov s15;
	v4 =	vbroadcast v58, $0xF;
	v3 =	vbroadcast v3, $0xF  }
0x6a: {  	v61 =	vmov s2;
	v63 =	vmov s17;
	vm13 =	veq.s32 v60, v0;
	v62, _, _ =	vpop (xrf2)  }
0x6b: {  	vm14 =	veq.s32 v61, v0;
	v2 =	vsel vm13, v4, v2;
	v5 =	vbroadcast v62, $0xF  }
.Ltmp1:
0x6c: {  	vm15 =	veq.s32 v63, v0;
	v2 =	vsel vm14, v3, v2;
	(pc) =	sbr.rel @p0 .LBB2_3-.Ltmp1, $3  }
0x6d: {  	v3 =	vpop (erf);
	v2 =	vsel vm15, v5, v2  }
0x6e: {  	v2 =	vmul.f32 v3, v2;
	_ =	sdelay $0x1  }
0x6f: {  	p1 =	por $0x0, $0x0;
	[tilespmem:v1+s0+$0x0 ss:$0x1] =	vst.idx.msk $0xffff, v2;
	s0 =	simm.s32 $0x1  }
0x70: {  	p0 =	seq.s32 s29, $0x7  }
0x71: {  	s0 =	sadd.s32 @!p0 s31, s11  }
0x72: {  	s2 =	sshrl.u32 @!p0 s0, $0x3  }
0x73: {  	s9 =	simm.s32 @!p0 $0x0;
	s8 =	sadd.s32 @!p0 s1, s2  }
0x74: {  	[tilespmem:s9], [sflag:$0x5] =	stream.linear.gather @!p0 [hbm4b:s8+s9], $0x20, $0x38;
	[tilespmem:$0x2280] =	vst v63  }
0x75: {  	s8 =	simm.s32 @!p0 $0x5  }
0x76: {  	_ =	swait.ge @!p0 [sflag:s8], $0x20  }
0x77: {  	[sflag:s8] =	ssyncset.done @!p0 $0x0  }
0x78: {  	s15 =	simm.s32 @!p0 $0x2040;
	s2 =	sadd.s32 @!p0 s6, s2;
	[sflag:s8] =	ssyncadd.s32 @!p0 $0xFFFFFFE0  }
0x79: {  	[tilespmem:s15], [sflag:$0x5] =	stream.linear.gather @!p0 [hbm4b:s2+s9], $0x20, $0x38;
	[tilespmem:$0x2280] =	vst v63  }
0x7a: {  	_ =	swait.ge @!p0 [sflag:s8], $0x20  }
0x7b: {  	s0 =	sshll.u32 @!p0 s0, $0x3;
	[sflag:s8] =	ssyncset.done @!p0 $0x0  }
0x7c: {  	s2 =	simm.s32 @!p0 $0x20;
	[sflag:s8] =	ssyncadd.s32 @!p0 $0xFFFFFFE0;
	s8 =	simm.s32 @!p0 $0x40  }
0x7d: {  	[tilespmem:s8], [sflag:$0x1] =	stream.indirect.gather @!p0 [hbm4b:s7+s2], $0x40, s9, s2, $0xb8;
	[tilespmem:$0x2280] =	vst v63  }
0x7e: {  	s0 =	sadd.s32 @!p0 s4, s0;
	s2 =	simm.s32 @!p0 $0x1040  }
0x7f: {  	[tilespmem:s2], [sflag:$0x3] =	stream.linear.gather @!p0 [hbm4b:s0+s9], $0x800, $0x38;
	[tilespmem:$0x2280] =	vst v63  }
0x80: {  	_ =	swait.ge [sflag:s24], $0x800  }
0x81: {  	[sflag:s24] =	ssyncset.done $0x0  }
0x82: {  	[sflag:s24] =	ssyncadd.s32 $0xFFFFF800  }
0x83: {  	_ =	swait.ge [sflag:s25], $0x800  }
0x84: {  	s31 =	sadd.s32 $0x2080, s30;
	[sflag:s25] =	ssyncset.done $0x0  }
0x85: {  	p1 =	por $0x1, $0x1;
	v1 =	vmov s31;
	s0 =	simm.s32 $0x0;
	[sflag:s25] =	ssyncadd.s32 $0xFFFFF800  }
.LBB2_7:
0x86: {  	s2 =	sshll.u32 s0, $0xA  }
0x87: {  	s2 =	sand.u32 $0x3FFFFC00, s2  }
0x88: {  	s8 =	sadd.s32 $0x1870, s2  }
0x89: {  	s2 =	sadd.s32 $0x870, s2;
	v2 =	vld [tilespmem:s8+$0xFFFFFFD0]  }
0x8a: {  	v3 =	vld [tilespmem:s2+$0xFFFFFFD0]  }
0x8b: {  	v4 =	vld [tilespmem:s8+$0xFFFFFFE0]  }
0x8c: {  	v5 =	vld [tilespmem:s2+$0xFFFFFFE0]  }
0x8d: {  	v6 =	vld [tilespmem:s8+$0xFFFFFFF0]  }
0x8e: {  	v7 =	vld [tilespmem:s2+$0xFFFFFFF0]  }
0x8f: {  	v8 =	vld [tilespmem:s8+$0x0]  }
0x90: {  	v9 =	vld [tilespmem:s2+$0x0];
	s8 =	sadd.s32 $0x40, s8;
	v2 =	vmul.f32 v3, v2  }
0x91: {  	s2 =	sadd.s32 $0x40, s2;
	v10 =	vld [tilespmem:s8+$0xFFFFFFD0]  }
0x92: {  	v11 =	vld [tilespmem:s2+$0xFFFFFFD0];
	v4 =	vmul.f32 v5, v4;
	v2 =	vadd.f32 $0.0e+00, v2  }
0x93: {  	v12 =	vld [tilespmem:s8+$0xFFFFFFE0]  }
0x94: {  	v13 =	vld [tilespmem:s2+$0xFFFFFFE0];
	v2 =	vadd.f32 v4, v2;
	v4 =	vmul.f32 v7, v6  }
0x95: {  	v14 =	vld [tilespmem:s8+$0xFFFFFFF0]  }
0x96: {  	v15 =	vld [tilespmem:s2+$0xFFFFFFF0];
	v8 =	vmul.f32 v9, v8;
	v2 =	vadd.f32 v4, v2  }
0x97: {  	v3 =	vld [tilespmem:s8+$0x0];
	v10 =	vmul.f32 v11, v10  }
0x98: {  	v11 =	vld [tilespmem:s2+$0x0];
	v2 =	vadd.f32 v8, v2  }
0x99: {  	s9 =	sadd.s32 $0x40, s2;
	v12 =	vmul.f32 v13, v12;
	v10 =	vadd.f32 $0.0e+00, v10  }
0x9a: {  	v63 =	vld [tilespmem:s9+$0xFFFFFFD0];
	s8 =	sadd.s32 $0x40, s8;
	(xrf2) =	vadd.scan.msk.f32 $0xffff, v2  }
0x9b: {  	v5 =	vld [tilespmem:s8+$0xFFFFFFD0];
	v7 =	vmul.f32 v15, v14;
	v6 =	vadd.f32 v12, v10  }
0x9c: {  	v16 =	vld [tilespmem:s8+$0xFFFFFFE0]  }
0x9d: {  	v10 =	vld [tilespmem:s9+$0xFFFFFFE0];
	v9 =	vmul.f32 v11, v3;
	v7 =	vadd.f32 v7, v6  }
0x9e: {  	v4 =	vld [tilespmem:s8+$0xFFFFFFF0]  }
0x9f: {  	v6 =	vld [tilespmem:s9+$0xFFFFFFF0];
	v11 =	vadd.f32 v9, v7  }
0xa0: {  	v3 =	vld [tilespmem:s8+$0x0];
	v8 =	vmul.f32 v63, v5  }
0xa1: {  	s15 =	simm.s32 $0x1;
	s26 =	sadd.s32 $0x40, s8;
	v5 =	vld [tilespmem:s9+$0x0];
	(xrf2) =	vadd.scan.msk.f32 $0xffff, v11  }
0xa2: {  	p0 =	por p1, p1;
	s17 =	simm.s32 $0x3;
	s8 =	sadd.s32 $0x40, s9;
	v7 =	vld [tilespmem:s26+$0xFFFFFFD0];
	v9 =	vadd.f32 $0.0e+00, v8;
	v10 =	vmul.f32 v10, v16  }
0xa3: {  	s18 =	simm.s32 $0x0;
	s2 =	simm.s32 $0x2;
	s9 =	simm.s32 $0x4;
	v2 =	vimm.f32 $0.0e+00;
	v8 =	vld [tilespmem:s8+$0xFFFFFFD0]  }
.LBB2_8:
0xa4: {  	p1 =	sne.s32 s9, $0xF;
	v11 =	vld [tilespmem:s26+$0xFFFFFFE0];
	v9 =	vadd.f32 v10, v9;
	v6 =	vmul.f32 v6, v4;
	v4, _, _ =	vpop (xrf2)  }
0xa5: {  	v12 =	vmov s18;
	s18 =	smov.u32 s15;
	s15 =	smov.u32 s2;
	s2 =	smov.u32 s17;
	v10 =	vld [tilespmem:s8+$0xFFFFFFE0];
	v13 =	vbroadcast v4, $0xF  }
0xa6: {  	s17 =	smov.u32 s9;
	vm0 =	veq.s32 v12, v0;
	v4 =	vld [tilespmem:s26+$0xFFFFFFF0];
	v9 =	vadd.f32 v6, v9;
	v5 =	vmul.f32 v5, v3  }
.Ltmp2:
0xa7: {  	v6 =	vld [tilespmem:s8+$0xFFFFFFF0];
	v2 =	vsel vm0, v13, v2;
	(pc) =	sbr.rel @p1 .LBB2_8-.Ltmp2, $4  }
0xa8: {  	v8 =	vmul.f32 v8, v7;
	v3 =	vld [tilespmem:s26+$0x0];
	v12 =	vadd.f32 v5, v9  }
0xa9: {  	s26 =	sadd.s32 $0x40, s26;
	v5 =	vld [tilespmem:s8+$0x0]  }
0xaa: {  	s8 =	sadd.s32 $0x40, s8;
	v7 =	vld [tilespmem:s26+$0xFFFFFFD0];
	v9 =	vadd.f32 $0.0e+00, v8;
	v10 =	vmul.f32 v10, v11;
	(xrf2) =	vadd.scan.msk.f32 $0xffff, v12  }
0xab: {  	s9 =	sadd.s32 $0x1, s9;
	v8 =	vld [tilespmem:s8+$0xFFFFFFD0]  }
0xac: {  	v11 =	vld [tilespmem:s26+$0xFFFFFFE0]  }
0xad: {  	v12 =	vld [tilespmem:s8+$0xFFFFFFE0]  }
0xae: {  	v13 =	vld [tilespmem:s26+$0xFFFFFFF0]  }
0xaf: {  	v14 =	vld [tilespmem:s8+$0xFFFFFFF0]  }
0xb0: {  	v52 =	vld [tilespmem:s26+$0x0];
	v7 =	vmul.f32 v8, v7  }
0xb1: {  	v15 =	vld [tilespmem:s8+$0x0];
	v9 =	vadd.f32 v10, v9;
	v4 =	vmul.f32 v6, v4  }
0xb2: {  	v11 =	vmul.f32 v12, v11;
	v7 =	vadd.f32 $0.0e+00, v7  }
0xb3: {  	v4 =	vadd.f32 v4, v9  }
0xb4: {  	v3 =	vmul.f32 v5, v3;
	v54 =	vmul.f32 v14, v13;
	v53 =	vadd.f32 v11, v7;
	_ =	sdelay $0x1  }
0xb5: {  	v3 =	vadd.f32 v3, v4;
	v56 =	vmul.f32 v15, v52;
	v55 =	vadd.f32 v54, v53  }
0xb6: {  	s0 =	sshll.u32 s0, $0x4  }
0xb7: {  	(xrf2) =	vadd.scan.msk.f32 $0xffff, v3;
	v3 =	vld [tilespmem:s0+$0x2060];
	v57 =	vadd.f32 v56, v55;
	_ =	sdelay $0x1  }
0xb8: {  	(xrf2) =	vadd.scan.msk.f32 $0xffff, v57;
	_ =	sdelay $0x2  }
0xb9: {  	(erf) = vrcp.f32 v3;
	v3, _, _ =	vpop (xrf2)  }
0xba: {  	v3 =	vbroadcast v3, $0xF;
	_ =	sdelay $0x1  }
0xbb: {  	v59 =	vmov s18  }
0xbc: {  	vm0 =	veq.s32 v59, v0;
	v58, _, _ =	vpop (xrf2)  }
0xbd: {  	v2 =	vsel vm0, v3, v2;
	v3, _, _ =	vpop (xrf2)  }
0xbe: {  	v60 =	vmov s15;
	v4 =	vbroadcast v58, $0xF;
	v3 =	vbroadcast v3, $0xF  }
0xbf: {  	v61 =	vmov s2;
	v63 =	vmov s17;
	vm13 =	veq.s32 v60, v0;
	v62, _, _ =	vpop (xrf2)  }
0xc0: {  	vm14 =	veq.s32 v61, v0;
	v2 =	vsel vm13, v4, v2;
	v5 =	vbroadcast v62, $0xF  }
.Ltmp3:
0xc1: {  	vm15 =	veq.s32 v63, v0;
	v2 =	vsel vm14, v3, v2;
	(pc) =	sbr.rel @p0 .LBB2_7-.Ltmp3, $3  }
0xc2: {  	v3 =	vpop (erf);
	v2 =	vsel vm15, v5, v2  }
0xc3: {  	v2 =	vmul.f32 v3, v2;
	_ =	sdelay $0x1  }
0xc4: {  	p1 =	por $0x0, $0x0;
	[tilespmem:v1+s0+$0x0 ss:$0x1] =	vst.idx.msk $0xffff, v2;
	s0 =	simm.s32 $0x1  }
0xc5: {  	s29 =	sadd.s32 $0x1, s29  }
0xc6: {  	p0 =	sne.s32 s29, $0x8  }
.Ltmp4:
0xc7: {  	_ = 	snop;
	(pc) =	sbr.rel @p0 .LBB2_2-.Ltmp4, $1  }
0xc8: {  	_ =	sdelay $0x3  }
0xc9: {  	s28 =	sadd.s32 $0x1, s28  }
0xca: {  	p0 =	sne.s32 s28, s13  }
.Ltmp5:
0xcb: {  	s0 =	simm.s32 $0x2080;
	(pc) =	sbr.rel @p0 .LBB2_1-.Ltmp5, $4  }
0xcc: {  	[hbm4b:s12+s3] =	stream.linear.scatter [tilespmem:s0], [sflag:$0x5], $0x200, $0x38;
	[tilespmem:$0x2280] =	vst v63  }
0xcd: {  	_ =	swait.ge [sflag:s14], $0x200  }
0xce: {  	[sflag:s14] =	ssyncset.done $0x0  }
0xcf: {  	[sflag:s14] =	ssyncadd.s32 $0xFFFFFE00  }
0xd0: {  	_ =	sfence.sel $0x180000  }
0xd1: {  	[bflag:$0x0] =	sbarrier.arrive $0xFFFF  }
0xd2: {  	_ =	strace $0x9000004A  }
0xd3: {  	s0 =	stileid.u32;
	[bflag:$0x2] =	sbarrier.arrive $0xFFFF  }
0xd4: {  	p0 =	sne.s32 s0, $0x0;
	s0 =	rddreg [dreg:$0x2]  }
0xd5: {  	s0 =	sadd.s32 @!p0 $0x100000, s0  }
0xd6: {  	[sflag:s0] =	ssyncadd.tile.s32 @!p0 $0x1;
	_ =	shalt  }
.Lfunc_end2:
_tile_overlayer_lowered:
.L_overlay_start_2:
0xd7: {  	(tag) =	ssettag $0x2  }
0xd8: {  	s0 =	rddreg [dreg:$0x0];
	s2 =	stileid.u32  }
0xd9: {  	s1 =	rddreg [dreg:$0x1];
	p0 =	sne.s32 s2, $0x0  }
0xda: {  	s3 =	rddreg [dreg:$0x2];
	[bflag:$0x3] =	sbarrier.arrive $0xFFFF;
	s2 =	simm.s32 @!p0 $0x1C05  }
0xdb: {  	[timem:s3], [sflag:s2] =	dma.local @!p0 [hbm:s0], s1  }
0xdc: {  	s0 =	simm.s32 @!p0 $0x5  }
0xdd: {  	_ =	swait.ge @!p0 [sflag:s0], s1  }
0xde: {  	s1 =	ssub.s32 @!p0 $0x0, s1;
	[sflag:s0] =	ssyncset.done @!p0 $0x0  }
0xdf: {  	[sflag:s0] =	ssyncadd.s32 @!p0 s1  }
0xe0: {  	[bflag:$0x3] =	sbarrier.arrive $0xFFFF  }
0xe1: {  	_ =	shalt  }

</sc_bundles>
